<compile_context>
chip_gen: v7x
topology: tpu7x:2x2x1
jax: 0.10.2.dev20260603
libtpu: 0.0.44.dev20260713+nightly
codegen_flags: <defaults>
</compile_context>

<pallas_src>
import functools

import jax
import jax.numpy as jnp
from jax import lax
from jax.experimental import pallas as pl
from jax.experimental.pallas import tpu as pltpu
from jax.experimental.pallas import tpu_sc as plsc

X_SIZE = 128
HIDDEN = 128
BATCH = 16384
SEQ = 20
EPS = 1e-12

B_TOKENS = BATCH * SEQ
NUM_CORES = 2
NUM_SUBCORES = 16
NW = NUM_CORES * NUM_SUBCORES
CHUNK = 128
K_SLICES = 2
B_SLICE = B_TOKENS // K_SLICES
B_PER_W = B_SLICE // NW
N_CHUNKS = B_PER_W // CHUNK


def _emb_sum_sc(wl_ids, pos_ids, hop_ids, wl_table, pos_table, hop_table,
                slice_idx):
    mesh = plsc.VectorSubcoreMesh(core_axis_name="c", subcore_axis_name="s")
    fbuf = pltpu.VMEM((CHUNK, HIDDEN), jnp.float32)
    ibuf = pltpu.VMEM((N_CHUNKS, CHUNK), jnp.int32)

    @functools.partial(
        pl.kernel,
        mesh=mesh,
        out_type=jax.ShapeDtypeStruct((B_SLICE, HIDDEN), jnp.float32),
        scratch_types=[ibuf, ibuf, ibuf,
                       fbuf, fbuf, fbuf, fbuf, fbuf, fbuf,
                       pltpu.SemaphoreType.DMA, pltpu.SemaphoreType.DMA,
                       pltpu.SemaphoreType.DMA, pltpu.SemaphoreType.DMA],
    )
    def k(wl_ids_h, pos_ids_h, hop_ids_h, wl_t, pos_t, hop_t, out_h,
          ids_wl, ids_pos, ids_hop, a0, b0, c0, a1, b1, c1, g0, g1, o0, o1):
        wid = lax.axis_index("s") * NUM_CORES + lax.axis_index("c")
        pltpu.sync_copy(wl_ids_h.at[slice_idx].at[wid], ids_wl)
        pltpu.sync_copy(pos_ids_h.at[slice_idx].at[wid], ids_pos)
        pltpu.sync_copy(hop_ids_h.at[slice_idx].at[wid], ids_hop)

        tabs = (wl_t, pos_t, hop_t)
        idss = (ids_wl, ids_pos, ids_hop)
        sets = ((a0, b0, c0, g0, o0), (a1, b1, c1, g1, o1))

        def issue_gathers(ci, s):
            for t in range(3):
                pltpu.async_copy(tabs[t].at[idss[t].at[ci]], s[t], s[3])

        def wait_gathers(s):
            for t in range(3):
                pltpu.make_async_copy(tabs[t].at[pl.ds(0, CHUNK)], s[t], s[3]).wait()

        def wait_out(s):
            pltpu.make_async_copy(s[0], out_h.at[pl.ds(0, CHUNK)], s[4]).wait()

        def accumulate(s):
            def row_body(r, acc):
                for g in range(HIDDEN // 16):
                    sl = pl.ds(g * 16, 16)
                    plsc.addupdate(s[0].at[r, sl], s[1][r, sl] + s[2][r, sl])
                return acc
            lax.fori_loop(0, CHUNK, row_body, 0, unroll=2)

        issue_gathers(0, sets[0])
        issue_gathers(1, sets[1])

        def step_body(si, acc):
            for bi in range(2):
                ci = si * 2 + bi
                cur = sets[bi]
                other = sets[1 - bi]
                wait_gathers(cur)

                @pl.when(ci >= 1)
                def _():
                    wait_out(other)

                @pl.when(jnp.logical_and(ci >= 1, ci + 1 < N_CHUNKS))
                def _():
                    issue_gathers(ci + 1, other)

                accumulate(cur)
                base = wid * B_PER_W + ci * CHUNK
                pltpu.async_copy(cur[0], out_h.at[pl.ds(base, CHUNK)], cur[4])
            return acc

        lax.fori_loop(0, N_CHUNKS // 2, step_body, 0)
        wait_out(sets[1])

    return k(wl_ids, pos_ids, hop_ids, wl_table, pos_table, hop_table)


def _fused_proj_ln_body(raw_ref, emb_ref, w_ref, b_ref, g_ref, beta_ref, out_ref):
    x = jnp.dot(raw_ref[...], w_ref[...],
                preferred_element_type=jnp.float32)
    x = x + b_ref[...] + emb_ref[...]
    mean = jnp.mean(x, axis=1, keepdims=True)
    xc = x - mean
    var = jnp.mean(xc * xc, axis=1, keepdims=True)
    xhat = xc * lax.rsqrt(var + EPS)
    out_ref[...] = xhat * g_ref[...] + beta_ref[...]


def _proj_add_ln_tc(raw2d, emb, W, b, gamma, beta, out_buf, slice_idx):
    R = 8192
    nblk = B_SLICE // R
    off = slice_idx * nblk
    row_specs = [
        pl.BlockSpec((R, X_SIZE), lambda i: (i + off, 0)),
        pl.BlockSpec((R, HIDDEN), lambda i: (i, 0)),
        pl.BlockSpec((X_SIZE, HIDDEN), lambda i: (0, 0)),
        pl.BlockSpec((1, HIDDEN), lambda i: (0, 0)),
        pl.BlockSpec((1, HIDDEN), lambda i: (0, 0)),
        pl.BlockSpec((1, HIDDEN), lambda i: (0, 0)),
    ]
    out_spec = pl.BlockSpec((R, HIDDEN), lambda i: (i + off, 0))
    out_shape = jax.ShapeDtypeStruct((B_TOKENS, HIDDEN), jnp.float32)
    if out_buf is None:
        return pl.pallas_call(
            _fused_proj_ln_body,
            grid=(nblk,),
            in_specs=row_specs,
            out_specs=out_spec,
            out_shape=out_shape,
        )(raw2d, emb, W, b, gamma, beta)

    def body(_, raw_ref, emb_ref, w_ref, b_ref, g_ref, beta_ref, out_ref):
        _fused_proj_ln_body(raw_ref, emb_ref, w_ref, b_ref, g_ref, beta_ref,
                            out_ref)

    return pl.pallas_call(
        body,
        grid=(nblk,),
        in_specs=[pl.BlockSpec(memory_space=pl.ANY)] + row_specs,
        out_specs=out_spec,
        out_shape=out_shape,
        input_output_aliases={0: 0},
    )(out_buf, raw2d, emb, W, b, gamma, beta)


def kernel(raw_features, wl_role_ids, init_pos_ids, hop_dis_ids, W, b,
           wl_table, pos_table, hop_table, gamma, beta):
    ids_shape = (K_SLICES, NW, N_CHUNKS, CHUNK)
    wl_f = wl_role_ids.astype(jnp.int32).T.reshape(ids_shape)
    pos_f = init_pos_ids.astype(jnp.int32).T.reshape(ids_shape)
    hop_f = hop_dis_ids.astype(jnp.int32).T.reshape(ids_shape)
    raw2d = raw_features.transpose(1, 0, 2).reshape(B_TOKENS, X_SIZE)
    b2 = b.reshape(1, HIDDEN)
    g2 = gamma.reshape(1, HIDDEN)
    be2 = beta.reshape(1, HIDDEN)
    out = None
    for k in range(K_SLICES):
        emb_k = _emb_sum_sc(wl_f, pos_f, hop_f,
                            wl_table, pos_table, hop_table, k)
        out = _proj_add_ln_tc(raw2d, emb_k, W, b2, g2, be2, out, k)
    return out.reshape(SEQ, BATCH, HIDDEN).transpose(1, 0, 2)

# --- scband reference (transcript-rebuilt; emitter-appended) ---
"""Pipeline reference for scband-bert-embeddings-16655883174565 (READ-ONLY COPY).

The authoritative reference and input builder live on the scoring server;
editing this copy changes nothing except your own understanding.
"""

import jax, jax.numpy as jnp
import numpy as np

X_SIZE = 128
HIDDEN = 128
VOCAB_WL = 100000
VOCAB_POS = 100000
VOCAB_HOP = 100000
BATCH = 16384
SEQ = 20
EPS = 1e-12


def setup_inputs(seed: int = 0) -> dict:
    key = jax.random.key(seed)
    ks = jax.random.split(key, 12)
    raw_features = jax.random.normal(ks[0], (BATCH, SEQ, X_SIZE), dtype=jnp.float32)
    wl_role_ids = jax.random.randint(ks[1], (BATCH, SEQ), 0, VOCAB_WL, dtype=jnp.int64) if jax.config.jax_enable_x64 else jax.random.randint(ks[1], (BATCH, SEQ), 0, VOCAB_WL).astype(jnp.int32)
    init_pos_ids = jax.random.randint(ks[2], (BATCH, SEQ), 0, VOCAB_POS).astype(jnp.int32)
    hop_dis_ids = jax.random.randint(ks[3], (BATCH, SEQ), 0, VOCAB_HOP).astype(jnp.int32)
    W = jax.random.normal(ks[4], (X_SIZE, HIDDEN), dtype=jnp.float32) * (1.0 / np.sqrt(X_SIZE))
    b = jnp.zeros((HIDDEN,), dtype=jnp.float32)
    wl_table = jax.random.normal(ks[5], (VOCAB_WL, HIDDEN), dtype=jnp.float32) * 0.02
    pos_table = jax.random.normal(ks[6], (VOCAB_POS, HIDDEN), dtype=jnp.float32) * 0.02
    hop_table = jax.random.normal(ks[7], (VOCAB_HOP, HIDDEN), dtype=jnp.float32) * 0.02
    gamma = jnp.ones((HIDDEN,), dtype=jnp.float32)
    beta = jnp.zeros((HIDDEN,), dtype=jnp.float32)
    return {
        "raw_features": raw_features,
        "wl_role_ids": wl_role_ids,
        "init_pos_ids": init_pos_ids,
        "hop_dis_ids": hop_dis_ids,
        "W": W,
        "b": b,
        "wl_table": wl_table,
        "pos_table": pos_table,
        "hop_table": hop_table,
        "gamma": gamma,
        "beta": beta,
    }


def _layer_norm(x, gamma, beta, eps=EPS):
    mean = jnp.mean(x, axis=-1, keepdims=True)
    var = jnp.mean(jnp.square(x - mean), axis=-1, keepdims=True)
    xhat = (x - mean) / jnp.sqrt(var + eps)
    return xhat * gamma + beta


def reference(raw_features, wl_role_ids, init_pos_ids, hop_dis_ids, W, b, wl_table, pos_table, hop_table, gamma, beta):
    raw_feature_embeds = jnp.dot(raw_features, W) + b
    role_embeddings = jnp.take(wl_table, wl_role_ids, axis=0)
    position_embeddings = jnp.take(pos_table, init_pos_ids, axis=0)
    hop_embeddings = jnp.take(hop_table, hop_dis_ids, axis=0)
    embeddings = raw_feature_embeds + role_embeddings + position_embeddings + hop_embeddings
    embeddings = _layer_norm(embeddings, gamma, beta)
    # dropout is identity in eval mode
    return embeddings

if __name__ == "__main__":
    import jax
    _d = setup_inputs()
    print(jax.jit(kernel)(*tuple(_d.values())))

</pallas_src>

<mosaic_0001>
#map = affine_map<(d0, d1) -> (0, 0, 0, 0)>
#map1 = affine_map<(d0, d1) -> (0, 0)>
module attributes {stable_mosaic.version = 14 : i64} {
  func.func @k(%arg0: i32, %arg1: i32, %arg2: memref<2x32x40x128xi32, #tpu.memory_space<hbm>>, %arg3: memref<2x32x40x128xi32, #tpu.memory_space<hbm>>, %arg4: memref<2x32x40x128xi32, #tpu.memory_space<hbm>>, %arg5: memref<100000x128xf32, #tpu.memory_space<hbm>>, %arg6: memref<100000x128xf32, #tpu.memory_space<hbm>>, %arg7: memref<100000x128xf32, #tpu.memory_space<hbm>>, %arg8: memref<163840x128xf32, #tpu.memory_space<hbm>>, %arg9: memref<40x128xi32, #tpu.memory_space<vmem>>, %arg10: memref<40x128xi32, #tpu.memory_space<vmem>>, %arg11: memref<40x128xi32, #tpu.memory_space<vmem>>, %arg12: memref<128x128xf32, #tpu.memory_space<vmem>>, %arg13: memref<128x128xf32, #tpu.memory_space<vmem>>, %arg14: memref<128x128xf32, #tpu.memory_space<vmem>>, %arg15: memref<128x128xf32, #tpu.memory_space<vmem>>, %arg16: memref<128x128xf32, #tpu.memory_space<vmem>>, %arg17: memref<128x128xf32, #tpu.memory_space<vmem>>, %arg18: memref<!tpu.dma_semaphore, #tpu.memory_space<semaphore_mem>>, %arg19: memref<!tpu.dma_semaphore, #tpu.memory_space<semaphore_mem>>, %arg20: memref<!tpu.dma_semaphore, #tpu.memory_space<semaphore_mem>>, %arg21: memref<!tpu.dma_semaphore, #tpu.memory_space<semaphore_mem>>) attributes {dimension_semantics = [#tpu.dimension_semantics<core_parallel>, #tpu.dimension_semantics<subcore_parallel>], iteration_bounds = array<i64: 2, 16>, scalar_prefetch = 0 : i64, scratch_operands = 13 : i64, tpu.core_type = #tpu.core_type<sc_vector_subcore>, window_params = [{transform_indices = #map}, {transform_indices = #map}, {transform_indices = #map}, {transform_indices = #map1}, {transform_indices = #map1}, {transform_indices = #map1}, {transform_indices = #map1}]} {
    %mul3A = arith.constant 2 : i32
    %mul3A_0 = arith.muli %arg1, %mul3A : i32
    %add3A = arith.addi %mul3A_0, %arg0 : i32
    %run_scoped3A = arith.constant 0 : i32
    "tpu.region"() ({
      %run_scoped3A_54 = tpu.sem_alloc : memref<!tpu.dma_semaphore, #tpu.memory_space<semaphore_mem>>
      %dma_start3A_55 = arith.constant 0 : i32
      %dma_start3A_56 = arith.constant 0 : i32
      %dma_start3A_57 = arith.constant 0 : i32
      %dma_start3A_58 = tpu.memref_slice %arg2[%run_scoped3A, %dma_start3A_55, %dma_start3A_56, %dma_start3A_57] : memref<2x32x40x128xi32, #tpu.memory_space<hbm>> -> memref<1x32x40x128xi32, #tpu.memory_space<hbm>>
      %dma_start3A_59 = tpu.memref_squeeze %dma_start3A_58 : memref<1x32x40x128xi32, #tpu.memory_space<hbm>> -> memref<32x40x128xi32, #tpu.memory_space<hbm>>
      %dma_start3A_60 = arith.constant 0 : i32
      %dma_start3A_61 = arith.constant 0 : i32
      %dma_start3A_62 = tpu.memref_slice %dma_start3A_59[%add3A, %dma_start3A_60, %dma_start3A_61] : memref<32x40x128xi32, #tpu.memory_space<hbm>> -> memref<1x40x128xi32, #tpu.memory_space<hbm>>
      %dma_start3A_63 = tpu.memref_squeeze %dma_start3A_62 : memref<1x40x128xi32, #tpu.memory_space<hbm>> -> memref<40x128xi32, #tpu.memory_space<hbm>>
      %dma_start3A_64 = arith.constant 0 : i32
      %dma_start3A_65 = arith.constant 0 : i32
      %dma_start3A_66 = arith.constant 0 : i32
      %dma_start3A_67 = tpu.memref_slice %arg2[%run_scoped3A, %dma_start3A_64, %dma_start3A_65, %dma_start3A_66] : memref<2x32x40x128xi32, #tpu.memory_space<hbm>> -> memref<1x32x40x128xi32, #tpu.memory_space<hbm>>
      %dma_start3A_68 = tpu.memref_squeeze %dma_start3A_67 : memref<1x32x40x128xi32, #tpu.memory_space<hbm>> -> memref<32x40x128xi32, #tpu.memory_space<hbm>>
      %dma_start3A_69 = arith.constant 0 : i32
      %dma_start3A_70 = arith.constant 0 : i32
      %dma_start3A_71 = tpu.memref_slice %dma_start3A_68[%add3A, %dma_start3A_69, %dma_start3A_70] : memref<32x40x128xi32, #tpu.memory_space<hbm>> -> memref<1x40x128xi32, #tpu.memory_space<hbm>>
      %dma_start3A_72 = tpu.memref_squeeze %dma_start3A_71 : memref<1x40x128xi32, #tpu.memory_space<hbm>> -> memref<40x128xi32, #tpu.memory_space<hbm>>
      tpu.enqueue_dma source(%dma_start3A_72 : memref<40x128xi32, #tpu.memory_space<hbm>>) target(%arg9 : memref<40x128xi32, #tpu.memory_space<vmem>>) target_semaphore(%run_scoped3A_54 : memref<!tpu.dma_semaphore, #tpu.memory_space<semaphore_mem>>)
      %dma_wait3A_73 = arith.constant 0 : i32
      %dma_wait3A_74 = arith.constant 0 : i32
      %dma_wait3A_75 = arith.constant 0 : i32
      %dma_wait3A_76 = tpu.memref_slice %arg2[%run_scoped3A, %dma_wait3A_73, %dma_wait3A_74, %dma_wait3A_75] : memref<2x32x40x128xi32, #tpu.memory_space<hbm>> -> memref<1x32x40x128xi32, #tpu.memory_space<hbm>>
      %dma_wait3A_77 = tpu.memref_squeeze %dma_wait3A_76 : memref<1x32x40x128xi32, #tpu.memory_space<hbm>> -> memref<32x40x128xi32, #tpu.memory_space<hbm>>
      %dma_wait3A_78 = arith.constant 0 : i32
      %dma_wait3A_79 = arith.constant 0 : i32
      %dma_wait3A_80 = tpu.memref_slice %dma_wait3A_77[%add3A, %dma_wait3A_78, %dma_wait3A_79] : memref<32x40x128xi32, #tpu.memory_space<hbm>> -> memref<1x40x128xi32, #tpu.memory_space<hbm>>
      %dma_wait3A_81 = tpu.memref_squeeze %dma_wait3A_80 : memref<1x40x128xi32, #tpu.memory_space<hbm>> -> memref<40x128xi32, #tpu.memory_space<hbm>>
      %dma_wait3A_82 = arith.constant 0 : i32
      %dma_wait3A_83 = arith.constant 0 : i32
      %dma_wait3A_84 = arith.constant 0 : i32
      %dma_wait3A_85 = tpu.memref_slice %arg2[%run_scoped3A, %dma_wait3A_82, %dma_wait3A_83, %dma_wait3A_84] : memref<2x32x40x128xi32, #tpu.memory_space<hbm>> -> memref<1x32x40x128xi32, #tpu.memory_space<hbm>>
      %dma_wait3A_86 = tpu.memref_squeeze %dma_wait3A_85 : memref<1x32x40x128xi32, #tpu.memory_space<hbm>> -> memref<32x40x128xi32, #tpu.memory_space<hbm>>
      %dma_wait3A_87 = arith.constant 0 : i32
      %dma_wait3A_88 = arith.constant 0 : i32
      %dma_wait3A_89 = tpu.memref_slice %dma_wait3A_86[%add3A, %dma_wait3A_87, %dma_wait3A_88] : memref<32x40x128xi32, #tpu.memory_space<hbm>> -> memref<1x40x128xi32, #tpu.memory_space<hbm>>
      %dma_wait3A_90 = tpu.memref_squeeze %dma_wait3A_89 : memref<1x40x128xi32, #tpu.memory_space<hbm>> -> memref<40x128xi32, #tpu.memory_space<hbm>>
      tpu.wait_dma2 semaphore(%run_scoped3A_54 : memref<!tpu.dma_semaphore, #tpu.memory_space<semaphore_mem>>) src(%dma_wait3A_90 : memref<40x128xi32, #tpu.memory_space<hbm>>) dst(%arg9 : memref<40x128xi32, #tpu.memory_space<vmem>>)
      tpu.yield
    }) : () -> ()
    %run_scoped3A_1 = arith.constant 0 : i32
    "tpu.region"() ({
      %run_scoped3A_54 = tpu.sem_alloc : memref<!tpu.dma_semaphore, #tpu.memory_space<semaphore_mem>>
      %dma_start3A_55 = arith.constant 0 : i32
      %dma_start3A_56 = arith.constant 0 : i32
      %dma_start3A_57 = arith.constant 0 : i32
      %dma_start3A_58 = tpu.memref_slice %arg3[%run_scoped3A_1, %dma_start3A_55, %dma_start3A_56, %dma_start3A_57] : memref<2x32x40x128xi32, #tpu.memory_space<hbm>> -> memref<1x32x40x128xi32, #tpu.memory_space<hbm>>
      %dma_start3A_59 = tpu.memref_squeeze %dma_start3A_58 : memref<1x32x40x128xi32, #tpu.memory_space<hbm>> -> memref<32x40x128xi32, #tpu.memory_space<hbm>>
      %dma_start3A_60 = arith.constant 0 : i32
      %dma_start3A_61 = arith.constant 0 : i32
      %dma_start3A_62 = tpu.memref_slice %dma_start3A_59[%add3A, %dma_start3A_60, %dma_start3A_61] : memref<32x40x128xi32, #tpu.memory_space<hbm>> -> memref<1x40x128xi32, #tpu.memory_space<hbm>>
      %dma_start3A_63 = tpu.memref_squeeze %dma_start3A_62 : memref<1x40x128xi32, #tpu.memory_space<hbm>> -> memref<40x128xi32, #tpu.memory_space<hbm>>
      %dma_start3A_64 = arith.constant 0 : i32
      %dma_start3A_65 = arith.constant 0 : i32
      %dma_start3A_66 = arith.constant 0 : i32
      %dma_start3A_67 = tpu.memref_slice %arg3[%run_scoped3A_1, %dma_start3A_64, %dma_start3A_65, %dma_start3A_66] : memref<2x32x40x128xi32, #tpu.memory_space<hbm>> -> memref<1x32x40x128xi32, #tpu.memory_space<hbm>>
      %dma_start3A_68 = tpu.memref_squeeze %dma_start3A_67 : memref<1x32x40x128xi32, #tpu.memory_space<hbm>> -> memref<32x40x128xi32, #tpu.memory_space<hbm>>
      %dma_start3A_69 = arith.constant 0 : i32
      %dma_start3A_70 = arith.constant 0 : i32
      %dma_start3A_71 = tpu.memref_slice %dma_start3A_68[%add3A, %dma_start3A_69, %dma_start3A_70] : memref<32x40x128xi32, #tpu.memory_space<hbm>> -> memref<1x40x128xi32, #tpu.memory_space<hbm>>
      %dma_start3A_72 = tpu.memref_squeeze %dma_start3A_71 : memref<1x40x128xi32, #tpu.memory_space<hbm>> -> memref<40x128xi32, #tpu.memory_space<hbm>>
      tpu.enqueue_dma source(%dma_start3A_72 : memref<40x128xi32, #tpu.memory_space<hbm>>) target(%arg10 : memref<40x128xi32, #tpu.memory_space<vmem>>) target_semaphore(%run_scoped3A_54 : memref<!tpu.dma_semaphore, #tpu.memory_space<semaphore_mem>>)
      %dma_wait3A_73 = arith.constant 0 : i32
      %dma_wait3A_74 = arith.constant 0 : i32
      %dma_wait3A_75 = arith.constant 0 : i32
      %dma_wait3A_76 = tpu.memref_slice %arg3[%run_scoped3A_1, %dma_wait3A_73, %dma_wait3A_74, %dma_wait3A_75] : memref<2x32x40x128xi32, #tpu.memory_space<hbm>> -> memref<1x32x40x128xi32, #tpu.memory_space<hbm>>
      %dma_wait3A_77 = tpu.memref_squeeze %dma_wait3A_76 : memref<1x32x40x128xi32, #tpu.memory_space<hbm>> -> memref<32x40x128xi32, #tpu.memory_space<hbm>>
      %dma_wait3A_78 = arith.constant 0 : i32
      %dma_wait3A_79 = arith.constant 0 : i32
      %dma_wait3A_80 = tpu.memref_slice %dma_wait3A_77[%add3A, %dma_wait3A_78, %dma_wait3A_79] : memref<32x40x128xi32, #tpu.memory_space<hbm>> -> memref<1x40x128xi32, #tpu.memory_space<hbm>>
      %dma_wait3A_81 = tpu.memref_squeeze %dma_wait3A_80 : memref<1x40x128xi32, #tpu.memory_space<hbm>> -> memref<40x128xi32, #tpu.memory_space<hbm>>
      %dma_wait3A_82 = arith.constant 0 : i32
      %dma_wait3A_83 = arith.constant 0 : i32
      %dma_wait3A_84 = arith.constant 0 : i32
      %dma_wait3A_85 = tpu.memref_slice %arg3[%run_scoped3A_1, %dma_wait3A_82, %dma_wait3A_83, %dma_wait3A_84] : memref<2x32x40x128xi32, #tpu.memory_space<hbm>> -> memref<1x32x40x128xi32, #tpu.memory_space<hbm>>
      %dma_wait3A_86 = tpu.memref_squeeze %dma_wait3A_85 : memref<1x32x40x128xi32, #tpu.memory_space<hbm>> -> memref<32x40x128xi32, #tpu.memory_space<hbm>>
      %dma_wait3A_87 = arith.constant 0 : i32
      %dma_wait3A_88 = arith.constant 0 : i32
      %dma_wait3A_89 = tpu.memref_slice %dma_wait3A_86[%add3A, %dma_wait3A_87, %dma_wait3A_88] : memref<32x40x128xi32, #tpu.memory_space<hbm>> -> memref<1x40x128xi32, #tpu.memory_space<hbm>>
      %dma_wait3A_90 = tpu.memref_squeeze %dma_wait3A_89 : memref<1x40x128xi32, #tpu.memory_space<hbm>> -> memref<40x128xi32, #tpu.memory_space<hbm>>
      tpu.wait_dma2 semaphore(%run_scoped3A_54 : memref<!tpu.dma_semaphore, #tpu.memory_space<semaphore_mem>>) src(%dma_wait3A_90 : memref<40x128xi32, #tpu.memory_space<hbm>>) dst(%arg10 : memref<40x128xi32, #tpu.memory_space<vmem>>)
      tpu.yield
    }) : () -> ()
    %run_scoped3A_2 = arith.constant 0 : i32
    "tpu.region"() ({
      %run_scoped3A_54 = tpu.sem_alloc : memref<!tpu.dma_semaphore, #tpu.memory_space<semaphore_mem>>
      %dma_start3A_55 = arith.constant 0 : i32
      %dma_start3A_56 = arith.constant 0 : i32
      %dma_start3A_57 = arith.constant 0 : i32
      %dma_start3A_58 = tpu.memref_slice %arg4[%run_scoped3A_2, %dma_start3A_55, %dma_start3A_56, %dma_start3A_57] : memref<2x32x40x128xi32, #tpu.memory_space<hbm>> -> memref<1x32x40x128xi32, #tpu.memory_space<hbm>>
      %dma_start3A_59 = tpu.memref_squeeze %dma_start3A_58 : memref<1x32x40x128xi32, #tpu.memory_space<hbm>> -> memref<32x40x128xi32, #tpu.memory_space<hbm>>
      %dma_start3A_60 = arith.constant 0 : i32
      %dma_start3A_61 = arith.constant 0 : i32
      %dma_start3A_62 = tpu.memref_slice %dma_start3A_59[%add3A, %dma_start3A_60, %dma_start3A_61] : memref<32x40x128xi32, #tpu.memory_space<hbm>> -> memref<1x40x128xi32, #tpu.memory_space<hbm>>
      %dma_start3A_63 = tpu.memref_squeeze %dma_start3A_62 : memref<1x40x128xi32, #tpu.memory_space<hbm>> -> memref<40x128xi32, #tpu.memory_space<hbm>>
      %dma_start3A_64 = arith.constant 0 : i32
      %dma_start3A_65 = arith.constant 0 : i32
      %dma_start3A_66 = arith.constant 0 : i32
      %dma_start3A_67 = tpu.memref_slice %arg4[%run_scoped3A_2, %dma_start3A_64, %dma_start3A_65, %dma_start3A_66] : memref<2x32x40x128xi32, #tpu.memory_space<hbm>> -> memref<1x32x40x128xi32, #tpu.memory_space<hbm>>
      %dma_start3A_68 = tpu.memref_squeeze %dma_start3A_67 : memref<1x32x40x128xi32, #tpu.memory_space<hbm>> -> memref<32x40x128xi32, #tpu.memory_space<hbm>>
      %dma_start3A_69 = arith.constant 0 : i32
      %dma_start3A_70 = arith.constant 0 : i32
      %dma_start3A_71 = tpu.memref_slice %dma_start3A_68[%add3A, %dma_start3A_69, %dma_start3A_70] : memref<32x40x128xi32, #tpu.memory_space<hbm>> -> memref<1x40x128xi32, #tpu.memory_space<hbm>>
      %dma_start3A_72 = tpu.memref_squeeze %dma_start3A_71 : memref<1x40x128xi32, #tpu.memory_space<hbm>> -> memref<40x128xi32, #tpu.memory_space<hbm>>
      tpu.enqueue_dma source(%dma_start3A_72 : memref<40x128xi32, #tpu.memory_space<hbm>>) target(%arg11 : memref<40x128xi32, #tpu.memory_space<vmem>>) target_semaphore(%run_scoped3A_54 : memref<!tpu.dma_semaphore, #tpu.memory_space<semaphore_mem>>)
      %dma_wait3A_73 = arith.constant 0 : i32
      %dma_wait3A_74 = arith.constant 0 : i32
      %dma_wait3A_75 = arith.constant 0 : i32
      %dma_wait3A_76 = tpu.memref_slice %arg4[%run_scoped3A_2, %dma_wait3A_73, %dma_wait3A_74, %dma_wait3A_75] : memref<2x32x40x128xi32, #tpu.memory_space<hbm>> -> memref<1x32x40x128xi32, #tpu.memory_space<hbm>>
      %dma_wait3A_77 = tpu.memref_squeeze %dma_wait3A_76 : memref<1x32x40x128xi32, #tpu.memory_space<hbm>> -> memref<32x40x128xi32, #tpu.memory_space<hbm>>
      %dma_wait3A_78 = arith.constant 0 : i32
      %dma_wait3A_79 = arith.constant 0 : i32
      %dma_wait3A_80 = tpu.memref_slice %dma_wait3A_77[%add3A, %dma_wait3A_78, %dma_wait3A_79] : memref<32x40x128xi32, #tpu.memory_space<hbm>> -> memref<1x40x128xi32, #tpu.memory_space<hbm>>
      %dma_wait3A_81 = tpu.memref_squeeze %dma_wait3A_80 : memref<1x40x128xi32, #tpu.memory_space<hbm>> -> memref<40x128xi32, #tpu.memory_space<hbm>>
      %dma_wait3A_82 = arith.constant 0 : i32
      %dma_wait3A_83 = arith.constant 0 : i32
      %dma_wait3A_84 = arith.constant 0 : i32
      %dma_wait3A_85 = tpu.memref_slice %arg4[%run_scoped3A_2, %dma_wait3A_82, %dma_wait3A_83, %dma_wait3A_84] : memref<2x32x40x128xi32, #tpu.memory_space<hbm>> -> memref<1x32x40x128xi32, #tpu.memory_space<hbm>>
      %dma_wait3A_86 = tpu.memref_squeeze %dma_wait3A_85 : memref<1x32x40x128xi32, #tpu.memory_space<hbm>> -> memref<32x40x128xi32, #tpu.memory_space<hbm>>
      %dma_wait3A_87 = arith.constant 0 : i32
      %dma_wait3A_88 = arith.constant 0 : i32
      %dma_wait3A_89 = tpu.memref_slice %dma_wait3A_86[%add3A, %dma_wait3A_87, %dma_wait3A_88] : memref<32x40x128xi32, #tpu.memory_space<hbm>> -> memref<1x40x128xi32, #tpu.memory_space<hbm>>
      %dma_wait3A_90 = tpu.memref_squeeze %dma_wait3A_89 : memref<1x40x128xi32, #tpu.memory_space<hbm>> -> memref<40x128xi32, #tpu.memory_space<hbm>>
      tpu.wait_dma2 semaphore(%run_scoped3A_54 : memref<!tpu.dma_semaphore, #tpu.memory_space<semaphore_mem>>) src(%dma_wait3A_90 : memref<40x128xi32, #tpu.memory_space<hbm>>) dst(%arg11 : memref<40x128xi32, #tpu.memory_space<vmem>>)
      tpu.yield
    }) : () -> ()
    %dma_start3A = arith.constant 0 : i32
    %dma_start3A_3 = arith.constant 0 : i32
    %dma_start3A_4 = tpu.memref_slice %arg9[%dma_start3A, %dma_start3A_3] : memref<40x128xi32, #tpu.memory_space<vmem>> -> memref<1x128xi32, #tpu.memory_space<vmem>>
    %dma_start3A_5 = tpu.memref_squeeze %dma_start3A_4 : memref<1x128xi32, #tpu.memory_space<vmem>> -> memref<128xi32, #tpu.memory_space<vmem>>
    %dma_start3A_6 = arith.constant 0 : i32
    %dma_start3A_7 = arith.constant 0 : i32
    %dma_start3A_8 = tpu.memref_slice %arg5[%dma_start3A_6, %dma_start3A_7] : memref<100000x128xf32, #tpu.memory_space<hbm>> -> memref<100000x128xf32, #tpu.memory_space<hbm>>
    tpu.enqueue_indirect_dma source(%dma_start3A_8 : memref<100000x128xf32, #tpu.memory_space<hbm>>) target(%arg12 : memref<128x128xf32, #tpu.memory_space<vmem>>) offsets(%dma_start3A_5 : memref<128xi32, #tpu.memory_space<vmem>>) semaphore(%arg18 : memref<!tpu.dma_semaphore, #tpu.memory_space<semaphore_mem>>)
    %dma_start3A_9 = arith.constant 0 : i32
    %dma_start3A_10 = arith.constant 0 : i32
    %dma_start3A_11 = tpu.memref_slice %arg10[%dma_start3A_9, %dma_start3A_10] : memref<40x128xi32, #tpu.memory_space<vmem>> -> memref<1x128xi32, #tpu.memory_space<vmem>>
    %dma_start3A_12 = tpu.memref_squeeze %dma_start3A_11 : memref<1x128xi32, #tpu.memory_space<vmem>> -> memref<128xi32, #tpu.memory_space<vmem>>
    %dma_start3A_13 = arith.constant 0 : i32
    %dma_start3A_14 = arith.constant 0 : i32
    %dma_start3A_15 = tpu.memref_slice %arg6[%dma_start3A_13, %dma_start3A_14] : memref<100000x128xf32, #tpu.memory_space<hbm>> -> memref<100000x128xf32, #tpu.memory_space<hbm>>
    tpu.enqueue_indirect_dma source(%dma_start3A_15 : memref<100000x128xf32, #tpu.memory_space<hbm>>) target(%arg13 : memref<128x128xf32, #tpu.memory_space<vmem>>) offsets(%dma_start3A_12 : memref<128xi32, #tpu.memory_space<vmem>>) semaphore(%arg18 : memref<!tpu.dma_semaphore, #tpu.memory_space<semaphore_mem>>)
    %dma_start3A_16 = arith.constant 0 : i32
    %dma_start3A_17 = arith.constant 0 : i32
    %dma_start3A_18 = tpu.memref_slice %arg11[%dma_start3A_16, %dma_start3A_17] : memref<40x128xi32, #tpu.memory_space<vmem>> -> memref<1x128xi32, #tpu.memory_space<vmem>>
    %dma_start3A_19 = tpu.memref_squeeze %dma_start3A_18 : memref<1x128xi32, #tpu.memory_space<vmem>> -> memref<128xi32, #tpu.memory_space<vmem>>
    %dma_start3A_20 = arith.constant 0 : i32
    %dma_start3A_21 = arith.constant 0 : i32
    %dma_start3A_22 = tpu.memref_slice %arg7[%dma_start3A_20, %dma_start3A_21] : memref<100000x128xf32, #tpu.memory_space<hbm>> -> memref<100000x128xf32, #tpu.memory_space<hbm>>
    tpu.enqueue_indirect_dma source(%dma_start3A_22 : memref<100000x128xf32, #tpu.memory_space<hbm>>) target(%arg14 : memref<128x128xf32, #tpu.memory_space<vmem>>) offsets(%dma_start3A_19 : memref<128xi32, #tpu.memory_space<vmem>>) semaphore(%arg18 : memref<!tpu.dma_semaphore, #tpu.memory_space<semaphore_mem>>)
    %dma_start3A_23 = arith.constant 1 : i32
    %dma_start3A_24 = arith.constant 0 : i32
    %dma_start3A_25 = tpu.memref_slice %arg9[%dma_start3A_23, %dma_start3A_24] : memref<40x128xi32, #tpu.memory_space<vmem>> -> memref<1x128xi32, #tpu.memory_space<vmem>>
    %dma_start3A_26 = tpu.memref_squeeze %dma_start3A_25 : memref<1x128xi32, #tpu.memory_space<vmem>> -> memref<128xi32, #tpu.memory_space<vmem>>
    %dma_start3A_27 = arith.constant 0 : i32
    %dma_start3A_28 = arith.constant 0 : i32
    %dma_start3A_29 = tpu.memref_slice %arg5[%dma_start3A_27, %dma_start3A_28] : memref<100000x128xf32, #tpu.memory_space<hbm>> -> memref<100000x128xf32, #tpu.memory_space<hbm>>
    tpu.enqueue_indirect_dma source(%dma_start3A_29 : memref<100000x128xf32, #tpu.memory_space<hbm>>) target(%arg15 : memref<128x128xf32, #tpu.memory_space<vmem>>) offsets(%dma_start3A_26 : memref<128xi32, #tpu.memory_space<vmem>>) semaphore(%arg19 : memref<!tpu.dma_semaphore, #tpu.memory_space<semaphore_mem>>)
    %dma_start3A_30 = arith.constant 1 : i32
    %dma_start3A_31 = arith.constant 0 : i32
    %dma_start3A_32 = tpu.memref_slice %arg10[%dma_start3A_30, %dma_start3A_31] : memref<40x128xi32, #tpu.memory_space<vmem>> -> memref<1x128xi32, #tpu.memory_space<vmem>>
    %dma_start3A_33 = tpu.memref_squeeze %dma_start3A_32 : memref<1x128xi32, #tpu.memory_space<vmem>> -> memref<128xi32, #tpu.memory_space<vmem>>
    %dma_start3A_34 = arith.constant 0 : i32
    %dma_start3A_35 = arith.constant 0 : i32
    %dma_start3A_36 = tpu.memref_slice %arg6[%dma_start3A_34, %dma_start3A_35] : memref<100000x128xf32, #tpu.memory_space<hbm>> -> memref<100000x128xf32, #tpu.memory_space<hbm>>
    tpu.enqueue_indirect_dma source(%dma_start3A_36 : memref<100000x128xf32, #tpu.memory_space<hbm>>) target(%arg16 : memref<128x128xf32, #tpu.memory_space<vmem>>) offsets(%dma_start3A_33 : memref<128xi32, #tpu.memory_space<vmem>>) semaphore(%arg19 : memref<!tpu.dma_semaphore, #tpu.memory_space<semaphore_mem>>)
    %dma_start3A_37 = arith.constant 1 : i32
    %dma_start3A_38 = arith.constant 0 : i32
    %dma_start3A_39 = tpu.memref_slice %arg11[%dma_start3A_37, %dma_start3A_38] : memref<40x128xi32, #tpu.memory_space<vmem>> -> memref<1x128xi32, #tpu.memory_space<vmem>>
    %dma_start3A_40 = tpu.memref_squeeze %dma_start3A_39 : memref<1x128xi32, #tpu.memory_space<vmem>> -> memref<128xi32, #tpu.memory_space<vmem>>
    %dma_start3A_41 = arith.constant 0 : i32
    %dma_start3A_42 = arith.constant 0 : i32
    %dma_start3A_43 = tpu.memref_slice %arg7[%dma_start3A_41, %dma_start3A_42] : memref<100000x128xf32, #tpu.memory_space<hbm>> -> memref<100000x128xf32, #tpu.memory_space<hbm>>
    tpu.enqueue_indirect_dma source(%dma_start3A_43 : memref<100000x128xf32, #tpu.memory_space<hbm>>) target(%arg17 : memref<128x128xf32, #tpu.memory_space<vmem>>) offsets(%dma_start3A_40 : memref<128xi32, #tpu.memory_space<vmem>>) semaphore(%arg19 : memref<!tpu.dma_semaphore, #tpu.memory_space<semaphore_mem>>)
    %scan3A = arith.constant 0 : i32
    %scan3A_44 = arith.constant 0 : i32
    %scan3A_45 = arith.constant 20 : i32
    %scan3A_46 = arith.addi %scan3A_44, %scan3A_45 : i32
    %scan3A_47 = arith.constant 1 : i32
    scf.for %scan3A_54 = %scan3A_44 to %scan3A_46 step %scan3A_47  : i32 {
      %mul3A_55 = arith.constant 2 : i32
      %mul3A_56 = arith.muli %scan3A_54, %mul3A_55 : i32
      %add3A_57 = arith.constant 0 : i32
      %add3A_58 = arith.addi %mul3A_56, %add3A_57 : i32
      %dma_wait3A_59 = arith.constant 0 : i32
      %dma_wait3A_60 = arith.constant 0 : i32
      %dma_wait3A_61 = tpu.memref_slice %arg5[%dma_wait3A_59, %dma_wait3A_60] : memref<100000x128xf32, #tpu.memory_space<hbm>> -> memref<128x128xf32, #tpu.memory_space<hbm>>
      %dma_wait3A_62 = arith.constant 0 : i32
      %dma_wait3A_63 = arith.constant 0 : i32
      %dma_wait3A_64 = tpu.memref_slice %arg5[%dma_wait3A_62, %dma_wait3A_63] : memref<100000x128xf32, #tpu.memory_space<hbm>> -> memref<128x128xf32, #tpu.memory_space<hbm>>
      tpu.wait_dma2 semaphore(%arg18 : memref<!tpu.dma_semaphore, #tpu.memory_space<semaphore_mem>>) src(%dma_wait3A_64 : memref<128x128xf32, #tpu.memory_space<hbm>>) dst(%arg12 : memref<128x128xf32, #tpu.memory_space<vmem>>)
      %dma_wait3A_65 = arith.constant 0 : i32
      %dma_wait3A_66 = arith.constant 0 : i32
      %dma_wait3A_67 = tpu.memref_slice %arg6[%dma_wait3A_65, %dma_wait3A_66] : memref<100000x128xf32, #tpu.memory_space<hbm>> -> memref<128x128xf32, #tpu.memory_space<hbm>>
      %dma_wait3A_68 = arith.constant 0 : i32
      %dma_wait3A_69 = arith.constant 0 : i32
      %dma_wait3A_70 = tpu.memref_slice %arg6[%dma_wait3A_68, %dma_wait3A_69] : memref<100000x128xf32, #tpu.memory_space<hbm>> -> memref<128x128xf32, #tpu.memory_space<hbm>>
      tpu.wait_dma2 semaphore(%arg18 : memref<!tpu.dma_semaphore, #tpu.memory_space<semaphore_mem>>) src(%dma_wait3A_70 : memref<128x128xf32, #tpu.memory_space<hbm>>) dst(%arg13 : memref<128x128xf32, #tpu.memory_space<vmem>>)
      %dma_wait3A_71 = arith.constant 0 : i32
      %dma_wait3A_72 = arith.constant 0 : i32
      %dma_wait3A_73 = tpu.memref_slice %arg7[%dma_wait3A_71, %dma_wait3A_72] : memref<100000x128xf32, #tpu.memory_space<hbm>> -> memref<128x128xf32, #tpu.memory_space<hbm>>
      %dma_wait3A_74 = arith.constant 0 : i32
      %dma_wait3A_75 = arith.constant 0 : i32
      %dma_wait3A_76 = tpu.memref_slice %arg7[%dma_wait3A_74, %dma_wait3A_75] : memref<100000x128xf32, #tpu.memory_space<hbm>> -> memref<128x128xf32, #tpu.memory_space<hbm>>
      tpu.wait_dma2 semaphore(%arg18 : memref<!tpu.dma_semaphore, #tpu.memory_space<semaphore_mem>>) src(%dma_wait3A_76 : memref<128x128xf32, #tpu.memory_space<hbm>>) dst(%arg14 : memref<128x128xf32, #tpu.memory_space<vmem>>)
      %ge3A = arith.constant 1 : i32
      %ge3A_77 = arith.cmpi sge, %add3A_58, %ge3A : i32
      %convert_element_type3A = arith.extui %ge3A_77 : i1 to i32
      %cond3A = arith.constant 0 : i32
      %cond3A_78 = arith.cmpi ne, %convert_element_type3A, %cond3A : i32
      scf.if %cond3A_78 {
        %dma_wait3A_154 = arith.constant 0 : i32
        %dma_wait3A_155 = arith.constant 0 : i32
        %dma_wait3A_156 = tpu.memref_slice %arg8[%dma_wait3A_154, %dma_wait3A_155] : memref<163840x128xf32, #tpu.memory_space<hbm>> -> memref<128x128xf32, #tpu.memory_space<hbm>>
        %dma_wait3A_157 = arith.constant 0 : i32
        %dma_wait3A_158 = arith.constant 0 : i32
        %dma_wait3A_159 = tpu.memref_slice %arg8[%dma_wait3A_157, %dma_wait3A_158] : memref<163840x128xf32, #tpu.memory_space<hbm>> -> memref<128x128xf32, #tpu.memory_space<hbm>>
        tpu.wait_dma2 semaphore(%arg21 : memref<!tpu.dma_semaphore, #tpu.memory_space<semaphore_mem>>) src(%arg15 : memref<128x128xf32, #tpu.memory_space<vmem>>) dst(%dma_wait3A_159 : memref<128x128xf32, #tpu.memory_space<hbm>>)
      } else {
      }
      %ge3A_79 = arith.constant 1 : i32
      %ge3A_80 = arith.cmpi sge, %add3A_58, %ge3A_79 : i32
      %add3A_81 = arith.constant 1 : i32
      %add3A_82 = arith.addi %add3A_58, %add3A_81 : i32
      %lt3A = arith.constant 40 : i32
      %lt3A_83 = arith.cmpi slt, %add3A_82, %lt3A : i32
      %and3A = arith.andi %ge3A_80, %lt3A_83 : i1
      %convert_element_type3A_84 = arith.extui %and3A : i1 to i32
      %cond3A_85 = arith.constant 0 : i32
      %cond3A_86 = arith.cmpi ne, %convert_element_type3A_84, %cond3A_85 : i32
      scf.if %cond3A_86 {
        %add3A_154 = arith.constant 1 : i32
        %add3A_155 = arith.addi %add3A_58, %add3A_154 : i32
        %dma_start3A_156 = arith.constant 0 : i32
        %dma_start3A_157 = tpu.memref_slice %arg9[%add3A_155, %dma_start3A_156] : memref<40x128xi32, #tpu.memory_space<vmem>> -> memref<1x128xi32, #tpu.memory_space<vmem>>
        %dma_start3A_158 = tpu.memref_squeeze %dma_start3A_157 : memref<1x128xi32, #tpu.memory_space<vmem>> -> memref<128xi32, #tpu.memory_space<vmem>>
        %dma_start3A_159 = arith.constant 0 : i32
        %dma_start3A_160 = arith.constant 0 : i32
        %dma_start3A_161 = tpu.memref_slice %arg5[%dma_start3A_159, %dma_start3A_160] : memref<100000x128xf32, #tpu.memory_space<hbm>> -> memref<100000x128xf32, #tpu.memory_space<hbm>>
        tpu.enqueue_indirect_dma source(%dma_start3A_161 : memref<100000x128xf32, #tpu.memory_space<hbm>>) target(%arg15 : memref<128x128xf32, #tpu.memory_space<vmem>>) offsets(%dma_start3A_158 : memref<128xi32, #tpu.memory_space<vmem>>) semaphore(%arg19 : memref<!tpu.dma_semaphore, #tpu.memory_space<semaphore_mem>>)
        %dma_start3A_162 = arith.constant 0 : i32
        %dma_start3A_163 = tpu.memref_slice %arg10[%add3A_155, %dma_start3A_162] : memref<40x128xi32, #tpu.memory_space<vmem>> -> memref<1x128xi32, #tpu.memory_space<vmem>>
        %dma_start3A_164 = tpu.memref_squeeze %dma_start3A_163 : memref<1x128xi32, #tpu.memory_space<vmem>> -> memref<128xi32, #tpu.memory_space<vmem>>
        %dma_start3A_165 = arith.constant 0 : i32
        %dma_start3A_166 = arith.constant 0 : i32
        %dma_start3A_167 = tpu.memref_slice %arg6[%dma_start3A_165, %dma_start3A_166] : memref<100000x128xf32, #tpu.memory_space<hbm>> -> memref<100000x128xf32, #tpu.memory_space<hbm>>
        tpu.enqueue_indirect_dma source(%dma_start3A_167 : memref<100000x128xf32, #tpu.memory_space<hbm>>) target(%arg16 : memref<128x128xf32, #tpu.memory_space<vmem>>) offsets(%dma_start3A_164 : memref<128xi32, #tpu.memory_space<vmem>>) semaphore(%arg19 : memref<!tpu.dma_semaphore, #tpu.memory_space<semaphore_mem>>)
        %dma_start3A_168 = arith.constant 0 : i32
        %dma_start3A_169 = tpu.memref_slice %arg11[%add3A_155, %dma_start3A_168] : memref<40x128xi32, #tpu.memory_space<vmem>> -> memref<1x128xi32, #tpu.memory_space<vmem>>
        %dma_start3A_170 = tpu.memref_squeeze %dma_start3A_169 : memref<1x128xi32, #tpu.memory_space<vmem>> -> memref<128xi32, #tpu.memory_space<vmem>>
        %dma_start3A_171 = arith.constant 0 : i32
        %dma_start3A_172 = arith.constant 0 : i32
        %dma_start3A_173 = tpu.memref_slice %arg7[%dma_start3A_171, %dma_start3A_172] : memref<100000x128xf32, #tpu.memory_space<hbm>> -> memref<100000x128xf32, #tpu.memory_space<hbm>>
        tpu.enqueue_indirect_dma source(%dma_start3A_173 : memref<100000x128xf32, #tpu.memory_space<hbm>>) target(%arg17 : memref<128x128xf32, #tpu.memory_space<vmem>>) offsets(%dma_start3A_170 : memref<128xi32, #tpu.memory_space<vmem>>) semaphore(%arg19 : memref<!tpu.dma_semaphore, #tpu.memory_space<semaphore_mem>>)
      } else {
      }
      %scan3A_87 = arith.constant 0 : i32
      %scan3A_88 = arith.constant 0 : i32
      %scan3A_89 = arith.constant 128 : i32
      %scan3A_90 = arith.addi %scan3A_88, %scan3A_89 : i32
      %scan3A_91 = arith.constant 2 : i32
      scf.for %scan3A_154 = %scan3A_88 to %scan3A_90 step %scan3A_91  : i32 {
        %get3A = arith.index_cast %scan3A_154 : i32 to index
        %get3A_155 = arith.constant 0 : index
        %get3A_156 = tpu.vector_load %arg13[%get3A, %get3A_155] {strides = array<i32>} : memref<128x128xf32, #tpu.memory_space<vmem>>, vector<1x16xf32>,
        %get3A_157 = vector.shape_cast %get3A_156 : vector<1x16xf32> to vector<16xf32>
        %get3A_158 = arith.index_cast %scan3A_154 : i32 to index
        %get3A_159 = arith.constant 0 : index
        %get3A_160 = tpu.vector_load %arg14[%get3A_158, %get3A_159] {strides = array<i32>} : memref<128x128xf32, #tpu.memory_space<vmem>>, vector<1x16xf32>,
        %get3A_161 = vector.shape_cast %get3A_160 : vector<1x16xf32> to vector<16xf32>
        %add3A_162 = arith.addf %get3A_157, %get3A_161 : vector<16xf32>
        %swap3A = arith.index_cast %scan3A_154 : i32 to index
        %swap3A_163 = arith.constant 0 : index
        %swap3A_164 = tpu.vector_load %arg12[%swap3A, %swap3A_163] {strides = array<i32>} : memref<128x128xf32, #tpu.memory_space<vmem>>, vector<1x16xf32>,
        %swap3A_165 = vector.shape_cast %swap3A_164 : vector<1x16xf32> to vector<16xf32>
        %swap3A_166 = vector.shape_cast %add3A_162 : vector<16xf32> to vector<1x16xf32>
        tpu.vector_store %arg12[%swap3A, %swap3A_163], %swap3A_166 {add = true, strides = array<i32>} : memref<128x128xf32, #tpu.memory_space<vmem>>, vector<1x16xf32>,
        %get3A_167 = arith.index_cast %scan3A_154 : i32 to index
        %get3A_168 = arith.constant 16 : index
        %get3A_169 = tpu.vector_load %arg13[%get3A_167, %get3A_168] {strides = array<i32>} : memref<128x128xf32, #tpu.memory_space<vmem>>, vector<1x16xf32>,
        %get3A_170 = vector.shape_cast %get3A_169 : vector<1x16xf32> to vector<16xf32>
        %get3A_171 = arith.index_cast %scan3A_154 : i32 to index
        %get3A_172 = arith.constant 16 : index
        %get3A_173 = tpu.vector_load %arg14[%get3A_171, %get3A_172] {strides = array<i32>} : memref<128x128xf32, #tpu.memory_space<vmem>>, vector<1x16xf32>,
        %get3A_174 = vector.shape_cast %get3A_173 : vector<1x16xf32> to vector<16xf32>
        %add3A_175 = arith.addf %get3A_170, %get3A_174 : vector<16xf32>
        %swap3A_176 = arith.index_cast %scan3A_154 : i32 to index
        %swap3A_177 = arith.constant 16 : index
        %swap3A_178 = tpu.vector_load %arg12[%swap3A_176, %swap3A_177] {strides = array<i32>} : memref<128x128xf32, #tpu.memory_space<vmem>>, vector<1x16xf32>,
        %swap3A_179 = vector.shape_cast %swap3A_178 : vector<1x16xf32> to vector<16xf32>
        %swap3A_180 = vector.shape_cast %add3A_175 : vector<16xf32> to vector<1x16xf32>
        tpu.vector_store %arg12[%swap3A_176, %swap3A_177], %swap3A_180 {add = true, strides = array<i32>} : memref<128x128xf32, #tpu.memory_space<vmem>>, vector<1x16xf32>,
        %get3A_181 = arith.index_cast %scan3A_154 : i32 to index
        %get3A_182 = arith.constant 32 : index
        %get3A_183 = tpu.vector_load %arg13[%get3A_181, %get3A_182] {strides = array<i32>} : memref<128x128xf32, #tpu.memory_space<vmem>>, vector<1x16xf32>,
        %get3A_184 = vector.shape_cast %get3A_183 : vector<1x16xf32> to vector<16xf32>
        %get3A_185 = arith.index_cast %scan3A_154 : i32 to index
        %get3A_186 = arith.constant 32 : index
        %get3A_187 = tpu.vector_load %arg14[%get3A_185, %get3A_186] {strides = array<i32>} : memref<128x128xf32, #tpu.memory_space<vmem>>, vector<1x16xf32>,
        %get3A_188 = vector.shape_cast %get3A_187 : vector<1x16xf32> to vector<16xf32>
        %add3A_189 = arith.addf %get3A_184, %get3A_188 : vector<16xf32>
        %swap3A_190 = arith.index_cast %scan3A_154 : i32 to index
        %swap3A_191 = arith.constant 32 : index
        %swap3A_192 = tpu.vector_load %arg12[%swap3A_190, %swap3A_191] {strides = array<i32>} : memref<128x128xf32, #tpu.memory_space<vmem>>, vector<1x16xf32>,
        %swap3A_193 = vector.shape_cast %swap3A_192 : vector<1x16xf32> to vector<16xf32>
        %swap3A_194 = vector.shape_cast %add3A_189 : vector<16xf32> to vector<1x16xf32>
        tpu.vector_store %arg12[%swap3A_190, %swap3A_191], %swap3A_194 {add = true, strides = array<i32>} : memref<128x128xf32, #tpu.memory_space<vmem>>, vector<1x16xf32>,
        %get3A_195 = arith.index_cast %scan3A_154 : i32 to index
        %get3A_196 = arith.constant 48 : index
        %get3A_197 = tpu.vector_load %arg13[%get3A_195, %get3A_196] {strides = array<i32>} : memref<128x128xf32, #tpu.memory_space<vmem>>, vector<1x16xf32>,
        %get3A_198 = vector.shape_cast %get3A_197 : vector<1x16xf32> to vector<16xf32>
        %get3A_199 = arith.index_cast %scan3A_154 : i32 to index
        %get3A_200 = arith.constant 48 : index
        %get3A_201 = tpu.vector_load %arg14[%get3A_199, %get3A_200] {strides = array<i32>} : memref<128x128xf32, #tpu.memory_space<vmem>>, vector<1x16xf32>,
        %get3A_202 = vector.shape_cast %get3A_201 : vector<1x16xf32> to vector<16xf32>
        %add3A_203 = arith.addf %get3A_198, %get3A_202 : vector<16xf32>
        %swap3A_204 = arith.index_cast %scan3A_154 : i32 to index
        %swap3A_205 = arith.constant 48 : index
        %swap3A_206 = tpu.vector_load %arg12[%swap3A_204, %swap3A_205] {strides = array<i32>} : memref<128x128xf32, #tpu.memory_space<vmem>>, vector<1x16xf32>,
        %swap3A_207 = vector.shape_cast %swap3A_206 : vector<1x16xf32> to vector<16xf32>
        %swap3A_208 = vector.shape_cast %add3A_203 : vector<16xf32> to vector<1x16xf32>
        tpu.vector_store %arg12[%swap3A_204, %swap3A_205], %swap3A_208 {add = true, strides = array<i32>} : memref<128x128xf32, #tpu.memory_space<vmem>>, vector<1x16xf32>,
        %get3A_209 = arith.index_cast %scan3A_154 : i32 to index
        %get3A_210 = arith.constant 64 : index
        %get3A_211 = tpu.vector_load %arg13[%get3A_209, %get3A_210] {strides = array<i32>} : memref<128x128xf32, #tpu.memory_space<vmem>>, vector<1x16xf32>,
        %get3A_212 = vector.shape_cast %get3A_211 : vector<1x16xf32> to vector<16xf32>
        %get3A_213 = arith.index_cast %scan3A_154 : i32 to index
        %get3A_214 = arith.constant 64 : index
        %get3A_215 = tpu.vector_load %arg14[%get3A_213, %get3A_214] {strides = array<i32>} : memref<128x128xf32, #tpu.memory_space<vmem>>, vector<1x16xf32>,
        %get3A_216 = vector.shape_cast %get3A_215 : vector<1x16xf32> to vector<16xf32>
        %add3A_217 = arith.addf %get3A_212, %get3A_216 : vector<16xf32>
        %swap3A_218 = arith.index_cast %scan3A_154 : i32 to index
        %swap3A_219 = arith.constant 64 : index
        %swap3A_220 = tpu.vector_load %arg12[%swap3A_218, %swap3A_219] {strides = array<i32>} : memref<128x128xf32, #tpu.memory_space<vmem>>, vector<1x16xf32>,
        %swap3A_221 = vector.shape_cast %swap3A_220 : vector<1x16xf32> to vector<16xf32>
        %swap3A_222 = vector.shape_cast %add3A_217 : vector<16xf32> to vector<1x16xf32>
        tpu.vector_store %arg12[%swap3A_218, %swap3A_219], %swap3A_222 {add = true, strides = array<i32>} : memref<128x128xf32, #tpu.memory_space<vmem>>, vector<1x16xf32>,
        %get3A_223 = arith.index_cast %scan3A_154 : i32 to index
        %get3A_224 = arith.constant 80 : index
        %get3A_225 = tpu.vector_load %arg13[%get3A_223, %get3A_224] {strides = array<i32>} : memref<128x128xf32, #tpu.memory_space<vmem>>, vector<1x16xf32>,
        %get3A_226 = vector.shape_cast %get3A_225 : vector<1x16xf32> to vector<16xf32>
        %get3A_227 = arith.index_cast %scan3A_154 : i32 to index
        %get3A_228 = arith.constant 80 : index
        %get3A_229 = tpu.vector_load %arg14[%get3A_227, %get3A_228] {strides = array<i32>} : memref<128x128xf32, #tpu.memory_space<vmem>>, vector<1x16xf32>,
        %get3A_230 = vector.shape_cast %get3A_229 : vector<1x16xf32> to vector<16xf32>
        %add3A_231 = arith.addf %get3A_226, %get3A_230 : vector<16xf32>
        %swap3A_232 = arith.index_cast %scan3A_154 : i32 to index
        %swap3A_233 = arith.constant 80 : index
        %swap3A_234 = tpu.vector_load %arg12[%swap3A_232, %swap3A_233] {strides = array<i32>} : memref<128x128xf32, #tpu.memory_space<vmem>>, vector<1x16xf32>,
        %swap3A_235 = vector.shape_cast %swap3A_234 : vector<1x16xf32> to vector<16xf32>
        %swap3A_236 = vector.shape_cast %add3A_231 : vector<16xf32> to vector<1x16xf32>
        tpu.vector_store %arg12[%swap3A_232, %swap3A_233], %swap3A_236 {add = true, strides = array<i32>} : memref<128x128xf32, #tpu.memory_space<vmem>>, vector<1x16xf32>,
        %get3A_237 = arith.index_cast %scan3A_154 : i32 to index
        %get3A_238 = arith.constant 96 : index
        %get3A_239 = tpu.vector_load %arg13[%get3A_237, %get3A_238] {strides = array<i32>} : memref<128x128xf32, #tpu.memory_space<vmem>>, vector<1x16xf32>,
        %get3A_240 = vector.shape_cast %get3A_239 : vector<1x16xf32> to vector<16xf32>
        %get3A_241 = arith.index_cast %scan3A_154 : i32 to index
        %get3A_242 = arith.constant 96 : index
        %get3A_243 = tpu.vector_load %arg14[%get3A_241, %get3A_242] {strides = array<i32>} : memref<128x128xf32, #tpu.memory_space<vmem>>, vector<1x16xf32>,
        %get3A_244 = vector.shape_cast %get3A_243 : vector<1x16xf32> to vector<16xf32>
        %add3A_245 = arith.addf %get3A_240, %get3A_244 : vector<16xf32>
        %swap3A_246 = arith.index_cast %scan3A_154 : i32 to index
        %swap3A_247 = arith.constant 96 : index
        %swap3A_248 = tpu.vector_load %arg12[%swap3A_246, %swap3A_247] {strides = array<i32>} : memref<128x128xf32, #tpu.memory_space<vmem>>, vector<1x16xf32>,
        %swap3A_249 = vector.shape_cast %swap3A_248 : vector<1x16xf32> to vector<16xf32>
        %swap3A_250 = vector.shape_cast %add3A_245 : vector<16xf32> to vector<1x16xf32>
        tpu.vector_store %arg12[%swap3A_246, %swap3A_247], %swap3A_250 {add = true, strides = array<i32>} : memref<128x128xf32, #tpu.memory_space<vmem>>, vector<1x16xf32>,
        %get3A_251 = arith.index_cast %scan3A_154 : i32 to index
        %get3A_252 = arith.constant 112 : index
        %get3A_253 = tpu.vector_load %arg13[%get3A_251, %get3A_252] {strides = array<i32>} : memref<128x128xf32, #tpu.memory_space<vmem>>, vector<1x16xf32>,
        %get3A_254 = vector.shape_cast %get3A_253 : vector<1x16xf32> to vector<16xf32>
        %get3A_255 = arith.index_cast %scan3A_154 : i32 to index
        %get3A_256 = arith.constant 112 : index
        %get3A_257 = tpu.vector_load %arg14[%get3A_255, %get3A_256] {strides = array<i32>} : memref<128x128xf32, #tpu.memory_space<vmem>>, vector<1x16xf32>,
        %get3A_258 = vector.shape_cast %get3A_257 : vector<1x16xf32> to vector<16xf32>
        %add3A_259 = arith.addf %get3A_254, %get3A_258 : vector<16xf32>
        %swap3A_260 = arith.index_cast %scan3A_154 : i32 to index
        %swap3A_261 = arith.constant 112 : index
        %swap3A_262 = tpu.vector_load %arg12[%swap3A_260, %swap3A_261] {strides = array<i32>} : memref<128x128xf32, #tpu.memory_space<vmem>>, vector<1x16xf32>,
        %swap3A_263 = vector.shape_cast %swap3A_262 : vector<1x16xf32> to vector<16xf32>
        %swap3A_264 = vector.shape_cast %add3A_259 : vector<16xf32> to vector<1x16xf32>
        tpu.vector_store %arg12[%swap3A_260, %swap3A_261], %swap3A_264 {add = true, strides = array<i32>} : memref<128x128xf32, #tpu.memory_space<vmem>>, vector<1x16xf32>,
        %scan3A_265 = arith.constant 1 : i32
        %scan3A_266 = arith.addi %scan3A_154, %scan3A_265 : i32
        %get3A_267 = arith.index_cast %scan3A_266 : i32 to index
        %get3A_268 = arith.constant 0 : index
        %get3A_269 = tpu.vector_load %arg13[%get3A_267, %get3A_268] {strides = array<i32>} : memref<128x128xf32, #tpu.memory_space<vmem>>, vector<1x16xf32>,
        %get3A_270 = vector.shape_cast %get3A_269 : vector<1x16xf32> to vector<16xf32>
        %get3A_271 = arith.index_cast %scan3A_266 : i32 to index
        %get3A_272 = arith.constant 0 : index
        %get3A_273 = tpu.vector_load %arg14[%get3A_271, %get3A_272] {strides = array<i32>} : memref<128x128xf32, #tpu.memory_space<vmem>>, vector<1x16xf32>,
        %get3A_274 = vector.shape_cast %get3A_273 : vector<1x16xf32> to vector<16xf32>
        %add3A_275 = arith.addf %get3A_270, %get3A_274 : vector<16xf32>
        %swap3A_276 = arith.index_cast %scan3A_266 : i32 to index
        %swap3A_277 = arith.constant 0 : index
        %swap3A_278 = tpu.vector_load %arg12[%swap3A_276, %swap3A_277] {strides = array<i32>} : memref<128x128xf32, #tpu.memory_space<vmem>>, vector<1x16xf32>,
        %swap3A_279 = vector.shape_cast %swap3A_278 : vector<1x16xf32> to vector<16xf32>
        %swap3A_280 = vector.shape_cast %add3A_275 : vector<16xf32> to vector<1x16xf32>
        tpu.vector_store %arg12[%swap3A_276, %swap3A_277], %swap3A_280 {add = true, strides = array<i32>} : memref<128x128xf32, #tpu.memory_space<vmem>>, vector<1x16xf32>,
        %get3A_281 = arith.index_cast %scan3A_266 : i32 to index
        %get3A_282 = arith.constant 16 : index
        %get3A_283 = tpu.vector_load %arg13[%get3A_281, %get3A_282] {strides = array<i32>} : memref<128x128xf32, #tpu.memory_space<vmem>>, vector<1x16xf32>,
        %get3A_284 = vector.shape_cast %get3A_283 : vector<1x16xf32> to vector<16xf32>
        %get3A_285 = arith.index_cast %scan3A_266 : i32 to index
        %get3A_286 = arith.constant 16 : index
        %get3A_287 = tpu.vector_load %arg14[%get3A_285, %get3A_286] {strides = array<i32>} : memref<128x128xf32, #tpu.memory_space<vmem>>, vector<1x16xf32>,
        %get3A_288 = vector.shape_cast %get3A_287 : vector<1x16xf32> to vector<16xf32>
        %add3A_289 = arith.addf %get3A_284, %get3A_288 : vector<16xf32>
        %swap3A_290 = arith.index_cast %scan3A_266 : i32 to index
        %swap3A_291 = arith.constant 16 : index
        %swap3A_292 = tpu.vector_load %arg12[%swap3A_290, %swap3A_291] {strides = array<i32>} : memref<128x128xf32, #tpu.memory_space<vmem>>, vector<1x16xf32>,
        %swap3A_293 = vector.shape_cast %swap3A_292 : vector<1x16xf32> to vector<16xf32>
        %swap3A_294 = vector.shape_cast %add3A_289 : vector<16xf32> to vector<1x16xf32>
        tpu.vector_store %arg12[%swap3A_290, %swap3A_291], %swap3A_294 {add = true, strides = array<i32>} : memref<128x128xf32, #tpu.memory_space<vmem>>, vector<1x16xf32>,
        %get3A_295 = arith.index_cast %scan3A_266 : i32 to index
        %get3A_296 = arith.constant 32 : index
        %get3A_297 = tpu.vector_load %arg13[%get3A_295, %get3A_296] {strides = array<i32>} : memref<128x128xf32, #tpu.memory_space<vmem>>, vector<1x16xf32>,
        %get3A_298 = vector.shape_cast %get3A_297 : vector<1x16xf32> to vector<16xf32>
        %get3A_299 = arith.index_cast %scan3A_266 : i32 to index
        %get3A_300 = arith.constant 32 : index
        %get3A_301 = tpu.vector_load %arg14[%get3A_299, %get3A_300] {strides = array<i32>} : memref<128x128xf32, #tpu.memory_space<vmem>>, vector<1x16xf32>,
        %get3A_302 = vector.shape_cast %get3A_301 : vector<1x16xf32> to vector<16xf32>
        %add3A_303 = arith.addf %get3A_298, %get3A_302 : vector<16xf32>
        %swap3A_304 = arith.index_cast %scan3A_266 : i32 to index
        %swap3A_305 = arith.constant 32 : index
        %swap3A_306 = tpu.vector_load %arg12[%swap3A_304, %swap3A_305] {strides = array<i32>} : memref<128x128xf32, #tpu.memory_space<vmem>>, vector<1x16xf32>,
        %swap3A_307 = vector.shape_cast %swap3A_306 : vector<1x16xf32> to vector<16xf32>
        %swap3A_308 = vector.shape_cast %add3A_303 : vector<16xf32> to vector<1x16xf32>
        tpu.vector_store %arg12[%swap3A_304, %swap3A_305], %swap3A_308 {add = true, strides = array<i32>} : memref<128x128xf32, #tpu.memory_space<vmem>>, vector<1x16xf32>,
        %get3A_309 = arith.index_cast %scan3A_266 : i32 to index
        %get3A_310 = arith.constant 48 : index
        %get3A_311 = tpu.vector_load %arg13[%get3A_309, %get3A_310] {strides = array<i32>} : memref<128x128xf32, #tpu.memory_space<vmem>>, vector<1x16xf32>,
        %get3A_312 = vector.shape_cast %get3A_311 : vector<1x16xf32> to vector<16xf32>
        %get3A_313 = arith.index_cast %scan3A_266 : i32 to index
        %get3A_314 = arith.constant 48 : index
        %get3A_315 = tpu.vector_load %arg14[%get3A_313, %get3A_314] {strides = array<i32>} : memref<128x128xf32, #tpu.memory_space<vmem>>, vector<1x16xf32>,
        %get3A_316 = vector.shape_cast %get3A_315 : vector<1x16xf32> to vector<16xf32>
        %add3A_317 = arith.addf %get3A_312, %get3A_316 : vector<16xf32>
        %swap3A_318 = arith.index_cast %scan3A_266 : i32 to index
        %swap3A_319 = arith.constant 48 : index
        %swap3A_320 = tpu.vector_load %arg12[%swap3A_318, %swap3A_319] {strides = array<i32>} : memref<128x128xf32, #tpu.memory_space<vmem>>, vector<1x16xf32>,
        %swap3A_321 = vector.shape_cast %swap3A_320 : vector<1x16xf32> to vector<16xf32>
        %swap3A_322 = vector.shape_cast %add3A_317 : vector<16xf32> to vector<1x16xf32>
        tpu.vector_store %arg12[%swap3A_318, %swap3A_319], %swap3A_322 {add = true, strides = array<i32>} : memref<128x128xf32, #tpu.memory_space<vmem>>, vector<1x16xf32>,
        %get3A_323 = arith.index_cast %scan3A_266 : i32 to index
        %get3A_324 = arith.constant 64 : index
        %get3A_325 = tpu.vector_load %arg13[%get3A_323, %get3A_324] {strides = array<i32>} : memref<128x128xf32, #tpu.memory_space<vmem>>, vector<1x16xf32>,
        %get3A_326 = vector.shape_cast %get3A_325 : vector<1x16xf32> to vector<16xf32>
        %get3A_327 = arith.index_cast %scan3A_266 : i32 to index
        %get3A_328 = arith.constant 64 : index
        %get3A_329 = tpu.vector_load %arg14[%get3A_327, %get3A_328] {strides = array<i32>} : memref<128x128xf32, #tpu.memory_space<vmem>>, vector<1x16xf32>,
        %get3A_330 = vector.shape_cast %get3A_329 : vector<1x16xf32> to vector<16xf32>
        %add3A_331 = arith.addf %get3A_326, %get3A_330 : vector<16xf32>
        %swap3A_332 = arith.index_cast %scan3A_266 : i32 to index
        %swap3A_333 = arith.constant 64 : index
        %swap3A_334 = tpu.vector_load %arg12[%swap3A_332, %swap3A_333] {strides = array<i32>} : memref<128x128xf32, #tpu.memory_space<vmem>>, vector<1x16xf32>,
        %swap3A_335 = vector.shape_cast %swap3A_334 : vector<1x16xf32> to vector<16xf32>
        %swap3A_336 = vector.shape_cast %add3A_331 : vector<16xf32> to vector<1x16xf32>
        tpu.vector_store %arg12[%swap3A_332, %swap3A_333], %swap3A_336 {add = true, strides = array<i32>} : memref<128x128xf32, #tpu.memory_space<vmem>>, vector<1x16xf32>,
        %get3A_337 = arith.index_cast %scan3A_266 : i32 to index
        %get3A_338 = arith.constant 80 : index
        %get3A_339 = tpu.vector_load %arg13[%get3A_337, %get3A_338] {strides = array<i32>} : memref<128x128xf32, #tpu.memory_space<vmem>>, vector<1x16xf32>,
        %get3A_340 = vector.shape_cast %get3A_339 : vector<1x16xf32> to vector<16xf32>
        %get3A_341 = arith.index_cast %scan3A_266 : i32 to index
        %get3A_342 = arith.constant 80 : index
        %get3A_343 = tpu.vector_load %arg14[%get3A_341, %get3A_342] {strides = array<i32>} : memref<128x128xf32, #tpu.memory_space<vmem>>, vector<1x16xf32>,
        %get3A_344 = vector.shape_cast %get3A_343 : vector<1x16xf32> to vector<16xf32>
        %add3A_345 = arith.addf %get3A_340, %get3A_344 : vector<16xf32>
        %swap3A_346 = arith.index_cast %scan3A_266 : i32 to index
        %swap3A_347 = arith.constant 80 : index
        %swap3A_348 = tpu.vector_load %arg12[%swap3A_346, %swap3A_347] {strides = array<i32>} : memref<128x128xf32, #tpu.memory_space<vmem>>, vector<1x16xf32>,
        %swap3A_349 = vector.shape_cast %swap3A_348 : vector<1x16xf32> to vector<16xf32>
        %swap3A_350 = vector.shape_cast %add3A_345 : vector<16xf32> to vector<1x16xf32>
        tpu.vector_store %arg12[%swap3A_346, %swap3A_347], %swap3A_350 {add = true, strides = array<i32>} : memref<128x128xf32, #tpu.memory_space<vmem>>, vector<1x16xf32>,
        %get3A_351 = arith.index_cast %scan3A_266 : i32 to index
        %get3A_352 = arith.constant 96 : index
        %get3A_353 = tpu.vector_load %arg13[%get3A_351, %get3A_352] {strides = array<i32>} : memref<128x128xf32, #tpu.memory_space<vmem>>, vector<1x16xf32>,
        %get3A_354 = vector.shape_cast %get3A_353 : vector<1x16xf32> to vector<16xf32>
        %get3A_355 = arith.index_cast %scan3A_266 : i32 to index
        %get3A_356 = arith.constant 96 : index
        %get3A_357 = tpu.vector_load %arg14[%get3A_355, %get3A_356] {strides = array<i32>} : memref<128x128xf32, #tpu.memory_space<vmem>>, vector<1x16xf32>,
        %get3A_358 = vector.shape_cast %get3A_357 : vector<1x16xf32> to vector<16xf32>
        %add3A_359 = arith.addf %get3A_354, %get3A_358 : vector<16xf32>
        %swap3A_360 = arith.index_cast %scan3A_266 : i32 to index
        %swap3A_361 = arith.constant 96 : index
        %swap3A_362 = tpu.vector_load %arg12[%swap3A_360, %swap3A_361] {strides = array<i32>} : memref<128x128xf32, #tpu.memory_space<vmem>>, vector<1x16xf32>,
        %swap3A_363 = vector.shape_cast %swap3A_362 : vector<1x16xf32> to vector<16xf32>
        %swap3A_364 = vector.shape_cast %add3A_359 : vector<16xf32> to vector<1x16xf32>
        tpu.vector_store %arg12[%swap3A_360, %swap3A_361], %swap3A_364 {add = true, strides = array<i32>} : memref<128x128xf32, #tpu.memory_space<vmem>>, vector<1x16xf32>,
        %get3A_365 = arith.index_cast %scan3A_266 : i32 to index
        %get3A_366 = arith.constant 112 : index
        %get3A_367 = tpu.vector_load %arg13[%get3A_365, %get3A_366] {strides = array<i32>} : memref<128x128xf32, #tpu.memory_space<vmem>>, vector<1x16xf32>,
        %get3A_368 = vector.shape_cast %get3A_367 : vector<1x16xf32> to vector<16xf32>
        %get3A_369 = arith.index_cast %scan3A_266 : i32 to index
        %get3A_370 = arith.constant 112 : index
        %get3A_371 = tpu.vector_load %arg14[%get3A_369, %get3A_370] {strides = array<i32>} : memref<128x128xf32, #tpu.memory_space<vmem>>, vector<1x16xf32>,
        %get3A_372 = vector.shape_cast %get3A_371 : vector<1x16xf32> to vector<16xf32>
        %add3A_373 = arith.addf %get3A_368, %get3A_372 : vector<16xf32>
        %swap3A_374 = arith.index_cast %scan3A_266 : i32 to index
        %swap3A_375 = arith.constant 112 : index
        %swap3A_376 = tpu.vector_load %arg12[%swap3A_374, %swap3A_375] {strides = array<i32>} : memref<128x128xf32, #tpu.memory_space<vmem>>, vector<1x16xf32>,
        %swap3A_377 = vector.shape_cast %swap3A_376 : vector<1x16xf32> to vector<16xf32>
        %swap3A_378 = vector.shape_cast %add3A_373 : vector<16xf32> to vector<1x16xf32>
        tpu.vector_store %arg12[%swap3A_374, %swap3A_375], %swap3A_378 {add = true, strides = array<i32>} : memref<128x128xf32, #tpu.memory_space<vmem>>, vector<1x16xf32>,
      }
      %scan3A_92 = arith.constant 128 : i32
      %mul3A_93 = arith.constant 5120 : i32
      %mul3A_94 = arith.muli %add3A, %mul3A_93 : i32
      %mul3A_95 = arith.constant 128 : i32
      %mul3A_96 = arith.muli %add3A_58, %mul3A_95 : i32
      %add3A_97 = arith.addi %mul3A_94, %mul3A_96 : i32
      %dma_start3A_98 = arith.constant 0 : i32
      %dma_start3A_99 = tpu.memref_slice %arg8[%add3A_97, %dma_start3A_98] : memref<163840x128xf32, #tpu.memory_space<hbm>> -> memref<128x128xf32, #tpu.memory_space<hbm>>
      %dma_start3A_100 = arith.constant 0 : i32
      %dma_start3A_101 = tpu.memref_slice %arg8[%add3A_97, %dma_start3A_100] : memref<163840x128xf32, #tpu.memory_space<hbm>> -> memref<128x128xf32, #tpu.memory_space<hbm>>
      tpu.enqueue_dma source(%arg12 : memref<128x128xf32, #tpu.memory_space<vmem>>) target(%dma_start3A_101 : memref<128x128xf32, #tpu.memory_space<hbm>>) target_semaphore(%arg20 : memref<!tpu.dma_semaphore, #tpu.memory_space<semaphore_mem>>)
      %mul3A_102 = arith.constant 2 : i32
      %mul3A_103 = arith.muli %scan3A_54, %mul3A_102 : i32
      %add3A_104 = arith.constant 1 : i32
      %add3A_105 = arith.addi %mul3A_103, %add3A_104 : i32
      %dma_wait3A_106 = arith.constant 0 : i32
      %dma_wait3A_107 = arith.constant 0 : i32
      %dma_wait3A_108 = tpu.memref_slice %arg5[%dma_wait3A_106, %dma_wait3A_107] : memref<100000x128xf32, #tpu.memory_space<hbm>> -> memref<128x128xf32, #tpu.memory_space<hbm>>
      %dma_wait3A_109 = arith.constant 0 : i32
      %dma_wait3A_110 = arith.constant 0 : i32
      %dma_wait3A_111 = tpu.memref_slice %arg5[%dma_wait3A_109, %dma_wait3A_110] : memref<100000x128xf32, #tpu.memory_space<hbm>> -> memref<128x128xf32, #tpu.memory_space<hbm>>
      tpu.wait_dma2 semaphore(%arg19 : memref<!tpu.dma_semaphore, #tpu.memory_space<semaphore_mem>>) src(%dma_wait3A_111 : memref<128x128xf32, #tpu.memory_space<hbm>>) dst(%arg15 : memref<128x128xf32, #tpu.memory_space<vmem>>)
      %dma_wait3A_112 = arith.constant 0 : i32
      %dma_wait3A_113 = arith.constant 0 : i32
      %dma_wait3A_114 = tpu.memref_slice %arg6[%dma_wait3A_112, %dma_wait3A_113] : memref<100000x128xf32, #tpu.memory_space<hbm>> -> memref<128x128xf32, #tpu.memory_space<hbm>>
      %dma_wait3A_115 = arith.constant 0 : i32
      %dma_wait3A_116 = arith.constant 0 : i32
      %dma_wait3A_117 = tpu.memref_slice %arg6[%dma_wait3A_115, %dma_wait3A_116] : memref<100000x128xf32, #tpu.memory_space<hbm>> -> memref<128x128xf32, #tpu.memory_space<hbm>>
      tpu.wait_dma2 semaphore(%arg19 : memref<!tpu.dma_semaphore, #tpu.memory_space<semaphore_mem>>) src(%dma_wait3A_117 : memref<128x128xf32, #tpu.memory_space<hbm>>) dst(%arg16 : memref<128x128xf32, #tpu.memory_space<vmem>>)
      %dma_wait3A_118 = arith.constant 0 : i32
      %dma_wait3A_119 = arith.constant 0 : i32
      %dma_wait3A_120 = tpu.memref_slice %arg7[%dma_wait3A_118, %dma_wait3A_119] : memref<100000x128xf32, #tpu.memory_space<hbm>> -> memref<128x128xf32, #tpu.memory_space<hbm>>
      %dma_wait3A_121 = arith.constant 0 : i32
      %dma_wait3A_122 = arith.constant 0 : i32
      %dma_wait3A_123 = tpu.memref_slice %arg7[%dma_wait3A_121, %dma_wait3A_122] : memref<100000x128xf32, #tpu.memory_space<hbm>> -> memref<128x128xf32, #tpu.memory_space<hbm>>
      tpu.wait_dma2 semaphore(%arg19 : memref<!tpu.dma_semaphore, #tpu.memory_space<semaphore_mem>>) src(%dma_wait3A_123 : memref<128x128xf32, #tpu.memory_space<hbm>>) dst(%arg17 : memref<128x128xf32, #tpu.memory_space<vmem>>)
      %ge3A_124 = arith.constant 1 : i32
      %ge3A_125 = arith.cmpi sge, %add3A_105, %ge3A_124 : i32
      %convert_element_type3A_126 = arith.extui %ge3A_125 : i1 to i32
      %cond3A_127 = arith.constant 0 : i32
      %cond3A_128 = arith.cmpi ne, %convert_element_type3A_126, %cond3A_127 : i32
      scf.if %cond3A_128 {
        %dma_wait3A_154 = arith.constant 0 : i32
        %dma_wait3A_155 = arith.constant 0 : i32
        %dma_wait3A_156 = tpu.memref_slice %arg8[%dma_wait3A_154, %dma_wait3A_155] : memref<163840x128xf32, #tpu.memory_space<hbm>> -> memref<128x128xf32, #tpu.memory_space<hbm>>
        %dma_wait3A_157 = arith.constant 0 : i32
        %dma_wait3A_158 = arith.constant 0 : i32
        %dma_wait3A_159 = tpu.memref_slice %arg8[%dma_wait3A_157, %dma_wait3A_158] : memref<163840x128xf32, #tpu.memory_space<hbm>> -> memref<128x128xf32, #tpu.memory_space<hbm>>
        tpu.wait_dma2 semaphore(%arg20 : memref<!tpu.dma_semaphore, #tpu.memory_space<semaphore_mem>>) src(%arg12 : memref<128x128xf32, #tpu.memory_space<vmem>>) dst(%dma_wait3A_159 : memref<128x128xf32, #tpu.memory_space<hbm>>)
      } else {
      }
      %ge3A_129 = arith.constant 1 : i32
      %ge3A_130 = arith.cmpi sge, %add3A_105, %ge3A_129 : i32
      %add3A_131 = arith.constant 1 : i32
      %add3A_132 = arith.addi %add3A_105, %add3A_131 : i32
      %lt3A_133 = arith.constant 40 : i32
      %lt3A_134 = arith.cmpi slt, %add3A_132, %lt3A_133 : i32
      %and3A_135 = arith.andi %ge3A_130, %lt3A_134 : i1
      %convert_element_type3A_136 = arith.extui %and3A_135 : i1 to i32
      %cond3A_137 = arith.constant 0 : i32
      %cond3A_138 = arith.cmpi ne, %convert_element_type3A_136, %cond3A_137 : i32
      scf.if %cond3A_138 {
        %add3A_154 = arith.constant 1 : i32
        %add3A_155 = arith.addi %add3A_105, %add3A_154 : i32
        %dma_start3A_156 = arith.constant 0 : i32
        %dma_start3A_157 = tpu.memref_slice %arg9[%add3A_155, %dma_start3A_156] : memref<40x128xi32, #tpu.memory_space<vmem>> -> memref<1x128xi32, #tpu.memory_space<vmem>>
        %dma_start3A_158 = tpu.memref_squeeze %dma_start3A_157 : memref<1x128xi32, #tpu.memory_space<vmem>> -> memref<128xi32, #tpu.memory_space<vmem>>
        %dma_start3A_159 = arith.constant 0 : i32
        %dma_start3A_160 = arith.constant 0 : i32
        %dma_start3A_161 = tpu.memref_slice %arg5[%dma_start3A_159, %dma_start3A_160] : memref<100000x128xf32, #tpu.memory_space<hbm>> -> memref<100000x128xf32, #tpu.memory_space<hbm>>
        tpu.enqueue_indirect_dma source(%dma_start3A_161 : memref<100000x128xf32, #tpu.memory_space<hbm>>) target(%arg12 : memref<128x128xf32, #tpu.memory_space<vmem>>) offsets(%dma_start3A_158 : memref<128xi32, #tpu.memory_space<vmem>>) semaphore(%arg18 : memref<!tpu.dma_semaphore, #tpu.memory_space<semaphore_mem>>)
        %dma_start3A_162 = arith.constant 0 : i32
        %dma_start3A_163 = tpu.memref_slice %arg10[%add3A_155, %dma_start3A_162] : memref<40x128xi32, #tpu.memory_space<vmem>> -> memref<1x128xi32, #tpu.memory_space<vmem>>
        %dma_start3A_164 = tpu.memref_squeeze %dma_start3A_163 : memref<1x128xi32, #tpu.memory_space<vmem>> -> memref<128xi32, #tpu.memory_space<vmem>>
        %dma_start3A_165 = arith.constant 0 : i32
        %dma_start3A_166 = arith.constant 0 : i32
        %dma_start3A_167 = tpu.memref_slice %arg6[%dma_start3A_165, %dma_start3A_166] : memref<100000x128xf32, #tpu.memory_space<hbm>> -> memref<100000x128xf32, #tpu.memory_space<hbm>>
        tpu.enqueue_indirect_dma source(%dma_start3A_167 : memref<100000x128xf32, #tpu.memory_space<hbm>>) target(%arg13 : memref<128x128xf32, #tpu.memory_space<vmem>>) offsets(%dma_start3A_164 : memref<128xi32, #tpu.memory_space<vmem>>) semaphore(%arg18 : memref<!tpu.dma_semaphore, #tpu.memory_space<semaphore_mem>>)
        %dma_start3A_168 = arith.constant 0 : i32
        %dma_start3A_169 = tpu.memref_slice %arg11[%add3A_155, %dma_start3A_168] : memref<40x128xi32, #tpu.memory_space<vmem>> -> memref<1x128xi32, #tpu.memory_space<vmem>>
        %dma_start3A_170 = tpu.memref_squeeze %dma_start3A_169 : memref<1x128xi32, #tpu.memory_space<vmem>> -> memref<128xi32, #tpu.memory_space<vmem>>
        %dma_start3A_171 = arith.constant 0 : i32
        %dma_start3A_172 = arith.constant 0 : i32
        %dma_start3A_173 = tpu.memref_slice %arg7[%dma_start3A_171, %dma_start3A_172] : memref<100000x128xf32, #tpu.memory_space<hbm>> -> memref<100000x128xf32, #tpu.memory_space<hbm>>
        tpu.enqueue_indirect_dma source(%dma_start3A_173 : memref<100000x128xf32, #tpu.memory_space<hbm>>) target(%arg14 : memref<128x128xf32, #tpu.memory_space<vmem>>) offsets(%dma_start3A_170 : memref<128xi32, #tpu.memory_space<vmem>>) semaphore(%arg18 : memref<!tpu.dma_semaphore, #tpu.memory_space<semaphore_mem>>)
      } else {
      }
      %scan3A_139 = arith.constant 0 : i32
      %scan3A_140 = arith.constant 0 : i32
      %scan3A_141 = arith.constant 128 : i32
      %scan3A_142 = arith.addi %scan3A_140, %scan3A_141 : i32
      %scan3A_143 = arith.constant 2 : i32
      scf.for %scan3A_154 = %scan3A_140 to %scan3A_142 step %scan3A_143  : i32 {
        %get3A = arith.index_cast %scan3A_154 : i32 to index
        %get3A_155 = arith.constant 0 : index
        %get3A_156 = tpu.vector_load %arg16[%get3A, %get3A_155] {strides = array<i32>} : memref<128x128xf32, #tpu.memory_space<vmem>>, vector<1x16xf32>,
        %get3A_157 = vector.shape_cast %get3A_156 : vector<1x16xf32> to vector<16xf32>
        %get3A_158 = arith.index_cast %scan3A_154 : i32 to index
        %get3A_159 = arith.constant 0 : index
        %get3A_160 = tpu.vector_load %arg17[%get3A_158, %get3A_159] {strides = array<i32>} : memref<128x128xf32, #tpu.memory_space<vmem>>, vector<1x16xf32>,
        %get3A_161 = vector.shape_cast %get3A_160 : vector<1x16xf32> to vector<16xf32>
        %add3A_162 = arith.addf %get3A_157, %get3A_161 : vector<16xf32>
        %swap3A = arith.index_cast %scan3A_154 : i32 to index
        %swap3A_163 = arith.constant 0 : index
        %swap3A_164 = tpu.vector_load %arg15[%swap3A, %swap3A_163] {strides = array<i32>} : memref<128x128xf32, #tpu.memory_space<vmem>>, vector<1x16xf32>,
        %swap3A_165 = vector.shape_cast %swap3A_164 : vector<1x16xf32> to vector<16xf32>
        %swap3A_166 = vector.shape_cast %add3A_162 : vector<16xf32> to vector<1x16xf32>
        tpu.vector_store %arg15[%swap3A, %swap3A_163], %swap3A_166 {add = true, strides = array<i32>} : memref<128x128xf32, #tpu.memory_space<vmem>>, vector<1x16xf32>,
        %get3A_167 = arith.index_cast %scan3A_154 : i32 to index
        %get3A_168 = arith.constant 16 : index
        %get3A_169 = tpu.vector_load %arg16[%get3A_167, %get3A_168] {strides = array<i32>} : memref<128x128xf32, #tpu.memory_space<vmem>>, vector<1x16xf32>,
        %get3A_170 = vector.shape_cast %get3A_169 : vector<1x16xf32> to vector<16xf32>
        %get3A_171 = arith.index_cast %scan3A_154 : i32 to index
        %get3A_172 = arith.constant 16 : index
        %get3A_173 = tpu.vector_load %arg17[%get3A_171, %get3A_172] {strides = array<i32>} : memref<128x128xf32, #tpu.memory_space<vmem>>, vector<1x16xf32>,
        %get3A_174 = vector.shape_cast %get3A_173 : vector<1x16xf32> to vector<16xf32>
        %add3A_175 = arith.addf %get3A_170, %get3A_174 : vector<16xf32>
        %swap3A_176 = arith.index_cast %scan3A_154 : i32 to index
        %swap3A_177 = arith.constant 16 : index
        %swap3A_178 = tpu.vector_load %arg15[%swap3A_176, %swap3A_177] {strides = array<i32>} : memref<128x128xf32, #tpu.memory_space<vmem>>, vector<1x16xf32>,
        %swap3A_179 = vector.shape_cast %swap3A_178 : vector<1x16xf32> to vector<16xf32>
        %swap3A_180 = vector.shape_cast %add3A_175 : vector<16xf32> to vector<1x16xf32>
        tpu.vector_store %arg15[%swap3A_176, %swap3A_177], %swap3A_180 {add = true, strides = array<i32>} : memref<128x128xf32, #tpu.memory_space<vmem>>, vector<1x16xf32>,
        %get3A_181 = arith.index_cast %scan3A_154 : i32 to index
        %get3A_182 = arith.constant 32 : index
        %get3A_183 = tpu.vector_load %arg16[%get3A_181, %get3A_182] {strides = array<i32>} : memref<128x128xf32, #tpu.memory_space<vmem>>, vector<1x16xf32>,
        %get3A_184 = vector.shape_cast %get3A_183 : vector<1x16xf32> to vector<16xf32>
        %get3A_185 = arith.index_cast %scan3A_154 : i32 to index
        %get3A_186 = arith.constant 32 : index
        %get3A_187 = tpu.vector_load %arg17[%get3A_185, %get3A_186] {strides = array<i32>} : memref<128x128xf32, #tpu.memory_space<vmem>>, vector<1x16xf32>,
        %get3A_188 = vector.shape_cast %get3A_187 : vector<1x16xf32> to vector<16xf32>
        %add3A_189 = arith.addf %get3A_184, %get3A_188 : vector<16xf32>
        %swap3A_190 = arith.index_cast %scan3A_154 : i32 to index
        %swap3A_191 = arith.constant 32 : index
        %swap3A_192 = tpu.vector_load %arg15[%swap3A_190, %swap3A_191] {strides = array<i32>} : memref<128x128xf32, #tpu.memory_space<vmem>>, vector<1x16xf32>,
        %swap3A_193 = vector.shape_cast %swap3A_192 : vector<1x16xf32> to vector<16xf32>
        %swap3A_194 = vector.shape_cast %add3A_189 : vector<16xf32> to vector<1x16xf32>
        tpu.vector_store %arg15[%swap3A_190, %swap3A_191], %swap3A_194 {add = true, strides = array<i32>} : memref<128x128xf32, #tpu.memory_space<vmem>>, vector<1x16xf32>,
        %get3A_195 = arith.index_cast %scan3A_154 : i32 to index
        %get3A_196 = arith.constant 48 : index
        %get3A_197 = tpu.vector_load %arg16[%get3A_195, %get3A_196] {strides = array<i32>} : memref<128x128xf32, #tpu.memory_space<vmem>>, vector<1x16xf32>,
        %get3A_198 = vector.shape_cast %get3A_197 : vector<1x16xf32> to vector<16xf32>
        %get3A_199 = arith.index_cast %scan3A_154 : i32 to index
        %get3A_200 = arith.constant 48 : index
        %get3A_201 = tpu.vector_load %arg17[%get3A_199, %get3A_200] {strides = array<i32>} : memref<128x128xf32, #tpu.memory_space<vmem>>, vector<1x16xf32>,
        %get3A_202 = vector.shape_cast %get3A_201 : vector<1x16xf32> to vector<16xf32>
        %add3A_203 = arith.addf %get3A_198, %get3A_202 : vector<16xf32>
        %swap3A_204 = arith.index_cast %scan3A_154 : i32 to index
        %swap3A_205 = arith.constant 48 : index
        %swap3A_206 = tpu.vector_load %arg15[%swap3A_204, %swap3A_205] {strides = array<i32>} : memref<128x128xf32, #tpu.memory_space<vmem>>, vector<1x16xf32>,
        %swap3A_207 = vector.shape_cast %swap3A_206 : vector<1x16xf32> to vector<16xf32>
        %swap3A_208 = vector.shape_cast %add3A_203 : vector<16xf32> to vector<1x16xf32>
        tpu.vector_store %arg15[%swap3A_204, %swap3A_205], %swap3A_208 {add = true, strides = array<i32>} : memref<128x128xf32, #tpu.memory_space<vmem>>, vector<1x16xf32>,
        %get3A_209 = arith.index_cast %scan3A_154 : i32 to index
        %get3A_210 = arith.constant 64 : index
        %get3A_211 = tpu.vector_load %arg16[%get3A_209, %get3A_210] {strides = array<i32>} : memref<128x128xf32, #tpu.memory_space<vmem>>, vector<1x16xf32>,
        %get3A_212 = vector.shape_cast %get3A_211 : vector<1x16xf32> to vector<16xf32>
        %get3A_213 = arith.index_cast %scan3A_154 : i32 to index
        %get3A_214 = arith.constant 64 : index
        %get3A_215 = tpu.vector_load %arg17[%get3A_213, %get3A_214] {strides = array<i32>} : memref<128x128xf32, #tpu.memory_space<vmem>>, vector<1x16xf32>,
        %get3A_216 = vector.shape_cast %get3A_215 : vector<1x16xf32> to vector<16xf32>
        %add3A_217 = arith.addf %get3A_212, %get3A_216 : vector<16xf32>
        %swap3A_218 = arith.index_cast %scan3A_154 : i32 to index
        %swap3A_219 = arith.constant 64 : index
        %swap3A_220 = tpu.vector_load %arg15[%swap3A_218, %swap3A_219] {strides = array<i32>} : memref<128x128xf32, #tpu.memory_space<vmem>>, vector<1x16xf32>,
        %swap3A_221 = vector.shape_cast %swap3A_220 : vector<1x16xf32> to vector<16xf32>
        %swap3A_222 = vector.shape_cast %add3A_217 : vector<16xf32> to vector<1x16xf32>
        tpu.vector_store %arg15[%swap3A_218, %swap3A_219], %swap3A_222 {add = true, strides = array<i32>} : memref<128x128xf32, #tpu.memory_space<vmem>>, vector<1x16xf32>,
        %get3A_223 = arith.index_cast %scan3A_154 : i32 to index
        %get3A_224 = arith.constant 80 : index
        %get3A_225 = tpu.vector_load %arg16[%get3A_223, %get3A_224] {strides = array<i32>} : memref<128x128xf32, #tpu.memory_space<vmem>>, vector<1x16xf32>,
        %get3A_226 = vector.shape_cast %get3A_225 : vector<1x16xf32> to vector<16xf32>
        %get3A_227 = arith.index_cast %scan3A_154 : i32 to index
        %get3A_228 = arith.constant 80 : index
        %get3A_229 = tpu.vector_load %arg17[%get3A_227, %get3A_228] {strides = array<i32>} : memref<128x128xf32, #tpu.memory_space<vmem>>, vector<1x16xf32>,
        %get3A_230 = vector.shape_cast %get3A_229 : vector<1x16xf32> to vector<16xf32>
        %add3A_231 = arith.addf %get3A_226, %get3A_230 : vector<16xf32>
        %swap3A_232 = arith.index_cast %scan3A_154 : i32 to index
        %swap3A_233 = arith.constant 80 : index
        %swap3A_234 = tpu.vector_load %arg15[%swap3A_232, %swap3A_233] {strides = array<i32>} : memref<128x128xf32, #tpu.memory_space<vmem>>, vector<1x16xf32>,
        %swap3A_235 = vector.shape_cast %swap3A_234 : vector<1x16xf32> to vector<16xf32>
        %swap3A_236 = vector.shape_cast %add3A_231 : vector<16xf32> to vector<1x16xf32>
        tpu.vector_store %arg15[%swap3A_232, %swap3A_233], %swap3A_236 {add = true, strides = array<i32>} : memref<128x128xf32, #tpu.memory_space<vmem>>, vector<1x16xf32>,
        %get3A_237 = arith.index_cast %scan3A_154 : i32 to index
        %get3A_238 = arith.constant 96 : index
        %get3A_239 = tpu.vector_load %arg16[%get3A_237, %get3A_238] {strides = array<i32>} : memref<128x128xf32, #tpu.memory_space<vmem>>, vector<1x16xf32>,
        %get3A_240 = vector.shape_cast %get3A_239 : vector<1x16xf32> to vector<16xf32>
        %get3A_241 = arith.index_cast %scan3A_154 : i32 to index
        %get3A_242 = arith.constant 96 : index
        %get3A_243 = tpu.vector_load %arg17[%get3A_241, %get3A_242] {strides = array<i32>} : memref<128x128xf32, #tpu.memory_space<vmem>>, vector<1x16xf32>,
        %get3A_244 = vector.shape_cast %get3A_243 : vector<1x16xf32> to vector<16xf32>
        %add3A_245 = arith.addf %get3A_240, %get3A_244 : vector<16xf32>
        %swap3A_246 = arith.index_cast %scan3A_154 : i32 to index
        %swap3A_247 = arith.constant 96 : index
        %swap3A_248 = tpu.vector_load %arg15[%swap3A_246, %swap3A_247] {strides = array<i32>} : memref<128x128xf32, #tpu.memory_space<vmem>>, vector<1x16xf32>,
        %swap3A_249 = vector.shape_cast %swap3A_248 : vector<1x16xf32> to vector<16xf32>
        %swap3A_250 = vector.shape_cast %add3A_245 : vector<16xf32> to vector<1x16xf32>
        tpu.vector_store %arg15[%swap3A_246, %swap3A_247], %swap3A_250 {add = true, strides = array<i32>} : memref<128x128xf32, #tpu.memory_space<vmem>>, vector<1x16xf32>,
        %get3A_251 = arith.index_cast %scan3A_154 : i32 to index
        %get3A_252 = arith.constant 112 : index
        %get3A_253 = tpu.vector_load %arg16[%get3A_251, %get3A_252] {strides = array<i32>} : memref<128x128xf32, #tpu.memory_space<vmem>>, vector<1x16xf32>,
        %get3A_254 = vector.shape_cast %get3A_253 : vector<1x16xf32> to vector<16xf32>
        %get3A_255 = arith.index_cast %scan3A_154 : i32 to index
        %get3A_256 = arith.constant 112 : index
        %get3A_257 = tpu.vector_load %arg17[%get3A_255, %get3A_256] {strides = array<i32>} : memref<128x128xf32, #tpu.memory_space<vmem>>, vector<1x16xf32>,
        %get3A_258 = vector.shape_cast %get3A_257 : vector<1x16xf32> to vector<16xf32>
        %add3A_259 = arith.addf %get3A_254, %get3A_258 : vector<16xf32>
        %swap3A_260 = arith.index_cast %scan3A_154 : i32 to index
        %swap3A_261 = arith.constant 112 : index
        %swap3A_262 = tpu.vector_load %arg15[%swap3A_260, %swap3A_261] {strides = array<i32>} : memref<128x128xf32, #tpu.memory_space<vmem>>, vector<1x16xf32>,
        %swap3A_263 = vector.shape_cast %swap3A_262 : vector<1x16xf32> to vector<16xf32>
        %swap3A_264 = vector.shape_cast %add3A_259 : vector<16xf32> to vector<1x16xf32>
        tpu.vector_store %arg15[%swap3A_260, %swap3A_261], %swap3A_264 {add = true, strides = array<i32>} : memref<128x128xf32, #tpu.memory_space<vmem>>, vector<1x16xf32>,
        %scan3A_265 = arith.constant 1 : i32
        %scan3A_266 = arith.addi %scan3A_154, %scan3A_265 : i32
        %get3A_267 = arith.index_cast %scan3A_266 : i32 to index
        %get3A_268 = arith.constant 0 : index
        %get3A_269 = tpu.vector_load %arg16[%get3A_267, %get3A_268] {strides = array<i32>} : memref<128x128xf32, #tpu.memory_space<vmem>>, vector<1x16xf32>,
        %get3A_270 = vector.shape_cast %get3A_269 : vector<1x16xf32> to vector<16xf32>
        %get3A_271 = arith.index_cast %scan3A_266 : i32 to index
        %get3A_272 = arith.constant 0 : index
        %get3A_273 = tpu.vector_load %arg17[%get3A_271, %get3A_272] {strides = array<i32>} : memref<128x128xf32, #tpu.memory_space<vmem>>, vector<1x16xf32>,
        %get3A_274 = vector.shape_cast %get3A_273 : vector<1x16xf32> to vector<16xf32>
        %add3A_275 = arith.addf %get3A_270, %get3A_274 : vector<16xf32>
        %swap3A_276 = arith.index_cast %scan3A_266 : i32 to index
        %swap3A_277 = arith.constant 0 : index
        %swap3A_278 = tpu.vector_load %arg15[%swap3A_276, %swap3A_277] {strides = array<i32>} : memref<128x128xf32, #tpu.memory_space<vmem>>, vector<1x16xf32>,
        %swap3A_279 = vector.shape_cast %swap3A_278 : vector<1x16xf32> to vector<16xf32>
        %swap3A_280 = vector.shape_cast %add3A_275 : vector<16xf32> to vector<1x16xf32>
        tpu.vector_store %arg15[%swap3A_276, %swap3A_277], %swap3A_280 {add = true, strides = array<i32>} : memref<128x128xf32, #tpu.memory_space<vmem>>, vector<1x16xf32>,
        %get3A_281 = arith.index_cast %scan3A_266 : i32 to index
        %get3A_282 = arith.constant 16 : index
        %get3A_283 = tpu.vector_load %arg16[%get3A_281, %get3A_282] {strides = array<i32>} : memref<128x128xf32, #tpu.memory_space<vmem>>, vector<1x16xf32>,
        %get3A_284 = vector.shape_cast %get3A_283 : vector<1x16xf32> to vector<16xf32>
        %get3A_285 = arith.index_cast %scan3A_266 : i32 to index
        %get3A_286 = arith.constant 16 : index
        %get3A_287 = tpu.vector_load %arg17[%get3A_285, %get3A_286] {strides = array<i32>} : memref<128x128xf32, #tpu.memory_space<vmem>>, vector<1x16xf32>,
        %get3A_288 = vector.shape_cast %get3A_287 : vector<1x16xf32> to vector<16xf32>
        %add3A_289 = arith.addf %get3A_284, %get3A_288 : vector<16xf32>
        %swap3A_290 = arith.index_cast %scan3A_266 : i32 to index
        %swap3A_291 = arith.constant 16 : index
        %swap3A_292 = tpu.vector_load %arg15[%swap3A_290, %swap3A_291] {strides = array<i32>} : memref<128x128xf32, #tpu.memory_space<vmem>>, vector<1x16xf32>,
        %swap3A_293 = vector.shape_cast %swap3A_292 : vector<1x16xf32> to vector<16xf32>
        %swap3A_294 = vector.shape_cast %add3A_289 : vector<16xf32> to vector<1x16xf32>
        tpu.vector_store %arg15[%swap3A_290, %swap3A_291], %swap3A_294 {add = true, strides = array<i32>} : memref<128x128xf32, #tpu.memory_space<vmem>>, vector<1x16xf32>,
        %get3A_295 = arith.index_cast %scan3A_266 : i32 to index
        %get3A_296 = arith.constant 32 : index
        %get3A_297 = tpu.vector_load %arg16[%get3A_295, %get3A_296] {strides = array<i32>} : memref<128x128xf32, #tpu.memory_space<vmem>>, vector<1x16xf32>,
        %get3A_298 = vector.shape_cast %get3A_297 : vector<1x16xf32> to vector<16xf32>
        %get3A_299 = arith.index_cast %scan3A_266 : i32 to index
        %get3A_300 = arith.constant 32 : index
        %get3A_301 = tpu.vector_load %arg17[%get3A_299, %get3A_300] {strides = array<i32>} : memref<128x128xf32, #tpu.memory_space<vmem>>, vector<1x16xf32>,
        %get3A_302 = vector.shape_cast %get3A_301 : vector<1x16xf32> to vector<16xf32>
        %add3A_303 = arith.addf %get3A_298, %get3A_302 : vector<16xf32>
        %swap3A_304 = arith.index_cast %scan3A_266 : i32 to index
        %swap3A_305 = arith.constant 32 : index
        %swap3A_306 = tpu.vector_load %arg15[%swap3A_304, %swap3A_305] {strides = array<i32>} : memref<128x128xf32, #tpu.memory_space<vmem>>, vector<1x16xf32>,
        %swap3A_307 = vector.shape_cast %swap3A_306 : vector<1x16xf32> to vector<16xf32>
        %swap3A_308 = vector.shape_cast %add3A_303 : vector<16xf32> to vector<1x16xf32>
        tpu.vector_store %arg15[%swap3A_304, %swap3A_305], %swap3A_308 {add = true, strides = array<i32>} : memref<128x128xf32, #tpu.memory_space<vmem>>, vector<1x16xf32>,
        %get3A_309 = arith.index_cast %scan3A_266 : i32 to index
        %get3A_310 = arith.constant 48 : index
        %get3A_311 = tpu.vector_load %arg16[%get3A_309, %get3A_310] {strides = array<i32>} : memref<128x128xf32, #tpu.memory_space<vmem>>, vector<1x16xf32>,
        %get3A_312 = vector.shape_cast %get3A_311 : vector<1x16xf32> to vector<16xf32>
        %get3A_313 = arith.index_cast %scan3A_266 : i32 to index
        %get3A_314 = arith.constant 48 : index
        %get3A_315 = tpu.vector_load %arg17[%get3A_313, %get3A_314] {strides = array<i32>} : memref<128x128xf32, #tpu.memory_space<vmem>>, vector<1x16xf32>,
        %get3A_316 = vector.shape_cast %get3A_315 : vector<1x16xf32> to vector<16xf32>
        %add3A_317 = arith.addf %get3A_312, %get3A_316 : vector<16xf32>
        %swap3A_318 = arith.index_cast %scan3A_266 : i32 to index
        %swap3A_319 = arith.constant 48 : index
        %swap3A_320 = tpu.vector_load %arg15[%swap3A_318, %swap3A_319] {strides = array<i32>} : memref<128x128xf32, #tpu.memory_space<vmem>>, vector<1x16xf32>,
        %swap3A_321 = vector.shape_cast %swap3A_320 : vector<1x16xf32> to vector<16xf32>
        %swap3A_322 = vector.shape_cast %add3A_317 : vector<16xf32> to vector<1x16xf32>
        tpu.vector_store %arg15[%swap3A_318, %swap3A_319], %swap3A_322 {add = true, strides = array<i32>} : memref<128x128xf32, #tpu.memory_space<vmem>>, vector<1x16xf32>,
        %get3A_323 = arith.index_cast %scan3A_266 : i32 to index
        %get3A_324 = arith.constant 64 : index
        %get3A_325 = tpu.vector_load %arg16[%get3A_323, %get3A_324] {strides = array<i32>} : memref<128x128xf32, #tpu.memory_space<vmem>>, vector<1x16xf32>,
        %get3A_326 = vector.shape_cast %get3A_325 : vector<1x16xf32> to vector<16xf32>
        %get3A_327 = arith.index_cast %scan3A_266 : i32 to index
        %get3A_328 = arith.constant 64 : index
        %get3A_329 = tpu.vector_load %arg17[%get3A_327, %get3A_328] {strides = array<i32>} : memref<128x128xf32, #tpu.memory_space<vmem>>, vector<1x16xf32>,
        %get3A_330 = vector.shape_cast %get3A_329 : vector<1x16xf32> to vector<16xf32>
        %add3A_331 = arith.addf %get3A_326, %get3A_330 : vector<16xf32>
        %swap3A_332 = arith.index_cast %scan3A_266 : i32 to index
        %swap3A_333 = arith.constant 64 : index
        %swap3A_334 = tpu.vector_load %arg15[%swap3A_332, %swap3A_333] {strides = array<i32>} : memref<128x128xf32, #tpu.memory_space<vmem>>, vector<1x16xf32>,
        %swap3A_335 = vector.shape_cast %swap3A_334 : vector<1x16xf32> to vector<16xf32>
        %swap3A_336 = vector.shape_cast %add3A_331 : vector<16xf32> to vector<1x16xf32>
        tpu.vector_store %arg15[%swap3A_332, %swap3A_333], %swap3A_336 {add = true, strides = array<i32>} : memref<128x128xf32, #tpu.memory_space<vmem>>, vector<1x16xf32>,
        %get3A_337 = arith.index_cast %scan3A_266 : i32 to index
        %get3A_338 = arith.constant 80 : index
        %get3A_339 = tpu.vector_load %arg16[%get3A_337, %get3A_338] {strides = array<i32>} : memref<128x128xf32, #tpu.memory_space<vmem>>, vector<1x16xf32>,
        %get3A_340 = vector.shape_cast %get3A_339 : vector<1x16xf32> to vector<16xf32>
        %get3A_341 = arith.index_cast %scan3A_266 : i32 to index
        %get3A_342 = arith.constant 80 : index
        %get3A_343 = tpu.vector_load %arg17[%get3A_341, %get3A_342] {strides = array<i32>} : memref<128x128xf32, #tpu.memory_space<vmem>>, vector<1x16xf32>,
        %get3A_344 = vector.shape_cast %get3A_343 : vector<1x16xf32> to vector<16xf32>
        %add3A_345 = arith.addf %get3A_340, %get3A_344 : vector<16xf32>
        %swap3A_346 = arith.index_cast %scan3A_266 : i32 to index
        %swap3A_347 = arith.constant 80 : index
        %swap3A_348 = tpu.vector_load %arg15[%swap3A_346, %swap3A_347] {strides = array<i32>} : memref<128x128xf32, #tpu.memory_space<vmem>>, vector<1x16xf32>,
        %swap3A_349 = vector.shape_cast %swap3A_348 : vector<1x16xf32> to vector<16xf32>
        %swap3A_350 = vector.shape_cast %add3A_345 : vector<16xf32> to vector<1x16xf32>
        tpu.vector_store %arg15[%swap3A_346, %swap3A_347], %swap3A_350 {add = true, strides = array<i32>} : memref<128x128xf32, #tpu.memory_space<vmem>>, vector<1x16xf32>,
        %get3A_351 = arith.index_cast %scan3A_266 : i32 to index
        %get3A_352 = arith.constant 96 : index
        %get3A_353 = tpu.vector_load %arg16[%get3A_351, %get3A_352] {strides = array<i32>} : memref<128x128xf32, #tpu.memory_space<vmem>>, vector<1x16xf32>,
        %get3A_354 = vector.shape_cast %get3A_353 : vector<1x16xf32> to vector<16xf32>
        %get3A_355 = arith.index_cast %scan3A_266 : i32 to index
        %get3A_356 = arith.constant 96 : index
        %get3A_357 = tpu.vector_load %arg17[%get3A_355, %get3A_356] {strides = array<i32>} : memref<128x128xf32, #tpu.memory_space<vmem>>, vector<1x16xf32>,
        %get3A_358 = vector.shape_cast %get3A_357 : vector<1x16xf32> to vector<16xf32>
        %add3A_359 = arith.addf %get3A_354, %get3A_358 : vector<16xf32>
        %swap3A_360 = arith.index_cast %scan3A_266 : i32 to index
        %swap3A_361 = arith.constant 96 : index
        %swap3A_362 = tpu.vector_load %arg15[%swap3A_360, %swap3A_361] {strides = array<i32>} : memref<128x128xf32, #tpu.memory_space<vmem>>, vector<1x16xf32>,
        %swap3A_363 = vector.shape_cast %swap3A_362 : vector<1x16xf32> to vector<16xf32>
        %swap3A_364 = vector.shape_cast %add3A_359 : vector<16xf32> to vector<1x16xf32>
        tpu.vector_store %arg15[%swap3A_360, %swap3A_361], %swap3A_364 {add = true, strides = array<i32>} : memref<128x128xf32, #tpu.memory_space<vmem>>, vector<1x16xf32>,
        %get3A_365 = arith.index_cast %scan3A_266 : i32 to index
        %get3A_366 = arith.constant 112 : index
        %get3A_367 = tpu.vector_load %arg16[%get3A_365, %get3A_366] {strides = array<i32>} : memref<128x128xf32, #tpu.memory_space<vmem>>, vector<1x16xf32>,
        %get3A_368 = vector.shape_cast %get3A_367 : vector<1x16xf32> to vector<16xf32>
        %get3A_369 = arith.index_cast %scan3A_266 : i32 to index
        %get3A_370 = arith.constant 112 : index
        %get3A_371 = tpu.vector_load %arg17[%get3A_369, %get3A_370] {strides = array<i32>} : memref<128x128xf32, #tpu.memory_space<vmem>>, vector<1x16xf32>,
        %get3A_372 = vector.shape_cast %get3A_371 : vector<1x16xf32> to vector<16xf32>
        %add3A_373 = arith.addf %get3A_368, %get3A_372 : vector<16xf32>
        %swap3A_374 = arith.index_cast %scan3A_266 : i32 to index
        %swap3A_375 = arith.constant 112 : index
        %swap3A_376 = tpu.vector_load %arg15[%swap3A_374, %swap3A_375] {strides = array<i32>} : memref<128x128xf32, #tpu.memory_space<vmem>>, vector<1x16xf32>,
        %swap3A_377 = vector.shape_cast %swap3A_376 : vector<1x16xf32> to vector<16xf32>
        %swap3A_378 = vector.shape_cast %add3A_373 : vector<16xf32> to vector<1x16xf32>
        tpu.vector_store %arg15[%swap3A_374, %swap3A_375], %swap3A_378 {add = true, strides = array<i32>} : memref<128x128xf32, #tpu.memory_space<vmem>>, vector<1x16xf32>,
      }
      %scan3A_144 = arith.constant 128 : i32
      %mul3A_145 = arith.constant 5120 : i32
      %mul3A_146 = arith.muli %add3A, %mul3A_145 : i32
      %mul3A_147 = arith.constant 128 : i32
      %mul3A_148 = arith.muli %add3A_105, %mul3A_147 : i32
      %add3A_149 = arith.addi %mul3A_146, %mul3A_148 : i32
      %dma_start3A_150 = arith.constant 0 : i32
      %dma_start3A_151 = tpu.memref_slice %arg8[%add3A_149, %dma_start3A_150] : memref<163840x128xf32, #tpu.memory_space<hbm>> -> memref<128x128xf32, #tpu.memory_space<hbm>>
      %dma_start3A_152 = arith.constant 0 : i32
      %dma_start3A_153 = tpu.memref_slice %arg8[%add3A_149, %dma_start3A_152] : memref<163840x128xf32, #tpu.memory_space<hbm>> -> memref<128x128xf32, #tpu.memory_space<hbm>>
      tpu.enqueue_dma source(%arg15 : memref<128x128xf32, #tpu.memory_space<vmem>>) target(%dma_start3A_153 : memref<128x128xf32, #tpu.memory_space<hbm>>) target_semaphore(%arg21 : memref<!tpu.dma_semaphore, #tpu.memory_space<semaphore_mem>>)
    }
    %scan3A_48 = arith.constant 20 : i32
    %dma_wait3A = arith.constant 0 : i32
    %dma_wait3A_49 = arith.constant 0 : i32
    %dma_wait3A_50 = tpu.memref_slice %arg8[%dma_wait3A, %dma_wait3A_49] : memref<163840x128xf32, #tpu.memory_space<hbm>> -> memref<128x128xf32, #tpu.memory_space<hbm>>
    %dma_wait3A_51 = arith.constant 0 : i32
    %dma_wait3A_52 = arith.constant 0 : i32
    %dma_wait3A_53 = tpu.memref_slice %arg8[%dma_wait3A_51, %dma_wait3A_52] : memref<163840x128xf32, #tpu.memory_space<hbm>> -> memref<128x128xf32, #tpu.memory_space<hbm>>
    tpu.wait_dma2 semaphore(%arg21 : memref<!tpu.dma_semaphore, #tpu.memory_space<semaphore_mem>>) src(%arg15 : memref<128x128xf32, #tpu.memory_space<vmem>>) dst(%dma_wait3A_53 : memref<128x128xf32, #tpu.memory_space<hbm>>)
    return
  }
}

#map = affine_map<(d0, d1) -> (0, 0, 0, 0)>
#map1 = affine_map<(d0, d1) -> (0, 0)>
module attributes {stable_mosaic.version = 14 : i64} {
  func.func @k(%arg0: i32, %arg1: i32, %arg2: memref<2x32x40x128xi32, #tpu.memory_space<hbm>>, %arg3: memref<2x32x40x128xi32, #tpu.memory_space<hbm>>, %arg4: memref<2x32x40x128xi32, #tpu.memory_space<hbm>>, %arg5: memref<100000x128xf32, #tpu.memory_space<hbm>>, %arg6: memref<100000x128xf32, #tpu.memory_space<hbm>>, %arg7: memref<100000x128xf32, #tpu.memory_space<hbm>>, %arg8: memref<163840x128xf32, #tpu.memory_space<hbm>>, %arg9: memref<40x128xi32, #tpu.memory_space<vmem>>, %arg10: memref<40x128xi32, #tpu.memory_space<vmem>>, %arg11: memref<40x128xi32, #tpu.memory_space<vmem>>, %arg12: memref<128x128xf32, #tpu.memory_space<vmem>>, %arg13: memref<128x128xf32, #tpu.memory_space<vmem>>, %arg14: memref<128x128xf32, #tpu.memory_space<vmem>>, %arg15: memref<128x128xf32, #tpu.memory_space<vmem>>, %arg16: memref<128x128xf32, #tpu.memory_space<vmem>>, %arg17: memref<128x128xf32, #tpu.memory_space<vmem>>, %arg18: memref<!tpu.dma_semaphore, #tpu.memory_space<semaphore_mem>>, %arg19: memref<!tpu.dma_semaphore, #tpu.memory_space<semaphore_mem>>, %arg20: memref<!tpu.dma_semaphore, #tpu.memory_space<semaphore_mem>>, %arg21: memref<!tpu.dma_semaphore, #tpu.memory_space<semaphore_mem>>) attributes {dimension_semantics = [#tpu.dimension_semantics<core_parallel>, #tpu.dimension_semantics<subcore_parallel>], iteration_bounds = array<i64: 2, 16>, scalar_prefetch = 0 : i64, scratch_operands = 13 : i64, tpu.core_type = #tpu.core_type<sc_vector_subcore>, window_params = [{transform_indices = #map}, {transform_indices = #map}, {transform_indices = #map}, {transform_indices = #map1}, {transform_indices = #map1}, {transform_indices = #map1}, {transform_indices = #map1}]} {
    %mul3A = arith.constant 2 : i32
    %mul3A_0 = arith.muli %arg1, %mul3A : i32
    %add3A = arith.addi %mul3A_0, %arg0 : i32
    %run_scoped3A = arith.constant 1 : i32
    "tpu.region"() ({
      %run_scoped3A_54 = tpu.sem_alloc : memref<!tpu.dma_semaphore, #tpu.memory_space<semaphore_mem>>
      %dma_start3A_55 = arith.constant 0 : i32
      %dma_start3A_56 = arith.constant 0 : i32
      %dma_start3A_57 = arith.constant 0 : i32
      %dma_start3A_58 = tpu.memref_slice %arg2[%run_scoped3A, %dma_start3A_55, %dma_start3A_56, %dma_start3A_57] : memref<2x32x40x128xi32, #tpu.memory_space<hbm>> -> memref<1x32x40x128xi32, #tpu.memory_space<hbm>>
      %dma_start3A_59 = tpu.memref_squeeze %dma_start3A_58 : memref<1x32x40x128xi32, #tpu.memory_space<hbm>> -> memref<32x40x128xi32, #tpu.memory_space<hbm>>
      %dma_start3A_60 = arith.constant 0 : i32
      %dma_start3A_61 = arith.constant 0 : i32
      %dma_start3A_62 = tpu.memref_slice %dma_start3A_59[%add3A, %dma_start3A_60, %dma_start3A_61] : memref<32x40x128xi32, #tpu.memory_space<hbm>> -> memref<1x40x128xi32, #tpu.memory_space<hbm>>
      %dma_start3A_63 = tpu.memref_squeeze %dma_start3A_62 : memref<1x40x128xi32, #tpu.memory_space<hbm>> -> memref<40x128xi32, #tpu.memory_space<hbm>>
      %dma_start3A_64 = arith.constant 0 : i32
      %dma_start3A_65 = arith.constant 0 : i32
      %dma_start3A_66 = arith.constant 0 : i32
      %dma_start3A_67 = tpu.memref_slice %arg2[%run_scoped3A, %dma_start3A_64, %dma_start3A_65, %dma_start3A_66] : memref<2x32x40x128xi32, #tpu.memory_space<hbm>> -> memref<1x32x40x128xi32, #tpu.memory_space<hbm>>
      %dma_start3A_68 = tpu.memref_squeeze %dma_start3A_67 : memref<1x32x40x128xi32, #tpu.memory_space<hbm>> -> memref<32x40x128xi32, #tpu.memory_space<hbm>>
      %dma_start3A_69 = arith.constant 0 : i32
      %dma_start3A_70 = arith.constant 0 : i32
      %dma_start3A_71 = tpu.memref_slice %dma_start3A_68[%add3A, %dma_start3A_69, %dma_start3A_70] : memref<32x40x128xi32, #tpu.memory_space<hbm>> -> memref<1x40x128xi32, #tpu.memory_space<hbm>>
      %dma_start3A_72 = tpu.memref_squeeze %dma_start3A_71 : memref<1x40x128xi32, #tpu.memory_space<hbm>> -> memref<40x128xi32, #tpu.memory_space<hbm>>
      tpu.enqueue_dma source(%dma_start3A_72 : memref<40x128xi32, #tpu.memory_space<hbm>>) target(%arg9 : memref<40x128xi32, #tpu.memory_space<vmem>>) target_semaphore(%run_scoped3A_54 : memref<!tpu.dma_semaphore, #tpu.memory_space<semaphore_mem>>)
      %dma_wait3A_73 = arith.constant 0 : i32
      %dma_wait3A_74 = arith.constant 0 : i32
      %dma_wait3A_75 = arith.constant 0 : i32
      %dma_wait3A_76 = tpu.memref_slice %arg2[%run_scoped3A, %dma_wait3A_73, %dma_wait3A_74, %dma_wait3A_75] : memref<2x32x40x128xi32, #tpu.memory_space<hbm>> -> memref<1x32x40x128xi32, #tpu.memory_space<hbm>>
      %dma_wait3A_77 = tpu.memref_squeeze %dma_wait3A_76 : memref<1x32x40x128xi32, #tpu.memory_space<hbm>> -> memref<32x40x128xi32, #tpu.memory_space<hbm>>
      %dma_wait3A_78 = arith.constant 0 : i32
      %dma_wait3A_79 = arith.constant 0 : i32
      %dma_wait3A_80 = tpu.memref_slice %dma_wait3A_77[%add3A, %dma_wait3A_78, %dma_wait3A_79] : memref<32x40x128xi32, #tpu.memory_space<hbm>> -> memref<1x40x128xi32, #tpu.memory_space<hbm>>
      %dma_wait3A_81 = tpu.memref_squeeze %dma_wait3A_80 : memref<1x40x128xi32, #tpu.memory_space<hbm>> -> memref<40x128xi32, #tpu.memory_space<hbm>>
      %dma_wait3A_82 = arith.constant 0 : i32
      %dma_wait3A_83 = arith.constant 0 : i32
      %dma_wait3A_84 = arith.constant 0 : i32
      %dma_wait3A_85 = tpu.memref_slice %arg2[%run_scoped3A, %dma_wait3A_82, %dma_wait3A_83, %dma_wait3A_84] : memref<2x32x40x128xi32, #tpu.memory_space<hbm>> -> memref<1x32x40x128xi32, #tpu.memory_space<hbm>>
      %dma_wait3A_86 = tpu.memref_squeeze %dma_wait3A_85 : memref<1x32x40x128xi32, #tpu.memory_space<hbm>> -> memref<32x40x128xi32, #tpu.memory_space<hbm>>
      %dma_wait3A_87 = arith.constant 0 : i32
      %dma_wait3A_88 = arith.constant 0 : i32
      %dma_wait3A_89 = tpu.memref_slice %dma_wait3A_86[%add3A, %dma_wait3A_87, %dma_wait3A_88] : memref<32x40x128xi32, #tpu.memory_space<hbm>> -> memref<1x40x128xi32, #tpu.memory_space<hbm>>
      %dma_wait3A_90 = tpu.memref_squeeze %dma_wait3A_89 : memref<1x40x128xi32, #tpu.memory_space<hbm>> -> memref<40x128xi32, #tpu.memory_space<hbm>>
      tpu.wait_dma2 semaphore(%run_scoped3A_54 : memref<!tpu.dma_semaphore, #tpu.memory_space<semaphore_mem>>) src(%dma_wait3A_90 : memref<40x128xi32, #tpu.memory_space<hbm>>) dst(%arg9 : memref<40x128xi32, #tpu.memory_space<vmem>>)
      tpu.yield
    }) : () -> ()
    %run_scoped3A_1 = arith.constant 1 : i32
    "tpu.region"() ({
      %run_scoped3A_54 = tpu.sem_alloc : memref<!tpu.dma_semaphore, #tpu.memory_space<semaphore_mem>>
      %dma_start3A_55 = arith.constant 0 : i32
      %dma_start3A_56 = arith.constant 0 : i32
      %dma_start3A_57 = arith.constant 0 : i32
      %dma_start3A_58 = tpu.memref_slice %arg3[%run_scoped3A_1, %dma_start3A_55, %dma_start3A_56, %dma_start3A_57] : memref<2x32x40x128xi32, #tpu.memory_space<hbm>> -> memref<1x32x40x128xi32, #tpu.memory_space<hbm>>
      %dma_start3A_59 = tpu.memref_squeeze %dma_start3A_58 : memref<1x32x40x128xi32, #tpu.memory_space<hbm>> -> memref<32x40x128xi32, #tpu.memory_space<hbm>>
      %dma_start3A_60 = arith.constant 0 : i32
      %dma_start3A_61 = arith.constant 0 : i32
      %dma_start3A_62 = tpu.memref_slice %dma_start3A_59[%add3A, %dma_start3A_60, %dma_start3A_61] : memref<32x40x128xi32, #tpu.memory_space<hbm>> -> memref<1x40x128xi32, #tpu.memory_space<hbm>>
      %dma_start3A_63 = tpu.memref_squeeze %dma_start3A_62 : memref<1x40x128xi32, #tpu.memory_space<hbm>> -> memref<40x128xi32, #tpu.memory_space<hbm>>
      %dma_start3A_64 = arith.constant 0 : i32
      %dma_start3A_65 = arith.constant 0 : i32
      %dma_start3A_66 = arith.constant 0 : i32
      %dma_start3A_67 = tpu.memref_slice %arg3[%run_scoped3A_1, %dma_start3A_64, %dma_start3A_65, %dma_start3A_66] : memref<2x32x40x128xi32, #tpu.memory_space<hbm>> -> memref<1x32x40x128xi32, #tpu.memory_space<hbm>>
      %dma_start3A_68 = tpu.memref_squeeze %dma_start3A_67 : memref<1x32x40x128xi32, #tpu.memory_space<hbm>> -> memref<32x40x128xi32, #tpu.memory_space<hbm>>
      %dma_start3A_69 = arith.constant 0 : i32
      %dma_start3A_70 = arith.constant 0 : i32
      %dma_start3A_71 = tpu.memref_slice %dma_start3A_68[%add3A, %dma_start3A_69, %dma_start3A_70] : memref<32x40x128xi32, #tpu.memory_space<hbm>> -> memref<1x40x128xi32, #tpu.memory_space<hbm>>
      %dma_start3A_72 = tpu.memref_squeeze %dma_start3A_71 : memref<1x40x128xi32, #tpu.memory_space<hbm>> -> memref<40x128xi32, #tpu.memory_space<hbm>>
      tpu.enqueue_dma source(%dma_start3A_72 : memref<40x128xi32, #tpu.memory_space<hbm>>) target(%arg10 : memref<40x128xi32, #tpu.memory_space<vmem>>) target_semaphore(%run_scoped3A_54 : memref<!tpu.dma_semaphore, #tpu.memory_space<semaphore_mem>>)
      %dma_wait3A_73 = arith.constant 0 : i32
      %dma_wait3A_74 = arith.constant 0 : i32
      %dma_wait3A_75 = arith.constant 0 : i32
      %dma_wait3A_76 = tpu.memref_slice %arg3[%run_scoped3A_1, %dma_wait3A_73, %dma_wait3A_74, %dma_wait3A_75] : memref<2x32x40x128xi32, #tpu.memory_space<hbm>> -> memref<1x32x40x128xi32, #tpu.memory_space<hbm>>
      %dma_wait3A_77 = tpu.memref_squeeze %dma_wait3A_76 : memref<1x32x40x128xi32, #tpu.memory_space<hbm>> -> memref<32x40x128xi32, #tpu.memory_space<hbm>>
      %dma_wait3A_78 = arith.constant 0 : i32
      %dma_wait3A_79 = arith.constant 0 : i32
      %dma_wait3A_80 = tpu.memref_slice %dma_wait3A_77[%add3A, %dma_wait3A_78, %dma_wait3A_79] : memref<32x40x128xi32, #tpu.memory_space<hbm>> -> memref<1x40x128xi32, #tpu.memory_space<hbm>>
      %dma_wait3A_81 = tpu.memref_squeeze %dma_wait3A_80 : memref<1x40x128xi32, #tpu.memory_space<hbm>> -> memref<40x128xi32, #tpu.memory_space<hbm>>
      %dma_wait3A_82 = arith.constant 0 : i32
      %dma_wait3A_83 = arith.constant 0 : i32
      %dma_wait3A_84 = arith.constant 0 : i32
      %dma_wait3A_85 = tpu.memref_slice %arg3[%run_scoped3A_1, %dma_wait3A_82, %dma_wait3A_83, %dma_wait3A_84] : memref<2x32x40x128xi32, #tpu.memory_space<hbm>> -> memref<1x32x40x128xi32, #tpu.memory_space<hbm>>
      %dma_wait3A_86 = tpu.memref_squeeze %dma_wait3A_85 : memref<1x32x40x128xi32, #tpu.memory_space<hbm>> -> memref<32x40x128xi32, #tpu.memory_space<hbm>>
      %dma_wait3A_87 = arith.constant 0 : i32
      %dma_wait3A_88 = arith.constant 0 : i32
      %dma_wait3A_89 = tpu.memref_slice %dma_wait3A_86[%add3A, %dma_wait3A_87, %dma_wait3A_88] : memref<32x40x128xi32, #tpu.memory_space<hbm>> -> memref<1x40x128xi32, #tpu.memory_space<hbm>>
      %dma_wait3A_90 = tpu.memref_squeeze %dma_wait3A_89 : memref<1x40x128xi32, #tpu.memory_space<hbm>> -> memref<40x128xi32, #tpu.memory_space<hbm>>
      tpu.wait_dma2 semaphore(%run_scoped3A_54 : memref<!tpu.dma_semaphore, #tpu.memory_space<semaphore_mem>>) src(%dma_wait3A_90 : memref<40x128xi32, #tpu.memory_space<hbm>>) dst(%arg10 : memref<40x128xi32, #tpu.memory_space<vmem>>)
      tpu.yield
    }) : () -> ()
    %run_scoped3A_2 = arith.constant 1 : i32
    "tpu.region"() ({
      %run_scoped3A_54 = tpu.sem_alloc : memref<!tpu.dma_semaphore, #tpu.memory_space<semaphore_mem>>
      %dma_start3A_55 = arith.constant 0 : i32
      %dma_start3A_56 = arith.constant 0 : i32
      %dma_start3A_57 = arith.constant 0 : i32
      %dma_start3A_58 = tpu.memref_slice %arg4[%run_scoped3A_2, %dma_start3A_55, %dma_start3A_56, %dma_start3A_57] : memref<2x32x40x128xi32, #tpu.memory_space<hbm>> -> memref<1x32x40x128xi32, #tpu.memory_space<hbm>>
      %dma_start3A_59 = tpu.memref_squeeze %dma_start3A_58 : memref<1x32x40x128xi32, #tpu.memory_space<hbm>> -> memref<32x40x128xi32, #tpu.memory_space<hbm>>
      %dma_start3A_60 = arith.constant 0 : i32
      %dma_start3A_61 = arith.constant 0 : i32
      %dma_start3A_62 = tpu.memref_slice %dma_start3A_59[%add3A, %dma_start3A_60, %dma_start3A_61] : memref<32x40x128xi32, #tpu.memory_space<hbm>> -> memref<1x40x128xi32, #tpu.memory_space<hbm>>
      %dma_start3A_63 = tpu.memref_squeeze %dma_start3A_62 : memref<1x40x128xi32, #tpu.memory_space<hbm>> -> memref<40x128xi32, #tpu.memory_space<hbm>>
      %dma_start3A_64 = arith.constant 0 : i32
      %dma_start3A_65 = arith.constant 0 : i32
      %dma_start3A_66 = arith.constant 0 : i32
      %dma_start3A_67 = tpu.memref_slice %arg4[%run_scoped3A_2, %dma_start3A_64, %dma_start3A_65, %dma_start3A_66] : memref<2x32x40x128xi32, #tpu.memory_space<hbm>> -> memref<1x32x40x128xi32, #tpu.memory_space<hbm>>
      %dma_start3A_68 = tpu.memref_squeeze %dma_start3A_67 : memref<1x32x40x128xi32, #tpu.memory_space<hbm>> -> memref<32x40x128xi32, #tpu.memory_space<hbm>>
      %dma_start3A_69 = arith.constant 0 : i32
      %dma_start3A_70 = arith.constant 0 : i32
      %dma_start3A_71 = tpu.memref_slice %dma_start3A_68[%add3A, %dma_start3A_69, %dma_start3A_70] : memref<32x40x128xi32, #tpu.memory_space<hbm>> -> memref<1x40x128xi32, #tpu.memory_space<hbm>>
      %dma_start3A_72 = tpu.memref_squeeze %dma_start3A_71 : memref<1x40x128xi32, #tpu.memory_space<hbm>> -> memref<40x128xi32, #tpu.memory_space<hbm>>
      tpu.enqueue_dma source(%dma_start3A_72 : memref<40x128xi32, #tpu.memory_space<hbm>>) target(%arg11 : memref<40x128xi32, #tpu.memory_space<vmem>>) target_semaphore(%run_scoped3A_54 : memref<!tpu.dma_semaphore, #tpu.memory_space<semaphore_mem>>)
      %dma_wait3A_73 = arith.constant 0 : i32
      %dma_wait3A_74 = arith.constant 0 : i32
      %dma_wait3A_75 = arith.constant 0 : i32
      %dma_wait3A_76 = tpu.memref_slice %arg4[%run_scoped3A_2, %dma_wait3A_73, %dma_wait3A_74, %dma_wait3A_75] : memref<2x32x40x128xi32, #tpu.memory_space<hbm>> -> memref<1x32x40x128xi32, #tpu.memory_space<hbm>>
      %dma_wait3A_77 = tpu.memref_squeeze %dma_wait3A_76 : memref<1x32x40x128xi32, #tpu.memory_space<hbm>> -> memref<32x40x128xi32, #tpu.memory_space<hbm>>
      %dma_wait3A_78 = arith.constant 0 : i32
      %dma_wait3A_79 = arith.constant 0 : i32
      %dma_wait3A_80 = tpu.memref_slice %dma_wait3A_77[%add3A, %dma_wait3A_78, %dma_wait3A_79] : memref<32x40x128xi32, #tpu.memory_space<hbm>> -> memref<1x40x128xi32, #tpu.memory_space<hbm>>
      %dma_wait3A_81 = tpu.memref_squeeze %dma_wait3A_80 : memref<1x40x128xi32, #tpu.memory_space<hbm>> -> memref<40x128xi32, #tpu.memory_space<hbm>>
      %dma_wait3A_82 = arith.constant 0 : i32
      %dma_wait3A_83 = arith.constant 0 : i32
      %dma_wait3A_84 = arith.constant 0 : i32
      %dma_wait3A_85 = tpu.memref_slice %arg4[%run_scoped3A_2, %dma_wait3A_82, %dma_wait3A_83, %dma_wait3A_84] : memref<2x32x40x128xi32, #tpu.memory_space<hbm>> -> memref<1x32x40x128xi32, #tpu.memory_space<hbm>>
      %dma_wait3A_86 = tpu.memref_squeeze %dma_wait3A_85 : memref<1x32x40x128xi32, #tpu.memory_space<hbm>> -> memref<32x40x128xi32, #tpu.memory_space<hbm>>
      %dma_wait3A_87 = arith.constant 0 : i32
      %dma_wait3A_88 = arith.constant 0 : i32
      %dma_wait3A_89 = tpu.memref_slice %dma_wait3A_86[%add3A, %dma_wait3A_87, %dma_wait3A_88] : memref<32x40x128xi32, #tpu.memory_space<hbm>> -> memref<1x40x128xi32, #tpu.memory_space<hbm>>
      %dma_wait3A_90 = tpu.memref_squeeze %dma_wait3A_89 : memref<1x40x128xi32, #tpu.memory_space<hbm>> -> memref<40x128xi32, #tpu.memory_space<hbm>>
      tpu.wait_dma2 semaphore(%run_scoped3A_54 : memref<!tpu.dma_semaphore, #tpu.memory_space<semaphore_mem>>) src(%dma_wait3A_90 : memref<40x128xi32, #tpu.memory_space<hbm>>) dst(%arg11 : memref<40x128xi32, #tpu.memory_space<vmem>>)
      tpu.yield
    }) : () -> ()
    %dma_start3A = arith.constant 0 : i32
    %dma_start3A_3 = arith.constant 0 : i32
    %dma_start3A_4 = tpu.memref_slice %arg9[%dma_start3A, %dma_start3A_3] : memref<40x128xi32, #tpu.memory_space<vmem>> -> memref<1x128xi32, #tpu.memory_space<vmem>>
    %dma_start3A_5 = tpu.memref_squeeze %dma_start3A_4 : memref<1x128xi32, #tpu.memory_space<vmem>> -> memref<128xi32, #tpu.memory_space<vmem>>
    %dma_start3A_6 = arith.constant 0 : i32
    %dma_start3A_7 = arith.constant 0 : i32
    %dma_start3A_8 = tpu.memref_slice %arg5[%dma_start3A_6, %dma_start3A_7] : memref<100000x128xf32, #tpu.memory_space<hbm>> -> memref<100000x128xf32, #tpu.memory_space<hbm>>
    tpu.enqueue_indirect_dma source(%dma_start3A_8 : memref<100000x128xf32, #tpu.memory_space<hbm>>) target(%arg12 : memref<128x128xf32, #tpu.memory_space<vmem>>) offsets(%dma_start3A_5 : memref<128xi32, #tpu.memory_space<vmem>>) semaphore(%arg18 : memref<!tpu.dma_semaphore, #tpu.memory_space<semaphore_mem>>)
    %dma_start3A_9 = arith.constant 0 : i32
    %dma_start3A_10 = arith.constant 0 : i32
    %dma_start3A_11 = tpu.memref_slice %arg10[%dma_start3A_9, %dma_start3A_10] : memref<40x128xi32, #tpu.memory_space<vmem>> -> memref<1x128xi32, #tpu.memory_space<vmem>>
    %dma_start3A_12 = tpu.memref_squeeze %dma_start3A_11 : memref<1x128xi32, #tpu.memory_space<vmem>> -> memref<128xi32, #tpu.memory_space<vmem>>
    %dma_start3A_13 = arith.constant 0 : i32
    %dma_start3A_14 = arith.constant 0 : i32
    %dma_start3A_15 = tpu.memref_slice %arg6[%dma_start3A_13, %dma_start3A_14] : memref<100000x128xf32, #tpu.memory_space<hbm>> -> memref<100000x128xf32, #tpu.memory_space<hbm>>
    tpu.enqueue_indirect_dma source(%dma_start3A_15 : memref<100000x128xf32, #tpu.memory_space<hbm>>) target(%arg13 : memref<128x128xf32, #tpu.memory_space<vmem>>) offsets(%dma_start3A_12 : memref<128xi32, #tpu.memory_space<vmem>>) semaphore(%arg18 : memref<!tpu.dma_semaphore, #tpu.memory_space<semaphore_mem>>)
    %dma_start3A_16 = arith.constant 0 : i32
    %dma_start3A_17 = arith.constant 0 : i32
    %dma_start3A_18 = tpu.memref_slice %arg11[%dma_start3A_16, %dma_start3A_17] : memref<40x128xi32, #tpu.memory_space<vmem>> -> memref<1x128xi32, #tpu.memory_space<vmem>>
    %dma_start3A_19 = tpu.memref_squeeze %dma_start3A_18 : memref<1x128xi32, #tpu.memory_space<vmem>> -> memref<128xi32, #tpu.memory_space<vmem>>
    %dma_start3A_20 = arith.constant 0 : i32
    %dma_start3A_21 = arith.constant 0 : i32
    %dma_start3A_22 = tpu.memref_slice %arg7[%dma_start3A_20, %dma_start3A_21] : memref<100000x128xf32, #tpu.memory_space<hbm>> -> memref<100000x128xf32, #tpu.memory_space<hbm>>
    tpu.enqueue_indirect_dma source(%dma_start3A_22 : memref<100000x128xf32, #tpu.memory_space<hbm>>) target(%arg14 : memref<128x128xf32, #tpu.memory_space<vmem>>) offsets(%dma_start3A_19 : memref<128xi32, #tpu.memory_space<vmem>>) semaphore(%arg18 : memref<!tpu.dma_semaphore, #tpu.memory_space<semaphore_mem>>)
    %dma_start3A_23 = arith.constant 1 : i32
    %dma_start3A_24 = arith.constant 0 : i32
    %dma_start3A_25 = tpu.memref_slice %arg9[%dma_start3A_23, %dma_start3A_24] : memref<40x128xi32, #tpu.memory_space<vmem>> -> memref<1x128xi32, #tpu.memory_space<vmem>>
    %dma_start3A_26 = tpu.memref_squeeze %dma_start3A_25 : memref<1x128xi32, #tpu.memory_space<vmem>> -> memref<128xi32, #tpu.memory_space<vmem>>
    %dma_start3A_27 = arith.constant 0 : i32
    %dma_start3A_28 = arith.constant 0 : i32
    %dma_start3A_29 = tpu.memref_slice %arg5[%dma_start3A_27, %dma_start3A_28] : memref<100000x128xf32, #tpu.memory_space<hbm>> -> memref<100000x128xf32, #tpu.memory_space<hbm>>
    tpu.enqueue_indirect_dma source(%dma_start3A_29 : memref<100000x128xf32, #tpu.memory_space<hbm>>) target(%arg15 : memref<128x128xf32, #tpu.memory_space<vmem>>) offsets(%dma_start3A_26 : memref<128xi32, #tpu.memory_space<vmem>>) semaphore(%arg19 : memref<!tpu.dma_semaphore, #tpu.memory_space<semaphore_mem>>)
    %dma_start3A_30 = arith.constant 1 : i32
    %dma_start3A_31 = arith.constant 0 : i32
    %dma_start3A_32 = tpu.memref_slice %arg10[%dma_start3A_30, %dma_start3A_31] : memref<40x128xi32, #tpu.memory_space<vmem>> -> memref<1x128xi32, #tpu.memory_space<vmem>>
    %dma_start3A_33 = tpu.memref_squeeze %dma_start3A_32 : memref<1x128xi32, #tpu.memory_space<vmem>> -> memref<128xi32, #tpu.memory_space<vmem>>
    %dma_start3A_34 = arith.constant 0 : i32
    %dma_start3A_35 = arith.constant 0 : i32
    %dma_start3A_36 = tpu.memref_slice %arg6[%dma_start3A_34, %dma_start3A_35] : memref<100000x128xf32, #tpu.memory_space<hbm>> -> memref<100000x128xf32, #tpu.memory_space<hbm>>
    tpu.enqueue_indirect_dma source(%dma_start3A_36 : memref<100000x128xf32, #tpu.memory_space<hbm>>) target(%arg16 : memref<128x128xf32, #tpu.memory_space<vmem>>) offsets(%dma_start3A_33 : memref<128xi32, #tpu.memory_space<vmem>>) semaphore(%arg19 : memref<!tpu.dma_semaphore, #tpu.memory_space<semaphore_mem>>)
    %dma_start3A_37 = arith.constant 1 : i32
    %dma_start3A_38 = arith.constant 0 : i32
    %dma_start3A_39 = tpu.memref_slice %arg11[%dma_start3A_37, %dma_start3A_38] : memref<40x128xi32, #tpu.memory_space<vmem>> -> memref<1x128xi32, #tpu.memory_space<vmem>>
    %dma_start3A_40 = tpu.memref_squeeze %dma_start3A_39 : memref<1x128xi32, #tpu.memory_space<vmem>> -> memref<128xi32, #tpu.memory_space<vmem>>
    %dma_start3A_41 = arith.constant 0 : i32
    %dma_start3A_42 = arith.constant 0 : i32
    %dma_start3A_43 = tpu.memref_slice %arg7[%dma_start3A_41, %dma_start3A_42] : memref<100000x128xf32, #tpu.memory_space<hbm>> -> memref<100000x128xf32, #tpu.memory_space<hbm>>
    tpu.enqueue_indirect_dma source(%dma_start3A_43 : memref<100000x128xf32, #tpu.memory_space<hbm>>) target(%arg17 : memref<128x128xf32, #tpu.memory_space<vmem>>) offsets(%dma_start3A_40 : memref<128xi32, #tpu.memory_space<vmem>>) semaphore(%arg19 : memref<!tpu.dma_semaphore, #tpu.memory_space<semaphore_mem>>)
    %scan3A = arith.constant 0 : i32
    %scan3A_44 = arith.constant 0 : i32
    %scan3A_45 = arith.constant 20 : i32
    %scan3A_46 = arith.addi %scan3A_44, %scan3A_45 : i32
    %scan3A_47 = arith.constant 1 : i32
    scf.for %scan3A_54 = %scan3A_44 to %scan3A_46 step %scan3A_47  : i32 {
      %mul3A_55 = arith.constant 2 : i32
      %mul3A_56 = arith.muli %scan3A_54, %mul3A_55 : i32
      %add3A_57 = arith.constant 0 : i32
      %add3A_58 = arith.addi %mul3A_56, %add3A_57 : i32
      %dma_wait3A_59 = arith.constant 0 : i32
      %dma_wait3A_60 = arith.constant 0 : i32
      %dma_wait3A_61 = tpu.memref_slice %arg5[%dma_wait3A_59, %dma_wait3A_60] : memref<100000x128xf32, #tpu.memory_space<hbm>> -> memref<128x128xf32, #tpu.memory_space<hbm>>
      %dma_wait3A_62 = arith.constant 0 : i32
      %dma_wait3A_63 = arith.constant 0 : i32
      %dma_wait3A_64 = tpu.memref_slice %arg5[%dma_wait3A_62, %dma_wait3A_63] : memref<100000x128xf32, #tpu.memory_space<hbm>> -> memref<128x128xf32, #tpu.memory_space<hbm>>
      tpu.wait_dma2 semaphore(%arg18 : memref<!tpu.dma_semaphore, #tpu.memory_space<semaphore_mem>>) src(%dma_wait3A_64 : memref<128x128xf32, #tpu.memory_space<hbm>>) dst(%arg12 : memref<128x128xf32, #tpu.memory_space<vmem>>)
      %dma_wait3A_65 = arith.constant 0 : i32
      %dma_wait3A_66 = arith.constant 0 : i32
      %dma_wait3A_67 = tpu.memref_slice %arg6[%dma_wait3A_65, %dma_wait3A_66] : memref<100000x128xf32, #tpu.memory_space<hbm>> -> memref<128x128xf32, #tpu.memory_space<hbm>>
      %dma_wait3A_68 = arith.constant 0 : i32
      %dma_wait3A_69 = arith.constant 0 : i32
      %dma_wait3A_70 = tpu.memref_slice %arg6[%dma_wait3A_68, %dma_wait3A_69] : memref<100000x128xf32, #tpu.memory_space<hbm>> -> memref<128x128xf32, #tpu.memory_space<hbm>>
      tpu.wait_dma2 semaphore(%arg18 : memref<!tpu.dma_semaphore, #tpu.memory_space<semaphore_mem>>) src(%dma_wait3A_70 : memref<128x128xf32, #tpu.memory_space<hbm>>) dst(%arg13 : memref<128x128xf32, #tpu.memory_space<vmem>>)
      %dma_wait3A_71 = arith.constant 0 : i32
      %dma_wait3A_72 = arith.constant 0 : i32
      %dma_wait3A_73 = tpu.memref_slice %arg7[%dma_wait3A_71, %dma_wait3A_72] : memref<100000x128xf32, #tpu.memory_space<hbm>> -> memref<128x128xf32, #tpu.memory_space<hbm>>
      %dma_wait3A_74 = arith.constant 0 : i32
      %dma_wait3A_75 = arith.constant 0 : i32
      %dma_wait3A_76 = tpu.memref_slice %arg7[%dma_wait3A_74, %dma_wait3A_75] : memref<100000x128xf32, #tpu.memory_space<hbm>> -> memref<128x128xf32, #tpu.memory_space<hbm>>
      tpu.wait_dma2 semaphore(%arg18 : memref<!tpu.dma_semaphore, #tpu.memory_space<semaphore_mem>>) src(%dma_wait3A_76 : memref<128x128xf32, #tpu.memory_space<hbm>>) dst(%arg14 : memref<128x128xf32, #tpu.memory_space<vmem>>)
      %ge3A = arith.constant 1 : i32
      %ge3A_77 = arith.cmpi sge, %add3A_58, %ge3A : i32
      %convert_element_type3A = arith.extui %ge3A_77 : i1 to i32
      %cond3A = arith.constant 0 : i32
      %cond3A_78 = arith.cmpi ne, %convert_element_type3A, %cond3A : i32
      scf.if %cond3A_78 {
        %dma_wait3A_154 = arith.constant 0 : i32
        %dma_wait3A_155 = arith.constant 0 : i32
        %dma_wait3A_156 = tpu.memref_slice %arg8[%dma_wait3A_154, %dma_wait3A_155] : memref<163840x128xf32, #tpu.memory_space<hbm>> -> memref<128x128xf32, #tpu.memory_space<hbm>>
        %dma_wait3A_157 = arith.constant 0 : i32
        %dma_wait3A_158 = arith.constant 0 : i32
        %dma_wait3A_159 = tpu.memref_slice %arg8[%dma_wait3A_157, %dma_wait3A_158] : memref<163840x128xf32, #tpu.memory_space<hbm>> -> memref<128x128xf32, #tpu.memory_space<hbm>>
        tpu.wait_dma2 semaphore(%arg21 : memref<!tpu.dma_semaphore, #tpu.memory_space<semaphore_mem>>) src(%arg15 : memref<128x128xf32, #tpu.memory_space<vmem>>) dst(%dma_wait3A_159 : memref<128x128xf32, #tpu.memory_space<hbm>>)
      } else {
      }
      %ge3A_79 = arith.constant 1 : i32
      %ge3A_80 = arith.cmpi sge, %add3A_58, %ge3A_79 : i32
      %add3A_81 = arith.constant 1 : i32
      %add3A_82 = arith.addi %add3A_58, %add3A_81 : i32
      %lt3A = arith.constant 40 : i32
      %lt3A_83 = arith.cmpi slt, %add3A_82, %lt3A : i32
      %and3A = arith.andi %ge3A_80, %lt3A_83 : i1
      %convert_element_type3A_84 = arith.extui %and3A : i1 to i32
      %cond3A_85 = arith.constant 0 : i32
      %cond3A_86 = arith.cmpi ne, %convert_element_type3A_84, %cond3A_85 : i32
      scf.if %cond3A_86 {
        %add3A_154 = arith.constant 1 : i32
        %add3A_155 = arith.addi %add3A_58, %add3A_154 : i32
        %dma_start3A_156 = arith.constant 0 : i32
        %dma_start3A_157 = tpu.memref_slice %arg9[%add3A_155, %dma_start3A_156] : memref<40x128xi32, #tpu.memory_space<vmem>> -> memref<1x128xi32, #tpu.memory_space<vmem>>
        %dma_start3A_158 = tpu.memref_squeeze %dma_start3A_157 : memref<1x128xi32, #tpu.memory_space<vmem>> -> memref<128xi32, #tpu.memory_space<vmem>>
        %dma_start3A_159 = arith.constant 0 : i32
        %dma_start3A_160 = arith.constant 0 : i32
        %dma_start3A_161 = tpu.memref_slice %arg5[%dma_start3A_159, %dma_start3A_160] : memref<100000x128xf32, #tpu.memory_space<hbm>> -> memref<100000x128xf32, #tpu.memory_space<hbm>>
        tpu.enqueue_indirect_dma source(%dma_start3A_161 : memref<100000x128xf32, #tpu.memory_space<hbm>>) target(%arg15 : memref<128x128xf32, #tpu.memory_space<vmem>>) offsets(%dma_start3A_158 : memref<128xi32, #tpu.memory_space<vmem>>) semaphore(%arg19 : memref<!tpu.dma_semaphore, #tpu.memory_space<semaphore_mem>>)
        %dma_start3A_162 = arith.constant 0 : i32
        %dma_start3A_163 = tpu.memref_slice %arg10[%add3A_155, %dma_start3A_162] : memref<40x128xi32, #tpu.memory_space<vmem>> -> memref<1x128xi32, #tpu.memory_space<vmem>>
        %dma_start3A_164 = tpu.memref_squeeze %dma_start3A_163 : memref<1x128xi32, #tpu.memory_space<vmem>> -> memref<128xi32, #tpu.memory_space<vmem>>
        %dma_start3A_165 = arith.constant 0 : i32
        %dma_start3A_166 = arith.constant 0 : i32
        %dma_start3A_167 = tpu.memref_slice %arg6[%dma_start3A_165, %dma_start3A_166] : memref<100000x128xf32, #tpu.memory_space<hbm>> -> memref<100000x128xf32, #tpu.memory_space<hbm>>
        tpu.enqueue_indirect_dma source(%dma_start3A_167 : memref<100000x128xf32, #tpu.memory_space<hbm>>) target(%arg16 : memref<128x128xf32, #tpu.memory_space<vmem>>) offsets(%dma_start3A_164 : memref<128xi32, #tpu.memory_space<vmem>>) semaphore(%arg19 : memref<!tpu.dma_semaphore, #tpu.memory_space<semaphore_mem>>)
        %dma_start3A_168 = arith.constant 0 : i32
        %dma_start3A_169 = tpu.memref_slice %arg11[%add3A_155, %dma_start3A_168] : memref<40x128xi32, #tpu.memory_space<vmem>> -> memref<1x128xi32, #tpu.memory_space<vmem>>
        %dma_start3A_170 = tpu.memref_squeeze %dma_start3A_169 : memref<1x128xi32, #tpu.memory_space<vmem>> -> memref<128xi32, #tpu.memory_space<vmem>>
        %dma_start3A_171 = arith.constant 0 : i32
        %dma_start3A_172 = arith.constant 0 : i32
        %dma_start3A_173 = tpu.memref_slice %arg7[%dma_start3A_171, %dma_start3A_172] : memref<100000x128xf32, #tpu.memory_space<hbm>> -> memref<100000x128xf32, #tpu.memory_space<hbm>>
        tpu.enqueue_indirect_dma source(%dma_start3A_173 : memref<100000x128xf32, #tpu.memory_space<hbm>>) target(%arg17 : memref<128x128xf32, #tpu.memory_space<vmem>>) offsets(%dma_start3A_170 : memref<128xi32, #tpu.memory_space<vmem>>) semaphore(%arg19 : memref<!tpu.dma_semaphore, #tpu.memory_space<semaphore_mem>>)
      } else {
      }
      %scan3A_87 = arith.constant 0 : i32
      %scan3A_88 = arith.constant 0 : i32
      %scan3A_89 = arith.constant 128 : i32
      %scan3A_90 = arith.addi %scan3A_88, %scan3A_89 : i32
      %scan3A_91 = arith.constant 2 : i32
      scf.for %scan3A_154 = %scan3A_88 to %scan3A_90 step %scan3A_91  : i32 {
        %get3A = arith.index_cast %scan3A_154 : i32 to index
        %get3A_155 = arith.constant 0 : index
        %get3A_156 = tpu.vector_load %arg13[%get3A, %get3A_155] {strides = array<i32>} : memref<128x128xf32, #tpu.memory_space<vmem>>, vector<1x16xf32>,
        %get3A_157 = vector.shape_cast %get3A_156 : vector<1x16xf32> to vector<16xf32>
        %get3A_158 = arith.index_cast %scan3A_154 : i32 to index
        %get3A_159 = arith.constant 0 : index
        %get3A_160 = tpu.vector_load %arg14[%get3A_158, %get3A_159] {strides = array<i32>} : memref<128x128xf32, #tpu.memory_space<vmem>>, vector<1x16xf32>,
        %get3A_161 = vector.shape_cast %get3A_160 : vector<1x16xf32> to vector<16xf32>
        %add3A_162 = arith.addf %get3A_157, %get3A_161 : vector<16xf32>
        %swap3A = arith.index_cast %scan3A_154 : i32 to index
        %swap3A_163 = arith.constant 0 : index
        %swap3A_164 = tpu.vector_load %arg12[%swap3A, %swap3A_163] {strides = array<i32>} : memref<128x128xf32, #tpu.memory_space<vmem>>, vector<1x16xf32>,
        %swap3A_165 = vector.shape_cast %swap3A_164 : vector<1x16xf32> to vector<16xf32>
        %swap3A_166 = vector.shape_cast %add3A_162 : vector<16xf32> to vector<1x16xf32>
        tpu.vector_store %arg12[%swap3A, %swap3A_163], %swap3A_166 {add = true, strides = array<i32>} : memref<128x128xf32, #tpu.memory_space<vmem>>, vector<1x16xf32>,
        %get3A_167 = arith.index_cast %scan3A_154 : i32 to index
        %get3A_168 = arith.constant 16 : index
        %get3A_169 = tpu.vector_load %arg13[%get3A_167, %get3A_168] {strides = array<i32>} : memref<128x128xf32, #tpu.memory_space<vmem>>, vector<1x16xf32>,
        %get3A_170 = vector.shape_cast %get3A_169 : vector<1x16xf32> to vector<16xf32>
        %get3A_171 = arith.index_cast %scan3A_154 : i32 to index
        %get3A_172 = arith.constant 16 : index
        %get3A_173 = tpu.vector_load %arg14[%get3A_171, %get3A_172] {strides = array<i32>} : memref<128x128xf32, #tpu.memory_space<vmem>>, vector<1x16xf32>,
        %get3A_174 = vector.shape_cast %get3A_173 : vector<1x16xf32> to vector<16xf32>
        %add3A_175 = arith.addf %get3A_170, %get3A_174 : vector<16xf32>
        %swap3A_176 = arith.index_cast %scan3A_154 : i32 to index
        %swap3A_177 = arith.constant 16 : index
        %swap3A_178 = tpu.vector_load %arg12[%swap3A_176, %swap3A_177] {strides = array<i32>} : memref<128x128xf32, #tpu.memory_space<vmem>>, vector<1x16xf32>,
        %swap3A_179 = vector.shape_cast %swap3A_178 : vector<1x16xf32> to vector<16xf32>
        %swap3A_180 = vector.shape_cast %add3A_175 : vector<16xf32> to vector<1x16xf32>
        tpu.vector_store %arg12[%swap3A_176, %swap3A_177], %swap3A_180 {add = true, strides = array<i32>} : memref<128x128xf32, #tpu.memory_space<vmem>>, vector<1x16xf32>,
        %get3A_181 = arith.index_cast %scan3A_154 : i32 to index
        %get3A_182 = arith.constant 32 : index
        %get3A_183 = tpu.vector_load %arg13[%get3A_181, %get3A_182] {strides = array<i32>} : memref<128x128xf32, #tpu.memory_space<vmem>>, vector<1x16xf32>,
        %get3A_184 = vector.shape_cast %get3A_183 : vector<1x16xf32> to vector<16xf32>
        %get3A_185 = arith.index_cast %scan3A_154 : i32 to index
        %get3A_186 = arith.constant 32 : index
        %get3A_187 = tpu.vector_load %arg14[%get3A_185, %get3A_186] {strides = array<i32>} : memref<128x128xf32, #tpu.memory_space<vmem>>, vector<1x16xf32>,
        %get3A_188 = vector.shape_cast %get3A_187 : vector<1x16xf32> to vector<16xf32>
        %add3A_189 = arith.addf %get3A_184, %get3A_188 : vector<16xf32>
        %swap3A_190 = arith.index_cast %scan3A_154 : i32 to index
        %swap3A_191 = arith.constant 32 : index
        %swap3A_192 = tpu.vector_load %arg12[%swap3A_190, %swap3A_191] {strides = array<i32>} : memref<128x128xf32, #tpu.memory_space<vmem>>, vector<1x16xf32>,
        %swap3A_193 = vector.shape_cast %swap3A_192 : vector<1x16xf32> to vector<16xf32>
        %swap3A_194 = vector.shape_cast %add3A_189 : vector<16xf32> to vector<1x16xf32>
        tpu.vector_store %arg12[%swap3A_190, %swap3A_191], %swap3A_194 {add = true, strides = array<i32>} : memref<128x128xf32, #tpu.memory_space<vmem>>, vector<1x16xf32>,
        %get3A_195 = arith.index_cast %scan3A_154 : i32 to index
        %get3A_196 = arith.constant 48 : index
        %get3A_197 = tpu.vector_load %arg13[%get3A_195, %get3A_196] {strides = array<i32>} : memref<128x128xf32, #tpu.memory_space<vmem>>, vector<1x16xf32>,
        %get3A_198 = vector.shape_cast %get3A_197 : vector<1x16xf32> to vector<16xf32>
        %get3A_199 = arith.index_cast %scan3A_154 : i32 to index
        %get3A_200 = arith.constant 48 : index
        %get3A_201 = tpu.vector_load %arg14[%get3A_199, %get3A_200] {strides = array<i32>} : memref<128x128xf32, #tpu.memory_space<vmem>>, vector<1x16xf32>,
        %get3A_202 = vector.shape_cast %get3A_201 : vector<1x16xf32> to vector<16xf32>
        %add3A_203 = arith.addf %get3A_198, %get3A_202 : vector<16xf32>
        %swap3A_204 = arith.index_cast %scan3A_154 : i32 to index
        %swap3A_205 = arith.constant 48 : index
        %swap3A_206 = tpu.vector_load %arg12[%swap3A_204, %swap3A_205] {strides = array<i32>} : memref<128x128xf32, #tpu.memory_space<vmem>>, vector<1x16xf32>,
        %swap3A_207 = vector.shape_cast %swap3A_206 : vector<1x16xf32> to vector<16xf32>
        %swap3A_208 = vector.shape_cast %add3A_203 : vector<16xf32> to vector<1x16xf32>
        tpu.vector_store %arg12[%swap3A_204, %swap3A_205], %swap3A_208 {add = true, strides = array<i32>} : memref<128x128xf32, #tpu.memory_space<vmem>>, vector<1x16xf32>,
        %get3A_209 = arith.index_cast %scan3A_154 : i32 to index
        %get3A_210 = arith.constant 64 : index
        %get3A_211 = tpu.vector_load %arg13[%get3A_209, %get3A_210] {strides = array<i32>} : memref<128x128xf32, #tpu.memory_space<vmem>>, vector<1x16xf32>,
        %get3A_212 = vector.shape_cast %get3A_211 : vector<1x16xf32> to vector<16xf32>
        %get3A_213 = arith.index_cast %scan3A_154 : i32 to index
        %get3A_214 = arith.constant 64 : index
        %get3A_215 = tpu.vector_load %arg14[%get3A_213, %get3A_214] {strides = array<i32>} : memref<128x128xf32, #tpu.memory_space<vmem>>, vector<1x16xf32>,
        %get3A_216 = vector.shape_cast %get3A_215 : vector<1x16xf32> to vector<16xf32>
        %add3A_217 = arith.addf %get3A_212, %get3A_216 : vector<16xf32>
        %swap3A_218 = arith.index_cast %scan3A_154 : i32 to index
        %swap3A_219 = arith.constant 64 : index
        %swap3A_220 = tpu.vector_load %arg12[%swap3A_218, %swap3A_219] {strides = array<i32>} : memref<128x128xf32, #tpu.memory_space<vmem>>, vector<1x16xf32>,
        %swap3A_221 = vector.shape_cast %swap3A_220 : vector<1x16xf32> to vector<16xf32>
        %swap3A_222 = vector.shape_cast %add3A_217 : vector<16xf32> to vector<1x16xf32>
        tpu.vector_store %arg12[%swap3A_218, %swap3A_219], %swap3A_222 {add = true, strides = array<i32>} : memref<128x128xf32, #tpu.memory_space<vmem>>, vector<1x16xf32>,
        %get3A_223 = arith.index_cast %scan3A_154 : i32 to index
        %get3A_224 = arith.constant 80 : index
        %get3A_225 = tpu.vector_load %arg13[%get3A_223, %get3A_224] {strides = array<i32>} : memref<128x128xf32, #tpu.memory_space<vmem>>, vector<1x16xf32>,
        %get3A_226 = vector.shape_cast %get3A_225 : vector<1x16xf32> to vector<16xf32>
        %get3A_227 = arith.index_cast %scan3A_154 : i32 to index
        %get3A_228 = arith.constant 80 : index
        %get3A_229 = tpu.vector_load %arg14[%get3A_227, %get3A_228] {strides = array<i32>} : memref<128x128xf32, #tpu.memory_space<vmem>>, vector<1x16xf32>,
        %get3A_230 = vector.shape_cast %get3A_229 : vector<1x16xf32> to vector<16xf32>
        %add3A_231 = arith.addf %get3A_226, %get3A_230 : vector<16xf32>
        %swap3A_232 = arith.index_cast %scan3A_154 : i32 to index
        %swap3A_233 = arith.constant 80 : index
        %swap3A_234 = tpu.vector_load %arg12[%swap3A_232, %swap3A_233] {strides = array<i32>} : memref<128x128xf32, #tpu.memory_space<vmem>>, vector<1x16xf32>,
        %swap3A_235 = vector.shape_cast %swap3A_234 : vector<1x16xf32> to vector<16xf32>
        %swap3A_236 = vector.shape_cast %add3A_231 : vector<16xf32> to vector<1x16xf32>
        tpu.vector_store %arg12[%swap3A_232, %swap3A_233], %swap3A_236 {add = true, strides = array<i32>} : memref<128x128xf32, #tpu.memory_space<vmem>>, vector<1x16xf32>,
        %get3A_237 = arith.index_cast %scan3A_154 : i32 to index
        %get3A_238 = arith.constant 96 : index
        %get3A_239 = tpu.vector_load %arg13[%get3A_237, %get3A_238] {strides = array<i32>} : memref<128x128xf32, #tpu.memory_space<vmem>>, vector<1x16xf32>,
        %get3A_240 = vector.shape_cast %get3A_239 : vector<1x16xf32> to vector<16xf32>
        %get3A_241 = arith.index_cast %scan3A_154 : i32 to index
        %get3A_242 = arith.constant 96 : index
        %get3A_243 = tpu.vector_load %arg14[%get3A_241, %get3A_242] {strides = array<i32>} : memref<128x128xf32, #tpu.memory_space<vmem>>, vector<1x16xf32>,
        %get3A_244 = vector.shape_cast %get3A_243 : vector<1x16xf32> to vector<16xf32>
        %add3A_245 = arith.addf %get3A_240, %get3A_244 : vector<16xf32>
        %swap3A_246 = arith.index_cast %scan3A_154 : i32 to index
        %swap3A_247 = arith.constant 96 : index
        %swap3A_248 = tpu.vector_load %arg12[%swap3A_246, %swap3A_247] {strides = array<i32>} : memref<128x128xf32, #tpu.memory_space<vmem>>, vector<1x16xf32>,
        %swap3A_249 = vector.shape_cast %swap3A_248 : vector<1x16xf32> to vector<16xf32>
        %swap3A_250 = vector.shape_cast %add3A_245 : vector<16xf32> to vector<1x16xf32>
        tpu.vector_store %arg12[%swap3A_246, %swap3A_247], %swap3A_250 {add = true, strides = array<i32>} : memref<128x128xf32, #tpu.memory_space<vmem>>, vector<1x16xf32>,
        %get3A_251 = arith.index_cast %scan3A_154 : i32 to index
        %get3A_252 = arith.constant 112 : index
        %get3A_253 = tpu.vector_load %arg13[%get3A_251, %get3A_252] {strides = array<i32>} : memref<128x128xf32, #tpu.memory_space<vmem>>, vector<1x16xf32>,
        %get3A_254 = vector.shape_cast %get3A_253 : vector<1x16xf32> to vector<16xf32>
        %get3A_255 = arith.index_cast %scan3A_154 : i32 to index
        %get3A_256 = arith.constant 112 : index
        %get3A_257 = tpu.vector_load %arg14[%get3A_255, %get3A_256] {strides = array<i32>} : memref<128x128xf32, #tpu.memory_space<vmem>>, vector<1x16xf32>,
        %get3A_258 = vector.shape_cast %get3A_257 : vector<1x16xf32> to vector<16xf32>
        %add3A_259 = arith.addf %get3A_254, %get3A_258 : vector<16xf32>
        %swap3A_260 = arith.index_cast %scan3A_154 : i32 to index
        %swap3A_261 = arith.constant 112 : index
        %swap3A_262 = tpu.vector_load %arg12[%swap3A_260, %swap3A_261] {strides = array<i32>} : memref<128x128xf32, #tpu.memory_space<vmem>>, vector<1x16xf32>,
        %swap3A_263 = vector.shape_cast %swap3A_262 : vector<1x16xf32> to vector<16xf32>
        %swap3A_264 = vector.shape_cast %add3A_259 : vector<16xf32> to vector<1x16xf32>
        tpu.vector_store %arg12[%swap3A_260, %swap3A_261], %swap3A_264 {add = true, strides = array<i32>} : memref<128x128xf32, #tpu.memory_space<vmem>>, vector<1x16xf32>,
        %scan3A_265 = arith.constant 1 : i32
        %scan3A_266 = arith.addi %scan3A_154, %scan3A_265 : i32
        %get3A_267 = arith.index_cast %scan3A_266 : i32 to index
        %get3A_268 = arith.constant 0 : index
        %get3A_269 = tpu.vector_load %arg13[%get3A_267, %get3A_268] {strides = array<i32>} : memref<128x128xf32, #tpu.memory_space<vmem>>, vector<1x16xf32>,
        %get3A_270 = vector.shape_cast %get3A_269 : vector<1x16xf32> to vector<16xf32>
        %get3A_271 = arith.index_cast %scan3A_266 : i32 to index
        %get3A_272 = arith.constant 0 : index
        %get3A_273 = tpu.vector_load %arg14[%get3A_271, %get3A_272] {strides = array<i32>} : memref<128x128xf32, #tpu.memory_space<vmem>>, vector<1x16xf32>,
        %get3A_274 = vector.shape_cast %get3A_273 : vector<1x16xf32> to vector<16xf32>
        %add3A_275 = arith.addf %get3A_270, %get3A_274 : vector<16xf32>
        %swap3A_276 = arith.index_cast %scan3A_266 : i32 to index
        %swap3A_277 = arith.constant 0 : index
        %swap3A_278 = tpu.vector_load %arg12[%swap3A_276, %swap3A_277] {strides = array<i32>} : memref<128x128xf32, #tpu.memory_space<vmem>>, vector<1x16xf32>,
        %swap3A_279 = vector.shape_cast %swap3A_278 : vector<1x16xf32> to vector<16xf32>
        %swap3A_280 = vector.shape_cast %add3A_275 : vector<16xf32> to vector<1x16xf32>
        tpu.vector_store %arg12[%swap3A_276, %swap3A_277], %swap3A_280 {add = true, strides = array<i32>} : memref<128x128xf32, #tpu.memory_space<vmem>>, vector<1x16xf32>,
        %get3A_281 = arith.index_cast %scan3A_266 : i32 to index
        %get3A_282 = arith.constant 16 : index
        %get3A_283 = tpu.vector_load %arg13[%get3A_281, %get3A_282] {strides = array<i32>} : memref<128x128xf32, #tpu.memory_space<vmem>>, vector<1x16xf32>,
        %get3A_284 = vector.shape_cast %get3A_283 : vector<1x16xf32> to vector<16xf32>
        %get3A_285 = arith.index_cast %scan3A_266 : i32 to index
        %get3A_286 = arith.constant 16 : index
        %get3A_287 = tpu.vector_load %arg14[%get3A_285, %get3A_286] {strides = array<i32>} : memref<128x128xf32, #tpu.memory_space<vmem>>, vector<1x16xf32>,
        %get3A_288 = vector.shape_cast %get3A_287 : vector<1x16xf32> to vector<16xf32>
        %add3A_289 = arith.addf %get3A_284, %get3A_288 : vector<16xf32>
        %swap3A_290 = arith.index_cast %scan3A_266 : i32 to index
        %swap3A_291 = arith.constant 16 : index
        %swap3A_292 = tpu.vector_load %arg12[%swap3A_290, %swap3A_291] {strides = array<i32>} : memref<128x128xf32, #tpu.memory_space<vmem>>, vector<1x16xf32>,
        %swap3A_293 = vector.shape_cast %swap3A_292 : vector<1x16xf32> to vector<16xf32>
        %swap3A_294 = vector.shape_cast %add3A_289 : vector<16xf32> to vector<1x16xf32>
        tpu.vector_store %arg12[%swap3A_290, %swap3A_291], %swap3A_294 {add = true, strides = array<i32>} : memref<128x128xf32, #tpu.memory_space<vmem>>, vector<1x16xf32>,
        %get3A_295 = arith.index_cast %scan3A_266 : i32 to index
        %get3A_296 = arith.constant 32 : index
        %get3A_297 = tpu.vector_load %arg13[%get3A_295, %get3A_296] {strides = array<i32>} : memref<128x128xf32, #tpu.memory_space<vmem>>, vector<1x16xf32>,
        %get3A_298 = vector.shape_cast %get3A_297 : vector<1x16xf32> to vector<16xf32>
        %get3A_299 = arith.index_cast %scan3A_266 : i32 to index
        %get3A_300 = arith.constant 32 : index
        %get3A_301 = tpu.vector_load %arg14[%get3A_299, %get3A_300] {strides = array<i32>} : memref<128x128xf32, #tpu.memory_space<vmem>>, vector<1x16xf32>,
        %get3A_302 = vector.shape_cast %get3A_301 : vector<1x16xf32> to vector<16xf32>
        %add3A_303 = arith.addf %get3A_298, %get3A_302 : vector<16xf32>
        %swap3A_304 = arith.index_cast %scan3A_266 : i32 to index
        %swap3A_305 = arith.constant 32 : index
        %swap3A_306 = tpu.vector_load %arg12[%swap3A_304, %swap3A_305] {strides = array<i32>} : memref<128x128xf32, #tpu.memory_space<vmem>>, vector<1x16xf32>,
        %swap3A_307 = vector.shape_cast %swap3A_306 : vector<1x16xf32> to vector<16xf32>
        %swap3A_308 = vector.shape_cast %add3A_303 : vector<16xf32> to vector<1x16xf32>
        tpu.vector_store %arg12[%swap3A_304, %swap3A_305], %swap3A_308 {add = true, strides = array<i32>} : memref<128x128xf32, #tpu.memory_space<vmem>>, vector<1x16xf32>,
        %get3A_309 = arith.index_cast %scan3A_266 : i32 to index
        %get3A_310 = arith.constant 48 : index
        %get3A_311 = tpu.vector_load %arg13[%get3A_309, %get3A_310] {strides = array<i32>} : memref<128x128xf32, #tpu.memory_space<vmem>>, vector<1x16xf32>,
        %get3A_312 = vector.shape_cast %get3A_311 : vector<1x16xf32> to vector<16xf32>
        %get3A_313 = arith.index_cast %scan3A_266 : i32 to index
        %get3A_314 = arith.constant 48 : index
        %get3A_315 = tpu.vector_load %arg14[%get3A_313, %get3A_314] {strides = array<i32>} : memref<128x128xf32, #tpu.memory_space<vmem>>, vector<1x16xf32>,
        %get3A_316 = vector.shape_cast %get3A_315 : vector<1x16xf32> to vector<16xf32>
        %add3A_317 = arith.addf %get3A_312, %get3A_316 : vector<16xf32>
        %swap3A_318 = arith.index_cast %scan3A_266 : i32 to index
        %swap3A_319 = arith.constant 48 : index
        %swap3A_320 = tpu.vector_load %arg12[%swap3A_318, %swap3A_319] {strides = array<i32>} : memref<128x128xf32, #tpu.memory_space<vmem>>, vector<1x16xf32>,
        %swap3A_321 = vector.shape_cast %swap3A_320 : vector<1x16xf32> to vector<16xf32>
        %swap3A_322 = vector.shape_cast %add3A_317 : vector<16xf32> to vector<1x16xf32>
        tpu.vector_store %arg12[%swap3A_318, %swap3A_319], %swap3A_322 {add = true, strides = array<i32>} : memref<128x128xf32, #tpu.memory_space<vmem>>, vector<1x16xf32>,
        %get3A_323 = arith.index_cast %scan3A_266 : i32 to index
        %get3A_324 = arith.constant 64 : index
        %get3A_325 = tpu.vector_load %arg13[%get3A_323, %get3A_324] {strides = array<i32>} : memref<128x128xf32, #tpu.memory_space<vmem>>, vector<1x16xf32>,
        %get3A_326 = vector.shape_cast %get3A_325 : vector<1x16xf32> to vector<16xf32>
        %get3A_327 = arith.index_cast %scan3A_266 : i32 to index
        %get3A_328 = arith.constant 64 : index
        %get3A_329 = tpu.vector_load %arg14[%get3A_327, %get3A_328] {strides = array<i32>} : memref<128x128xf32, #tpu.memory_space<vmem>>, vector<1x16xf32>,
        %get3A_330 = vector.shape_cast %get3A_329 : vector<1x16xf32> to vector<16xf32>
        %add3A_331 = arith.addf %get3A_326, %get3A_330 : vector<16xf32>
        %swap3A_332 = arith.index_cast %scan3A_266 : i32 to index
        %swap3A_333 = arith.constant 64 : index
        %swap3A_334 = tpu.vector_load %arg12[%swap3A_332, %swap3A_333] {strides = array<i32>} : memref<128x128xf32, #tpu.memory_space<vmem>>, vector<1x16xf32>,
        %swap3A_335 = vector.shape_cast %swap3A_334 : vector<1x16xf32> to vector<16xf32>
        %swap3A_336 = vector.shape_cast %add3A_331 : vector<16xf32> to vector<1x16xf32>
        tpu.vector_store %arg12[%swap3A_332, %swap3A_333], %swap3A_336 {add = true, strides = array<i32>} : memref<128x128xf32, #tpu.memory_space<vmem>>, vector<1x16xf32>,
        %get3A_337 = arith.index_cast %scan3A_266 : i32 to index
        %get3A_338 = arith.constant 80 : index
        %get3A_339 = tpu.vector_load %arg13[%get3A_337, %get3A_338] {strides = array<i32>} : memref<128x128xf32, #tpu.memory_space<vmem>>, vector<1x16xf32>,
        %get3A_340 = vector.shape_cast %get3A_339 : vector<1x16xf32> to vector<16xf32>
        %get3A_341 = arith.index_cast %scan3A_266 : i32 to index
        %get3A_342 = arith.constant 80 : index
        %get3A_343 = tpu.vector_load %arg14[%get3A_341, %get3A_342] {strides = array<i32>} : memref<128x128xf32, #tpu.memory_space<vmem>>, vector<1x16xf32>,
        %get3A_344 = vector.shape_cast %get3A_343 : vector<1x16xf32> to vector<16xf32>
        %add3A_345 = arith.addf %get3A_340, %get3A_344 : vector<16xf32>
        %swap3A_346 = arith.index_cast %scan3A_266 : i32 to index
        %swap3A_347 = arith.constant 80 : index
        %swap3A_348 = tpu.vector_load %arg12[%swap3A_346, %swap3A_347] {strides = array<i32>} : memref<128x128xf32, #tpu.memory_space<vmem>>, vector<1x16xf32>,
        %swap3A_349 = vector.shape_cast %swap3A_348 : vector<1x16xf32> to vector<16xf32>
        %swap3A_350 = vector.shape_cast %add3A_345 : vector<16xf32> to vector<1x16xf32>
        tpu.vector_store %arg12[%swap3A_346, %swap3A_347], %swap3A_350 {add = true, strides = array<i32>} : memref<128x128xf32, #tpu.memory_space<vmem>>, vector<1x16xf32>,
        %get3A_351 = arith.index_cast %scan3A_266 : i32 to index
        %get3A_352 = arith.constant 96 : index
        %get3A_353 = tpu.vector_load %arg13[%get3A_351, %get3A_352] {strides = array<i32>} : memref<128x128xf32, #tpu.memory_space<vmem>>, vector<1x16xf32>,
        %get3A_354 = vector.shape_cast %get3A_353 : vector<1x16xf32> to vector<16xf32>
        %get3A_355 = arith.index_cast %scan3A_266 : i32 to index
        %get3A_356 = arith.constant 96 : index
        %get3A_357 = tpu.vector_load %arg14[%get3A_355, %get3A_356] {strides = array<i32>} : memref<128x128xf32, #tpu.memory_space<vmem>>, vector<1x16xf32>,
        %get3A_358 = vector.shape_cast %get3A_357 : vector<1x16xf32> to vector<16xf32>
        %add3A_359 = arith.addf %get3A_354, %get3A_358 : vector<16xf32>
        %swap3A_360 = arith.index_cast %scan3A_266 : i32 to index
        %swap3A_361 = arith.constant 96 : index
        %swap3A_362 = tpu.vector_load %arg12[%swap3A_360, %swap3A_361] {strides = array<i32>} : memref<128x128xf32, #tpu.memory_space<vmem>>, vector<1x16xf32>,
        %swap3A_363 = vector.shape_cast %swap3A_362 : vector<1x16xf32> to vector<16xf32>
        %swap3A_364 = vector.shape_cast %add3A_359 : vector<16xf32> to vector<1x16xf32>
        tpu.vector_store %arg12[%swap3A_360, %swap3A_361], %swap3A_364 {add = true, strides = array<i32>} : memref<128x128xf32, #tpu.memory_space<vmem>>, vector<1x16xf32>,
        %get3A_365 = arith.index_cast %scan3A_266 : i32 to index
        %get3A_366 = arith.constant 112 : index
        %get3A_367 = tpu.vector_load %arg13[%get3A_365, %get3A_366] {strides = array<i32>} : memref<128x128xf32, #tpu.memory_space<vmem>>, vector<1x16xf32>,
        %get3A_368 = vector.shape_cast %get3A_367 : vector<1x16xf32> to vector<16xf32>
        %get3A_369 = arith.index_cast %scan3A_266 : i32 to index
        %get3A_370 = arith.constant 112 : index
        %get3A_371 = tpu.vector_load %arg14[%get3A_369, %get3A_370] {strides = array<i32>} : memref<128x128xf32, #tpu.memory_space<vmem>>, vector<1x16xf32>,
        %get3A_372 = vector.shape_cast %get3A_371 : vector<1x16xf32> to vector<16xf32>
        %add3A_373 = arith.addf %get3A_368, %get3A_372 : vector<16xf32>
        %swap3A_374 = arith.index_cast %scan3A_266 : i32 to index
        %swap3A_375 = arith.constant 112 : index
        %swap3A_376 = tpu.vector_load %arg12[%swap3A_374, %swap3A_375] {strides = array<i32>} : memref<128x128xf32, #tpu.memory_space<vmem>>, vector<1x16xf32>,
        %swap3A_377 = vector.shape_cast %swap3A_376 : vector<1x16xf32> to vector<16xf32>
        %swap3A_378 = vector.shape_cast %add3A_373 : vector<16xf32> to vector<1x16xf32>
        tpu.vector_store %arg12[%swap3A_374, %swap3A_375], %swap3A_378 {add = true, strides = array<i32>} : memref<128x128xf32, #tpu.memory_space<vmem>>, vector<1x16xf32>,
      }
      %scan3A_92 = arith.constant 128 : i32
      %mul3A_93 = arith.constant 5120 : i32
      %mul3A_94 = arith.muli %add3A, %mul3A_93 : i32
      %mul3A_95 = arith.constant 128 : i32
      %mul3A_96 = arith.muli %add3A_58, %mul3A_95 : i32
      %add3A_97 = arith.addi %mul3A_94, %mul3A_96 : i32
      %dma_start3A_98 = arith.constant 0 : i32
      %dma_start3A_99 = tpu.memref_slice %arg8[%add3A_97, %dma_start3A_98] : memref<163840x128xf32, #tpu.memory_space<hbm>> -> memref<128x128xf32, #tpu.memory_space<hbm>>
      %dma_start3A_100 = arith.constant 0 : i32
      %dma_start3A_101 = tpu.memref_slice %arg8[%add3A_97, %dma_start3A_100] : memref<163840x128xf32, #tpu.memory_space<hbm>> -> memref<128x128xf32, #tpu.memory_space<hbm>>
      tpu.enqueue_dma source(%arg12 : memref<128x128xf32, #tpu.memory_space<vmem>>) target(%dma_start3A_101 : memref<128x128xf32, #tpu.memory_space<hbm>>) target_semaphore(%arg20 : memref<!tpu.dma_semaphore, #tpu.memory_space<semaphore_mem>>)
      %mul3A_102 = arith.constant 2 : i32
      %mul3A_103 = arith.muli %scan3A_54, %mul3A_102 : i32
      %add3A_104 = arith.constant 1 : i32
      %add3A_105 = arith.addi %mul3A_103, %add3A_104 : i32
      %dma_wait3A_106 = arith.constant 0 : i32
      %dma_wait3A_107 = arith.constant 0 : i32
      %dma_wait3A_108 = tpu.memref_slice %arg5[%dma_wait3A_106, %dma_wait3A_107] : memref<100000x128xf32, #tpu.memory_space<hbm>> -> memref<128x128xf32, #tpu.memory_space<hbm>>
      %dma_wait3A_109 = arith.constant 0 : i32
      %dma_wait3A_110 = arith.constant 0 : i32
      %dma_wait3A_111 = tpu.memref_slice %arg5[%dma_wait3A_109, %dma_wait3A_110] : memref<100000x128xf32, #tpu.memory_space<hbm>> -> memref<128x128xf32, #tpu.memory_space<hbm>>
      tpu.wait_dma2 semaphore(%arg19 : memref<!tpu.dma_semaphore, #tpu.memory_space<semaphore_mem>>) src(%dma_wait3A_111 : memref<128x128xf32, #tpu.memory_space<hbm>>) dst(%arg15 : memref<128x128xf32, #tpu.memory_space<vmem>>)
      %dma_wait3A_112 = arith.constant 0 : i32
      %dma_wait3A_113 = arith.constant 0 : i32
      %dma_wait3A_114 = tpu.memref_slice %arg6[%dma_wait3A_112, %dma_wait3A_113] : memref<100000x128xf32, #tpu.memory_space<hbm>> -> memref<128x128xf32, #tpu.memory_space<hbm>>
      %dma_wait3A_115 = arith.constant 0 : i32
      %dma_wait3A_116 = arith.constant 0 : i32
      %dma_wait3A_117 = tpu.memref_slice %arg6[%dma_wait3A_115, %dma_wait3A_116] : memref<100000x128xf32, #tpu.memory_space<hbm>> -> memref<128x128xf32, #tpu.memory_space<hbm>>
      tpu.wait_dma2 semaphore(%arg19 : memref<!tpu.dma_semaphore, #tpu.memory_space<semaphore_mem>>) src(%dma_wait3A_117 : memref<128x128xf32, #tpu.memory_space<hbm>>) dst(%arg16 : memref<128x128xf32, #tpu.memory_space<vmem>>)
      %dma_wait3A_118 = arith.constant 0 : i32
      %dma_wait3A_119 = arith.constant 0 : i32
      %dma_wait3A_120 = tpu.memref_slice %arg7[%dma_wait3A_118, %dma_wait3A_119] : memref<100000x128xf32, #tpu.memory_space<hbm>> -> memref<128x128xf32, #tpu.memory_space<hbm>>
      %dma_wait3A_121 = arith.constant 0 : i32
      %dma_wait3A_122 = arith.constant 0 : i32
      %dma_wait3A_123 = tpu.memref_slice %arg7[%dma_wait3A_121, %dma_wait3A_122] : memref<100000x128xf32, #tpu.memory_space<hbm>> -> memref<128x128xf32, #tpu.memory_space<hbm>>
      tpu.wait_dma2 semaphore(%arg19 : memref<!tpu.dma_semaphore, #tpu.memory_space<semaphore_mem>>) src(%dma_wait3A_123 : memref<128x128xf32, #tpu.memory_space<hbm>>) dst(%arg17 : memref<128x128xf32, #tpu.memory_space<vmem>>)
      %ge3A_124 = arith.constant 1 : i32
      %ge3A_125 = arith.cmpi sge, %add3A_105, %ge3A_124 : i32
      %convert_element_type3A_126 = arith.extui %ge3A_125 : i1 to i32
      %cond3A_127 = arith.constant 0 : i32
      %cond3A_128 = arith.cmpi ne, %convert_element_type3A_126, %cond3A_127 : i32
      scf.if %cond3A_128 {
        %dma_wait3A_154 = arith.constant 0 : i32
        %dma_wait3A_155 = arith.constant 0 : i32
        %dma_wait3A_156 = tpu.memref_slice %arg8[%dma_wait3A_154, %dma_wait3A_155] : memref<163840x128xf32, #tpu.memory_space<hbm>> -> memref<128x128xf32, #tpu.memory_space<hbm>>
        %dma_wait3A_157 = arith.constant 0 : i32
        %dma_wait3A_158 = arith.constant 0 : i32
        %dma_wait3A_159 = tpu.memref_slice %arg8[%dma_wait3A_157, %dma_wait3A_158] : memref<163840x128xf32, #tpu.memory_space<hbm>> -> memref<128x128xf32, #tpu.memory_space<hbm>>
        tpu.wait_dma2 semaphore(%arg20 : memref<!tpu.dma_semaphore, #tpu.memory_space<semaphore_mem>>) src(%arg12 : memref<128x128xf32, #tpu.memory_space<vmem>>) dst(%dma_wait3A_159 : memref<128x128xf32, #tpu.memory_space<hbm>>)
      } else {
      }
      %ge3A_129 = arith.constant 1 : i32
      %ge3A_130 = arith.cmpi sge, %add3A_105, %ge3A_129 : i32
      %add3A_131 = arith.constant 1 : i32
      %add3A_132 = arith.addi %add3A_105, %add3A_131 : i32
      %lt3A_133 = arith.constant 40 : i32
      %lt3A_134 = arith.cmpi slt, %add3A_132, %lt3A_133 : i32
      %and3A_135 = arith.andi %ge3A_130, %lt3A_134 : i1
      %convert_element_type3A_136 = arith.extui %and3A_135 : i1 to i32
      %cond3A_137 = arith.constant 0 : i32
      %cond3A_138 = arith.cmpi ne, %convert_element_type3A_136, %cond3A_137 : i32
      scf.if %cond3A_138 {
        %add3A_154 = arith.constant 1 : i32
        %add3A_155 = arith.addi %add3A_105, %add3A_154 : i32
        %dma_start3A_156 = arith.constant 0 : i32
        %dma_start3A_157 = tpu.memref_slice %arg9[%add3A_155, %dma_start3A_156] : memref<40x128xi32, #tpu.memory_space<vmem>> -> memref<1x128xi32, #tpu.memory_space<vmem>>
        %dma_start3A_158 = tpu.memref_squeeze %dma_start3A_157 : memref<1x128xi32, #tpu.memory_space<vmem>> -> memref<128xi32, #tpu.memory_space<vmem>>
        %dma_start3A_159 = arith.constant 0 : i32
        %dma_start3A_160 = arith.constant 0 : i32
        %dma_start3A_161 = tpu.memref_slice %arg5[%dma_start3A_159, %dma_start3A_160] : memref<100000x128xf32, #tpu.memory_space<hbm>> -> memref<100000x128xf32, #tpu.memory_space<hbm>>
        tpu.enqueue_indirect_dma source(%dma_start3A_161 : memref<100000x128xf32, #tpu.memory_space<hbm>>) target(%arg12 : memref<128x128xf32, #tpu.memory_space<vmem>>) offsets(%dma_start3A_158 : memref<128xi32, #tpu.memory_space<vmem>>) semaphore(%arg18 : memref<!tpu.dma_semaphore, #tpu.memory_space<semaphore_mem>>)
        %dma_start3A_162 = arith.constant 0 : i32
        %dma_start3A_163 = tpu.memref_slice %arg10[%add3A_155, %dma_start3A_162] : memref<40x128xi32, #tpu.memory_space<vmem>> -> memref<1x128xi32, #tpu.memory_space<vmem>>
        %dma_start3A_164 = tpu.memref_squeeze %dma_start3A_163 : memref<1x128xi32, #tpu.memory_space<vmem>> -> memref<128xi32, #tpu.memory_space<vmem>>
        %dma_start3A_165 = arith.constant 0 : i32
        %dma_start3A_166 = arith.constant 0 : i32
        %dma_start3A_167 = tpu.memref_slice %arg6[%dma_start3A_165, %dma_start3A_166] : memref<100000x128xf32, #tpu.memory_space<hbm>> -> memref<100000x128xf32, #tpu.memory_space<hbm>>
        tpu.enqueue_indirect_dma source(%dma_start3A_167 : memref<100000x128xf32, #tpu.memory_space<hbm>>) target(%arg13 : memref<128x128xf32, #tpu.memory_space<vmem>>) offsets(%dma_start3A_164 : memref<128xi32, #tpu.memory_space<vmem>>) semaphore(%arg18 : memref<!tpu.dma_semaphore, #tpu.memory_space<semaphore_mem>>)
        %dma_start3A_168 = arith.constant 0 : i32
        %dma_start3A_169 = tpu.memref_slice %arg11[%add3A_155, %dma_start3A_168] : memref<40x128xi32, #tpu.memory_space<vmem>> -> memref<1x128xi32, #tpu.memory_space<vmem>>
        %dma_start3A_170 = tpu.memref_squeeze %dma_start3A_169 : memref<1x128xi32, #tpu.memory_space<vmem>> -> memref<128xi32, #tpu.memory_space<vmem>>
        %dma_start3A_171 = arith.constant 0 : i32
        %dma_start3A_172 = arith.constant 0 : i32
        %dma_start3A_173 = tpu.memref_slice %arg7[%dma_start3A_171, %dma_start3A_172] : memref<100000x128xf32, #tpu.memory_space<hbm>> -> memref<100000x128xf32, #tpu.memory_space<hbm>>
        tpu.enqueue_indirect_dma source(%dma_start3A_173 : memref<100000x128xf32, #tpu.memory_space<hbm>>) target(%arg14 : memref<128x128xf32, #tpu.memory_space<vmem>>) offsets(%dma_start3A_170 : memref<128xi32, #tpu.memory_space<vmem>>) semaphore(%arg18 : memref<!tpu.dma_semaphore, #tpu.memory_space<semaphore_mem>>)
      } else {
      }
      %scan3A_139 = arith.constant 0 : i32
      %scan3A_140 = arith.constant 0 : i32
      %scan3A_141 = arith.constant 128 : i32
      %scan3A_142 = arith.addi %scan3A_140, %scan3A_141 : i32
      %scan3A_143 = arith.constant 2 : i32
      scf.for %scan3A_154 = %scan3A_140 to %scan3A_142 step %scan3A_143  : i32 {
        %get3A = arith.index_cast %scan3A_154 : i32 to index
        %get3A_155 = arith.constant 0 : index
        %get3A_156 = tpu.vector_load %arg16[%get3A, %get3A_155] {strides = array<i32>} : memref<128x128xf32, #tpu.memory_space<vmem>>, vector<1x16xf32>,
        %get3A_157 = vector.shape_cast %get3A_156 : vector<1x16xf32> to vector<16xf32>
        %get3A_158 = arith.index_cast %scan3A_154 : i32 to index
        %get3A_159 = arith.constant 0 : index
        %get3A_160 = tpu.vector_load %arg17[%get3A_158, %get3A_159] {strides = array<i32>} : memref<128x128xf32, #tpu.memory_space<vmem>>, vector<1x16xf32>,
        %get3A_161 = vector.shape_cast %get3A_160 : vector<1x16xf32> to vector<16xf32>
        %add3A_162 = arith.addf %get3A_157, %get3A_161 : vector<16xf32>
        %swap3A = arith.index_cast %scan3A_154 : i32 to index
        %swap3A_163 = arith.constant 0 : index
        %swap3A_164 = tpu.vector_load %arg15[%swap3A, %swap3A_163] {strides = array<i32>} : memref<128x128xf32, #tpu.memory_space<vmem>>, vector<1x16xf32>,
        %swap3A_165 = vector.shape_cast %swap3A_164 : vector<1x16xf32> to vector<16xf32>
        %swap3A_166 = vector.shape_cast %add3A_162 : vector<16xf32> to vector<1x16xf32>
        tpu.vector_store %arg15[%swap3A, %swap3A_163], %swap3A_166 {add = true, strides = array<i32>} : memref<128x128xf32, #tpu.memory_space<vmem>>, vector<1x16xf32>,
        %get3A_167 = arith.index_cast %scan3A_154 : i32 to index
        %get3A_168 = arith.constant 16 : index
        %get3A_169 = tpu.vector_load %arg16[%get3A_167, %get3A_168] {strides = array<i32>} : memref<128x128xf32, #tpu.memory_space<vmem>>, vector<1x16xf32>,
        %get3A_170 = vector.shape_cast %get3A_169 : vector<1x16xf32> to vector<16xf32>
        %get3A_171 = arith.index_cast %scan3A_154 : i32 to index
        %get3A_172 = arith.constant 16 : index
        %get3A_173 = tpu.vector_load %arg17[%get3A_171, %get3A_172] {strides = array<i32>} : memref<128x128xf32, #tpu.memory_space<vmem>>, vector<1x16xf32>,
        %get3A_174 = vector.shape_cast %get3A_173 : vector<1x16xf32> to vector<16xf32>
        %add3A_175 = arith.addf %get3A_170, %get3A_174 : vector<16xf32>
        %swap3A_176 = arith.index_cast %scan3A_154 : i32 to index
        %swap3A_177 = arith.constant 16 : index
        %swap3A_178 = tpu.vector_load %arg15[%swap3A_176, %swap3A_177] {strides = array<i32>} : memref<128x128xf32, #tpu.memory_space<vmem>>, vector<1x16xf32>,
        %swap3A_179 = vector.shape_cast %swap3A_178 : vector<1x16xf32> to vector<16xf32>
        %swap3A_180 = vector.shape_cast %add3A_175 : vector<16xf32> to vector<1x16xf32>
        tpu.vector_store %arg15[%swap3A_176, %swap3A_177], %swap3A_180 {add = true, strides = array<i32>} : memref<128x128xf32, #tpu.memory_space<vmem>>, vector<1x16xf32>,
        %get3A_181 = arith.index_cast %scan3A_154 : i32 to index
        %get3A_182 = arith.constant 32 : index
        %get3A_183 = tpu.vector_load %arg16[%get3A_181, %get3A_182] {strides = array<i32>} : memref<128x128xf32, #tpu.memory_space<vmem>>, vector<1x16xf32>,
        %get3A_184 = vector.shape_cast %get3A_183 : vector<1x16xf32> to vector<16xf32>
        %get3A_185 = arith.index_cast %scan3A_154 : i32 to index
        %get3A_186 = arith.constant 32 : index
        %get3A_187 = tpu.vector_load %arg17[%get3A_185, %get3A_186] {strides = array<i32>} : memref<128x128xf32, #tpu.memory_space<vmem>>, vector<1x16xf32>,
        %get3A_188 = vector.shape_cast %get3A_187 : vector<1x16xf32> to vector<16xf32>
        %add3A_189 = arith.addf %get3A_184, %get3A_188 : vector<16xf32>
        %swap3A_190 = arith.index_cast %scan3A_154 : i32 to index
        %swap3A_191 = arith.constant 32 : index
        %swap3A_192 = tpu.vector_load %arg15[%swap3A_190, %swap3A_191] {strides = array<i32>} : memref<128x128xf32, #tpu.memory_space<vmem>>, vector<1x16xf32>,
        %swap3A_193 = vector.shape_cast %swap3A_192 : vector<1x16xf32> to vector<16xf32>
        %swap3A_194 = vector.shape_cast %add3A_189 : vector<16xf32> to vector<1x16xf32>
        tpu.vector_store %arg15[%swap3A_190, %swap3A_191], %swap3A_194 {add = true, strides = array<i32>} : memref<128x128xf32, #tpu.memory_space<vmem>>, vector<1x16xf32>,
        %get3A_195 = arith.index_cast %scan3A_154 : i32 to index
        %get3A_196 = arith.constant 48 : index
        %get3A_197 = tpu.vector_load %arg16[%get3A_195, %get3A_196] {strides = array<i32>} : memref<128x128xf32, #tpu.memory_space<vmem>>, vector<1x16xf32>,
        %get3A_198 = vector.shape_cast %get3A_197 : vector<1x16xf32> to vector<16xf32>
        %get3A_199 = arith.index_cast %scan3A_154 : i32 to index
        %get3A_200 = arith.constant 48 : index
        %get3A_201 = tpu.vector_load %arg17[%get3A_199, %get3A_200] {strides = array<i32>} : memref<128x128xf32, #tpu.memory_space<vmem>>, vector<1x16xf32>,
        %get3A_202 = vector.shape_cast %get3A_201 : vector<1x16xf32> to vector<16xf32>
        %add3A_203 = arith.addf %get3A_198, %get3A_202 : vector<16xf32>
        %swap3A_204 = arith.index_cast %scan3A_154 : i32 to index
        %swap3A_205 = arith.constant 48 : index
        %swap3A_206 = tpu.vector_load %arg15[%swap3A_204, %swap3A_205] {strides = array<i32>} : memref<128x128xf32, #tpu.memory_space<vmem>>, vector<1x16xf32>,
        %swap3A_207 = vector.shape_cast %swap3A_206 : vector<1x16xf32> to vector<16xf32>
        %swap3A_208 = vector.shape_cast %add3A_203 : vector<16xf32> to vector<1x16xf32>
        tpu.vector_store %arg15[%swap3A_204, %swap3A_205], %swap3A_208 {add = true, strides = array<i32>} : memref<128x128xf32, #tpu.memory_space<vmem>>, vector<1x16xf32>,
        %get3A_209 = arith.index_cast %scan3A_154 : i32 to index
        %get3A_210 = arith.constant 64 : index
        %get3A_211 = tpu.vector_load %arg16[%get3A_209, %get3A_210] {strides = array<i32>} : memref<128x128xf32, #tpu.memory_space<vmem>>, vector<1x16xf32>,
        %get3A_212 = vector.shape_cast %get3A_211 : vector<1x16xf32> to vector<16xf32>
        %get3A_213 = arith.index_cast %scan3A_154 : i32 to index
        %get3A_214 = arith.constant 64 : index
        %get3A_215 = tpu.vector_load %arg17[%get3A_213, %get3A_214] {strides = array<i32>} : memref<128x128xf32, #tpu.memory_space<vmem>>, vector<1x16xf32>,
        %get3A_216 = vector.shape_cast %get3A_215 : vector<1x16xf32> to vector<16xf32>
        %add3A_217 = arith.addf %get3A_212, %get3A_216 : vector<16xf32>
        %swap3A_218 = arith.index_cast %scan3A_154 : i32 to index
        %swap3A_219 = arith.constant 64 : index
        %swap3A_220 = tpu.vector_load %arg15[%swap3A_218, %swap3A_219] {strides = array<i32>} : memref<128x128xf32, #tpu.memory_space<vmem>>, vector<1x16xf32>,
        %swap3A_221 = vector.shape_cast %swap3A_220 : vector<1x16xf32> to vector<16xf32>
        %swap3A_222 = vector.shape_cast %add3A_217 : vector<16xf32> to vector<1x16xf32>
        tpu.vector_store %arg15[%swap3A_218, %swap3A_219], %swap3A_222 {add = true, strides = array<i32>} : memref<128x128xf32, #tpu.memory_space<vmem>>, vector<1x16xf32>,
        %get3A_223 = arith.index_cast %scan3A_154 : i32 to index
        %get3A_224 = arith.constant 80 : index
        %get3A_225 = tpu.vector_load %arg16[%get3A_223, %get3A_224] {strides = array<i32>} : memref<128x128xf32, #tpu.memory_space<vmem>>, vector<1x16xf32>,
        %get3A_226 = vector.shape_cast %get3A_225 : vector<1x16xf32> to vector<16xf32>
        %get3A_227 = arith.index_cast %scan3A_154 : i32 to index
        %get3A_228 = arith.constant 80 : index
        %get3A_229 = tpu.vector_load %arg17[%get3A_227, %get3A_228] {strides = array<i32>} : memref<128x128xf32, #tpu.memory_space<vmem>>, vector<1x16xf32>,
        %get3A_230 = vector.shape_cast %get3A_229 : vector<1x16xf32> to vector<16xf32>
        %add3A_231 = arith.addf %get3A_226, %get3A_230 : vector<16xf32>
        %swap3A_232 = arith.index_cast %scan3A_154 : i32 to index
        %swap3A_233 = arith.constant 80 : index
        %swap3A_234 = tpu.vector_load %arg15[%swap3A_232, %swap3A_233] {strides = array<i32>} : memref<128x128xf32, #tpu.memory_space<vmem>>, vector<1x16xf32>,
        %swap3A_235 = vector.shape_cast %swap3A_234 : vector<1x16xf32> to vector<16xf32>
        %swap3A_236 = vector.shape_cast %add3A_231 : vector<16xf32> to vector<1x16xf32>
        tpu.vector_store %arg15[%swap3A_232, %swap3A_233], %swap3A_236 {add = true, strides = array<i32>} : memref<128x128xf32, #tpu.memory_space<vmem>>, vector<1x16xf32>,
        %get3A_237 = arith.index_cast %scan3A_154 : i32 to index
        %get3A_238 = arith.constant 96 : index
        %get3A_239 = tpu.vector_load %arg16[%get3A_237, %get3A_238] {strides = array<i32>} : memref<128x128xf32, #tpu.memory_space<vmem>>, vector<1x16xf32>,
        %get3A_240 = vector.shape_cast %get3A_239 : vector<1x16xf32> to vector<16xf32>
        %get3A_241 = arith.index_cast %scan3A_154 : i32 to index
        %get3A_242 = arith.constant 96 : index
        %get3A_243 = tpu.vector_load %arg17[%get3A_241, %get3A_242] {strides = array<i32>} : memref<128x128xf32, #tpu.memory_space<vmem>>, vector<1x16xf32>,
        %get3A_244 = vector.shape_cast %get3A_243 : vector<1x16xf32> to vector<16xf32>
        %add3A_245 = arith.addf %get3A_240, %get3A_244 : vector<16xf32>
        %swap3A_246 = arith.index_cast %scan3A_154 : i32 to index
        %swap3A_247 = arith.constant 96 : index
        %swap3A_248 = tpu.vector_load %arg15[%swap3A_246, %swap3A_247] {strides = array<i32>} : memref<128x128xf32, #tpu.memory_space<vmem>>, vector<1x16xf32>,
        %swap3A_249 = vector.shape_cast %swap3A_248 : vector<1x16xf32> to vector<16xf32>
        %swap3A_250 = vector.shape_cast %add3A_245 : vector<16xf32> to vector<1x16xf32>
        tpu.vector_store %arg15[%swap3A_246, %swap3A_247], %swap3A_250 {add = true, strides = array<i32>} : memref<128x128xf32, #tpu.memory_space<vmem>>, vector<1x16xf32>,
        %get3A_251 = arith.index_cast %scan3A_154 : i32 to index
        %get3A_252 = arith.constant 112 : index
        %get3A_253 = tpu.vector_load %arg16[%get3A_251, %get3A_252] {strides = array<i32>} : memref<128x128xf32, #tpu.memory_space<vmem>>, vector<1x16xf32>,
        %get3A_254 = vector.shape_cast %get3A_253 : vector<1x16xf32> to vector<16xf32>
        %get3A_255 = arith.index_cast %scan3A_154 : i32 to index
        %get3A_256 = arith.constant 112 : index
        %get3A_257 = tpu.vector_load %arg17[%get3A_255, %get3A_256] {strides = array<i32>} : memref<128x128xf32, #tpu.memory_space<vmem>>, vector<1x16xf32>,
        %get3A_258 = vector.shape_cast %get3A_257 : vector<1x16xf32> to vector<16xf32>
        %add3A_259 = arith.addf %get3A_254, %get3A_258 : vector<16xf32>
        %swap3A_260 = arith.index_cast %scan3A_154 : i32 to index
        %swap3A_261 = arith.constant 112 : index
        %swap3A_262 = tpu.vector_load %arg15[%swap3A_260, %swap3A_261] {strides = array<i32>} : memref<128x128xf32, #tpu.memory_space<vmem>>, vector<1x16xf32>,
        %swap3A_263 = vector.shape_cast %swap3A_262 : vector<1x16xf32> to vector<16xf32>
        %swap3A_264 = vector.shape_cast %add3A_259 : vector<16xf32> to vector<1x16xf32>
        tpu.vector_store %arg15[%swap3A_260, %swap3A_261], %swap3A_264 {add = true, strides = array<i32>} : memref<128x128xf32, #tpu.memory_space<vmem>>, vector<1x16xf32>,
        %scan3A_265 = arith.constant 1 : i32
        %scan3A_266 = arith.addi %scan3A_154, %scan3A_265 : i32
        %get3A_267 = arith.index_cast %scan3A_266 : i32 to index
        %get3A_268 = arith.constant 0 : index
        %get3A_269 = tpu.vector_load %arg16[%get3A_267, %get3A_268] {strides = array<i32>} : memref<128x128xf32, #tpu.memory_space<vmem>>, vector<1x16xf32>,
        %get3A_270 = vector.shape_cast %get3A_269 : vector<1x16xf32> to vector<16xf32>
        %get3A_271 = arith.index_cast %scan3A_266 : i32 to index
        %get3A_272 = arith.constant 0 : index
        %get3A_273 = tpu.vector_load %arg17[%get3A_271, %get3A_272] {strides = array<i32>} : memref<128x128xf32, #tpu.memory_space<vmem>>, vector<1x16xf32>,
        %get3A_274 = vector.shape_cast %get3A_273 : vector<1x16xf32> to vector<16xf32>
        %add3A_275 = arith.addf %get3A_270, %get3A_274 : vector<16xf32>
        %swap3A_276 = arith.index_cast %scan3A_266 : i32 to index
        %swap3A_277 = arith.constant 0 : index
        %swap3A_278 = tpu.vector_load %arg15[%swap3A_276, %swap3A_277] {strides = array<i32>} : memref<128x128xf32, #tpu.memory_space<vmem>>, vector<1x16xf32>,
        %swap3A_279 = vector.shape_cast %swap3A_278 : vector<1x16xf32> to vector<16xf32>
        %swap3A_280 = vector.shape_cast %add3A_275 : vector<16xf32> to vector<1x16xf32>
        tpu.vector_store %arg15[%swap3A_276, %swap3A_277], %swap3A_280 {add = true, strides = array<i32>} : memref<128x128xf32, #tpu.memory_space<vmem>>, vector<1x16xf32>,
        %get3A_281 = arith.index_cast %scan3A_266 : i32 to index
        %get3A_282 = arith.constant 16 : index
        %get3A_283 = tpu.vector_load %arg16[%get3A_281, %get3A_282] {strides = array<i32>} : memref<128x128xf32, #tpu.memory_space<vmem>>, vector<1x16xf32>,
        %get3A_284 = vector.shape_cast %get3A_283 : vector<1x16xf32> to vector<16xf32>
        %get3A_285 = arith.index_cast %scan3A_266 : i32 to index
        %get3A_286 = arith.constant 16 : index
        %get3A_287 = tpu.vector_load %arg17[%get3A_285, %get3A_286] {strides = array<i32>} : memref<128x128xf32, #tpu.memory_space<vmem>>, vector<1x16xf32>,
        %get3A_288 = vector.shape_cast %get3A_287 : vector<1x16xf32> to vector<16xf32>
        %add3A_289 = arith.addf %get3A_284, %get3A_288 : vector<16xf32>
        %swap3A_290 = arith.index_cast %scan3A_266 : i32 to index
        %swap3A_291 = arith.constant 16 : index
        %swap3A_292 = tpu.vector_load %arg15[%swap3A_290, %swap3A_291] {strides = array<i32>} : memref<128x128xf32, #tpu.memory_space<vmem>>, vector<1x16xf32>,
        %swap3A_293 = vector.shape_cast %swap3A_292 : vector<1x16xf32> to vector<16xf32>
        %swap3A_294 = vector.shape_cast %add3A_289 : vector<16xf32> to vector<1x16xf32>
        tpu.vector_store %arg15[%swap3A_290, %swap3A_291], %swap3A_294 {add = true, strides = array<i32>} : memref<128x128xf32, #tpu.memory_space<vmem>>, vector<1x16xf32>,
        %get3A_295 = arith.index_cast %scan3A_266 : i32 to index
        %get3A_296 = arith.constant 32 : index
        %get3A_297 = tpu.vector_load %arg16[%get3A_295, %get3A_296] {strides = array<i32>} : memref<128x128xf32, #tpu.memory_space<vmem>>, vector<1x16xf32>,
        %get3A_298 = vector.shape_cast %get3A_297 : vector<1x16xf32> to vector<16xf32>
        %get3A_299 = arith.index_cast %scan3A_266 : i32 to index
        %get3A_300 = arith.constant 32 : index
        %get3A_301 = tpu.vector_load %arg17[%get3A_299, %get3A_300] {strides = array<i32>} : memref<128x128xf32, #tpu.memory_space<vmem>>, vector<1x16xf32>,
        %get3A_302 = vector.shape_cast %get3A_301 : vector<1x16xf32> to vector<16xf32>
        %add3A_303 = arith.addf %get3A_298, %get3A_302 : vector<16xf32>
        %swap3A_304 = arith.index_cast %scan3A_266 : i32 to index
        %swap3A_305 = arith.constant 32 : index
        %swap3A_306 = tpu.vector_load %arg15[%swap3A_304, %swap3A_305] {strides = array<i32>} : memref<128x128xf32, #tpu.memory_space<vmem>>, vector<1x16xf32>,
        %swap3A_307 = vector.shape_cast %swap3A_306 : vector<1x16xf32> to vector<16xf32>
        %swap3A_308 = vector.shape_cast %add3A_303 : vector<16xf32> to vector<1x16xf32>
        tpu.vector_store %arg15[%swap3A_304, %swap3A_305], %swap3A_308 {add = true, strides = array<i32>} : memref<128x128xf32, #tpu.memory_space<vmem>>, vector<1x16xf32>,
        %get3A_309 = arith.index_cast %scan3A_266 : i32 to index
        %get3A_310 = arith.constant 48 : index
        %get3A_311 = tpu.vector_load %arg16[%get3A_309, %get3A_310] {strides = array<i32>} : memref<128x128xf32, #tpu.memory_space<vmem>>, vector<1x16xf32>,
        %get3A_312 = vector.shape_cast %get3A_311 : vector<1x16xf32> to vector<16xf32>
        %get3A_313 = arith.index_cast %scan3A_266 : i32 to index
        %get3A_314 = arith.constant 48 : index
        %get3A_315 = tpu.vector_load %arg17[%get3A_313, %get3A_314] {strides = array<i32>} : memref<128x128xf32, #tpu.memory_space<vmem>>, vector<1x16xf32>,
        %get3A_316 = vector.shape_cast %get3A_315 : vector<1x16xf32> to vector<16xf32>
        %add3A_317 = arith.addf %get3A_312, %get3A_316 : vector<16xf32>
        %swap3A_318 = arith.index_cast %scan3A_266 : i32 to index
        %swap3A_319 = arith.constant 48 : index
        %swap3A_320 = tpu.vector_load %arg15[%swap3A_318, %swap3A_319] {strides = array<i32>} : memref<128x128xf32, #tpu.memory_space<vmem>>, vector<1x16xf32>,
        %swap3A_321 = vector.shape_cast %swap3A_320 : vector<1x16xf32> to vector<16xf32>
        %swap3A_322 = vector.shape_cast %add3A_317 : vector<16xf32> to vector<1x16xf32>
        tpu.vector_store %arg15[%swap3A_318, %swap3A_319], %swap3A_322 {add = true, strides = array<i32>} : memref<128x128xf32, #tpu.memory_space<vmem>>, vector<1x16xf32>,
        %get3A_323 = arith.index_cast %scan3A_266 : i32 to index
        %get3A_324 = arith.constant 64 : index
        %get3A_325 = tpu.vector_load %arg16[%get3A_323, %get3A_324] {strides = array<i32>} : memref<128x128xf32, #tpu.memory_space<vmem>>, vector<1x16xf32>,
        %get3A_326 = vector.shape_cast %get3A_325 : vector<1x16xf32> to vector<16xf32>
        %get3A_327 = arith.index_cast %scan3A_266 : i32 to index
        %get3A_328 = arith.constant 64 : index
        %get3A_329 = tpu.vector_load %arg17[%get3A_327, %get3A_328] {strides = array<i32>} : memref<128x128xf32, #tpu.memory_space<vmem>>, vector<1x16xf32>,
        %get3A_330 = vector.shape_cast %get3A_329 : vector<1x16xf32> to vector<16xf32>
        %add3A_331 = arith.addf %get3A_326, %get3A_330 : vector<16xf32>
        %swap3A_332 = arith.index_cast %scan3A_266 : i32 to index
        %swap3A_333 = arith.constant 64 : index
        %swap3A_334 = tpu.vector_load %arg15[%swap3A_332, %swap3A_333] {strides = array<i32>} : memref<128x128xf32, #tpu.memory_space<vmem>>, vector<1x16xf32>,
        %swap3A_335 = vector.shape_cast %swap3A_334 : vector<1x16xf32> to vector<16xf32>
        %swap3A_336 = vector.shape_cast %add3A_331 : vector<16xf32> to vector<1x16xf32>
        tpu.vector_store %arg15[%swap3A_332, %swap3A_333], %swap3A_336 {add = true, strides = array<i32>} : memref<128x128xf32, #tpu.memory_space<vmem>>, vector<1x16xf32>,
        %get3A_337 = arith.index_cast %scan3A_266 : i32 to index
        %get3A_338 = arith.constant 80 : index
        %get3A_339 = tpu.vector_load %arg16[%get3A_337, %get3A_338] {strides = array<i32>} : memref<128x128xf32, #tpu.memory_space<vmem>>, vector<1x16xf32>,
        %get3A_340 = vector.shape_cast %get3A_339 : vector<1x16xf32> to vector<16xf32>
        %get3A_341 = arith.index_cast %scan3A_266 : i32 to index
        %get3A_342 = arith.constant 80 : index
        %get3A_343 = tpu.vector_load %arg17[%get3A_341, %get3A_342] {strides = array<i32>} : memref<128x128xf32, #tpu.memory_space<vmem>>, vector<1x16xf32>,
        %get3A_344 = vector.shape_cast %get3A_343 : vector<1x16xf32> to vector<16xf32>
        %add3A_345 = arith.addf %get3A_340, %get3A_344 : vector<16xf32>
        %swap3A_346 = arith.index_cast %scan3A_266 : i32 to index
        %swap3A_347 = arith.constant 80 : index
        %swap3A_348 = tpu.vector_load %arg15[%swap3A_346, %swap3A_347] {strides = array<i32>} : memref<128x128xf32, #tpu.memory_space<vmem>>, vector<1x16xf32>,
        %swap3A_349 = vector.shape_cast %swap3A_348 : vector<1x16xf32> to vector<16xf32>
        %swap3A_350 = vector.shape_cast %add3A_345 : vector<16xf32> to vector<1x16xf32>
        tpu.vector_store %arg15[%swap3A_346, %swap3A_347], %swap3A_350 {add = true, strides = array<i32>} : memref<128x128xf32, #tpu.memory_space<vmem>>, vector<1x16xf32>,
        %get3A_351 = arith.index_cast %scan3A_266 : i32 to index
        %get3A_352 = arith.constant 96 : index
        %get3A_353 = tpu.vector_load %arg16[%get3A_351, %get3A_352] {strides = array<i32>} : memref<128x128xf32, #tpu.memory_space<vmem>>, vector<1x16xf32>,
        %get3A_354 = vector.shape_cast %get3A_353 : vector<1x16xf32> to vector<16xf32>
        %get3A_355 = arith.index_cast %scan3A_266 : i32 to index
        %get3A_356 = arith.constant 96 : index
        %get3A_357 = tpu.vector_load %arg17[%get3A_355, %get3A_356] {strides = array<i32>} : memref<128x128xf32, #tpu.memory_space<vmem>>, vector<1x16xf32>,
        %get3A_358 = vector.shape_cast %get3A_357 : vector<1x16xf32> to vector<16xf32>
        %add3A_359 = arith.addf %get3A_354, %get3A_358 : vector<16xf32>
        %swap3A_360 = arith.index_cast %scan3A_266 : i32 to index
        %swap3A_361 = arith.constant 96 : index
        %swap3A_362 = tpu.vector_load %arg15[%swap3A_360, %swap3A_361] {strides = array<i32>} : memref<128x128xf32, #tpu.memory_space<vmem>>, vector<1x16xf32>,
        %swap3A_363 = vector.shape_cast %swap3A_362 : vector<1x16xf32> to vector<16xf32>
        %swap3A_364 = vector.shape_cast %add3A_359 : vector<16xf32> to vector<1x16xf32>
        tpu.vector_store %arg15[%swap3A_360, %swap3A_361], %swap3A_364 {add = true, strides = array<i32>} : memref<128x128xf32, #tpu.memory_space<vmem>>, vector<1x16xf32>,
        %get3A_365 = arith.index_cast %scan3A_266 : i32 to index
        %get3A_366 = arith.constant 112 : index
        %get3A_367 = tpu.vector_load %arg16[%get3A_365, %get3A_366] {strides = array<i32>} : memref<128x128xf32, #tpu.memory_space<vmem>>, vector<1x16xf32>,
        %get3A_368 = vector.shape_cast %get3A_367 : vector<1x16xf32> to vector<16xf32>
        %get3A_369 = arith.index_cast %scan3A_266 : i32 to index
        %get3A_370 = arith.constant 112 : index
        %get3A_371 = tpu.vector_load %arg17[%get3A_369, %get3A_370] {strides = array<i32>} : memref<128x128xf32, #tpu.memory_space<vmem>>, vector<1x16xf32>,
        %get3A_372 = vector.shape_cast %get3A_371 : vector<1x16xf32> to vector<16xf32>
        %add3A_373 = arith.addf %get3A_368, %get3A_372 : vector<16xf32>
        %swap3A_374 = arith.index_cast %scan3A_266 : i32 to index
        %swap3A_375 = arith.constant 112 : index
        %swap3A_376 = tpu.vector_load %arg15[%swap3A_374, %swap3A_375] {strides = array<i32>} : memref<128x128xf32, #tpu.memory_space<vmem>>, vector<1x16xf32>,
        %swap3A_377 = vector.shape_cast %swap3A_376 : vector<1x16xf32> to vector<16xf32>
        %swap3A_378 = vector.shape_cast %add3A_373 : vector<16xf32> to vector<1x16xf32>
        tpu.vector_store %arg15[%swap3A_374, %swap3A_375], %swap3A_378 {add = true, strides = array<i32>} : memref<128x128xf32, #tpu.memory_space<vmem>>, vector<1x16xf32>,
      }
      %scan3A_144 = arith.constant 128 : i32
      %mul3A_145 = arith.constant 5120 : i32
      %mul3A_146 = arith.muli %add3A, %mul3A_145 : i32
      %mul3A_147 = arith.constant 128 : i32
      %mul3A_148 = arith.muli %add3A_105, %mul3A_147 : i32
      %add3A_149 = arith.addi %mul3A_146, %mul3A_148 : i32
      %dma_start3A_150 = arith.constant 0 : i32
      %dma_start3A_151 = tpu.memref_slice %arg8[%add3A_149, %dma_start3A_150] : memref<163840x128xf32, #tpu.memory_space<hbm>> -> memref<128x128xf32, #tpu.memory_space<hbm>>
      %dma_start3A_152 = arith.constant 0 : i32
      %dma_start3A_153 = tpu.memref_slice %arg8[%add3A_149, %dma_start3A_152] : memref<163840x128xf32, #tpu.memory_space<hbm>> -> memref<128x128xf32, #tpu.memory_space<hbm>>
      tpu.enqueue_dma source(%arg15 : memref<128x128xf32, #tpu.memory_space<vmem>>) target(%dma_start3A_153 : memref<128x128xf32, #tpu.memory_space<hbm>>) target_semaphore(%arg21 : memref<!tpu.dma_semaphore, #tpu.memory_space<semaphore_mem>>)
    }
    %scan3A_48 = arith.constant 20 : i32
    %dma_wait3A = arith.constant 0 : i32
    %dma_wait3A_49 = arith.constant 0 : i32
    %dma_wait3A_50 = tpu.memref_slice %arg8[%dma_wait3A, %dma_wait3A_49] : memref<163840x128xf32, #tpu.memory_space<hbm>> -> memref<128x128xf32, #tpu.memory_space<hbm>>
    %dma_wait3A_51 = arith.constant 0 : i32
    %dma_wait3A_52 = arith.constant 0 : i32
    %dma_wait3A_53 = tpu.memref_slice %arg8[%dma_wait3A_51, %dma_wait3A_52] : memref<163840x128xf32, #tpu.memory_space<hbm>> -> memref<128x128xf32, #tpu.memory_space<hbm>>
    tpu.wait_dma2 semaphore(%arg21 : memref<!tpu.dma_semaphore, #tpu.memory_space<semaphore_mem>>) src(%arg15 : memref<128x128xf32, #tpu.memory_space<vmem>>) dst(%dma_wait3A_53 : memref<128x128xf32, #tpu.memory_space<hbm>>)
    return
  }
}

module attributes {stable_mosaic.version = 14 : i64} {
  func.func @_fused_proj_ln_body(%arg0: i32, %arg1: memref<8192x128xf32, #tpu.memory_space<vmem>>, %arg2: memref<8192x128xf32, #tpu.memory_space<vmem>>, %arg3: memref<128x128xf32, #tpu.memory_space<vmem>>, %arg4: memref<1x128xf32, #tpu.memory_space<vmem>>, %arg5: memref<1x128xf32, #tpu.memory_space<vmem>>, %arg6: memref<1x128xf32, #tpu.memory_space<vmem>>, %arg7: memref<8192x128xf32, #tpu.memory_space<vmem>>) attributes {dimension_semantics = [#tpu.dimension_semantics<arbitrary>], iteration_bounds = array<i64: 20>, scalar_prefetch = 0 : i64, scratch_operands = 0 : i64, tpu.core_type = #tpu.core_type<tc>, window_params = [{transform_indices = @transform_0, window_bounds = array<i64: 8192, 128>}, {transform_indices = @transform_1, window_bounds = array<i64: 8192, 128>}, {pipeline_mode = #tpu.pipeline_mode<synchronous>, transform_indices = @transform_2, window_bounds = array<i64: 128, 128>}, {pipeline_mode = #tpu.pipeline_mode<synchronous>, transform_indices = @transform_3, window_bounds = array<i64: 1, 128>}, {pipeline_mode = #tpu.pipeline_mode<synchronous>, transform_indices = @transform_4, window_bounds = array<i64: 1, 128>}, {pipeline_mode = #tpu.pipeline_mode<synchronous>, transform_indices = @transform_5, window_bounds = array<i64: 1, 128>}, {transform_indices = @transform_6, window_bounds = array<i64: 8192, 128>}]} {
    %get3A = arith.constant 0 : index
    %get3A_0 = arith.constant 0 : index
    %get3A_1 = vector.load %arg1[%get3A, %get3A_0] : memref<8192x128xf32, #tpu.memory_space<vmem>>, vector<8192x128xf32>
    %get3A_2 = arith.constant 0 : index
    %get3A_3 = arith.constant 0 : index
    %get3A_4 = vector.load %arg3[%get3A_2, %get3A_3] : memref<128x128xf32, #tpu.memory_space<vmem>>, vector<128x128xf32>
    %dot_general3A = arith.constant dense<0.000000e+00> : vector<8192x128xf32>
    %dot_general3A_5 = tpu.matmul %get3A_1, %get3A_4, %dot_general3A {dimension_numbers = #tpu.dot_dimension_numbers<[1], [0], [0], [1], [0, 0, 1, 1], [], []>, transpose_lhs_hint = false} : vector<8192x128xf32>, vector<128x128xf32>, vector<8192x128xf32> -> vector<8192x128xf32>
    %get3A_6 = arith.constant 0 : index
    %get3A_7 = arith.constant 0 : index
    %get3A_8 = vector.load %arg4[%get3A_6, %get3A_7] : memref<1x128xf32, #tpu.memory_space<vmem>>, vector<1x128xf32>
    %add3A = vector.broadcast %get3A_8 : vector<1x128xf32> to vector<8192x128xf32>
    %add3A_9 = arith.addf %dot_general3A_5, %add3A : vector<8192x128xf32>
    %get3A_10 = arith.constant 0 : index
    %get3A_11 = arith.constant 0 : index
    %get3A_12 = vector.load %arg2[%get3A_10, %get3A_11] : memref<8192x128xf32, #tpu.memory_space<vmem>>, vector<8192x128xf32>
    %add3A_13 = arith.addf %add3A_9, %get3A_12 : vector<8192x128xf32>
    %reduce_sum3A = arith.constant dense<0.000000e+00> : vector<8192xf32>
    %reduce_sum3A_14 = vector.multi_reduction <add>, %add3A_13, %reduce_sum3A [1] : vector<8192x128xf32> to vector<8192xf32>
    %broadcast_in_dim3A = vector.shape_cast %reduce_sum3A_14 : vector<8192xf32> to vector<8192x1xf32>
    %div3A = arith.constant 1.280000e+02 : f32
    %div3A_15 = vector.broadcast %div3A : f32 to vector<8192x1xf32>
    %div3A_16 = arith.divf %broadcast_in_dim3A, %div3A_15 : vector<8192x1xf32>
    %sub3A = vector.broadcast %div3A_16 : vector<8192x1xf32> to vector<8192x128xf32>
    %sub3A_17 = arith.subf %add3A_13, %sub3A : vector<8192x128xf32>
    %mul3A = arith.mulf %sub3A_17, %sub3A_17 : vector<8192x128xf32>
    %reduce_sum3A_18 = arith.constant dense<0.000000e+00> : vector<8192xf32>
    %reduce_sum3A_19 = vector.multi_reduction <add>, %mul3A, %reduce_sum3A_18 [1] : vector<8192x128xf32> to vector<8192xf32>
    %broadcast_in_dim3A_20 = vector.shape_cast %reduce_sum3A_19 : vector<8192xf32> to vector<8192x1xf32>
    %div3A_21 = arith.constant 1.280000e+02 : f32
    %div3A_22 = vector.broadcast %div3A_21 : f32 to vector<8192x1xf32>
    %div3A_23 = arith.divf %broadcast_in_dim3A_20, %div3A_22 : vector<8192x1xf32>
    %add3A_24 = arith.constant 9.99999996E-13 : f32
    %add3A_25 = vector.broadcast %add3A_24 : f32 to vector<8192x1xf32>
    %add3A_26 = arith.addf %div3A_23, %add3A_25 : vector<8192x1xf32>
    %rsqrt3A = math.rsqrt %add3A_26 : vector<8192x1xf32>
    %mul3A_27 = vector.broadcast %rsqrt3A : vector<8192x1xf32> to vector<8192x128xf32>
    %mul3A_28 = arith.mulf %sub3A_17, %mul3A_27 : vector<8192x128xf32>
    %get3A_29 = arith.constant 0 : index
    %get3A_30 = arith.constant 0 : index
    %get3A_31 = vector.load %arg5[%get3A_29, %get3A_30] : memref<1x128xf32, #tpu.memory_space<vmem>>, vector<1x128xf32>
    %mul3A_32 = vector.broadcast %get3A_31 : vector<1x128xf32> to vector<8192x128xf32>
    %mul3A_33 = arith.mulf %mul3A_28, %mul3A_32 : vector<8192x128xf32>
    %get3A_34 = arith.constant 0 : index
    %get3A_35 = arith.constant 0 : index
    %get3A_36 = vector.load %arg6[%get3A_34, %get3A_35] : memref<1x128xf32, #tpu.memory_space<vmem>>, vector<1x128xf32>
    %add3A_37 = vector.broadcast %get3A_36 : vector<1x128xf32> to vector<8192x128xf32>
    %add3A_38 = arith.addf %mul3A_33, %add3A_37 : vector<8192x128xf32>
    %swap3A = arith.constant 0 : index
    %swap3A_39 = arith.constant 0 : index
    %swap3A_40 = vector.load %arg7[%swap3A, %swap3A_39] : memref<8192x128xf32, #tpu.memory_space<vmem>>, vector<8192x128xf32>
    tpu.vector_store %arg7[%swap3A, %swap3A_39], %add3A_38 {strides = array<i32>} : memref<8192x128xf32, #tpu.memory_space<vmem>>, vector<8192x128xf32>,
    return
  }
  func.func @transform_0(%arg0: i32) -> (i32, i32) {
    %add3A = arith.constant 0 : i32
    %add3A_0 = arith.addi %arg0, %add3A : i32
    %c0_i32 = arith.constant 0 : i32
    %c0_i32_1 = arith.constant 0 : i32
    return %add3A_0, %c0_i32 : i32, i32
  }
  func.func @transform_1(%arg0: i32) -> (i32, i32) {
    %c0_i32 = arith.constant 0 : i32
    %c0_i32_0 = arith.constant 0 : i32
    return %arg0, %c0_i32 : i32, i32
  }
  func.func @transform_2(%arg0: i32) -> (i32, i32) {
    %c0_i32 = arith.constant 0 : i32
    %c0_i32_0 = arith.constant 0 : i32
    %c0_i32_1 = arith.constant 0 : i32
    return %c0_i32, %c0_i32_0 : i32, i32
  }
  func.func @transform_3(%arg0: i32) -> (i32, i32) {
    %c0_i32 = arith.constant 0 : i32
    %c0_i32_0 = arith.constant 0 : i32
    %c0_i32_1 = arith.constant 0 : i32
    return %c0_i32, %c0_i32_0 : i32, i32
  }
  func.func @transform_4(%arg0: i32) -> (i32, i32) {
    %c0_i32 = arith.constant 0 : i32
    %c0_i32_0 = arith.constant 0 : i32
    %c0_i32_1 = arith.constant 0 : i32
    return %c0_i32, %c0_i32_0 : i32, i32
  }
  func.func @transform_5(%arg0: i32) -> (i32, i32) {
    %c0_i32 = arith.constant 0 : i32
    %c0_i32_0 = arith.constant 0 : i32
    %c0_i32_1 = arith.constant 0 : i32
    return %c0_i32, %c0_i32_0 : i32, i32
  }
  func.func @transform_6(%arg0: i32) -> (i32, i32) {
    %add3A = arith.constant 0 : i32
    %add3A_0 = arith.addi %arg0, %add3A : i32
    %c0_i32 = arith.constant 0 : i32
    %c0_i32_1 = arith.constant 0 : i32
    return %add3A_0, %c0_i32 : i32, i32
  }
}

module attributes {stable_mosaic.version = 14 : i64} {
  func.func @body(%arg0: i32, %arg1: memref<327680x128xf32, #tpu.memory_space<any>>, %arg2: memref<8192x128xf32, #tpu.memory_space<vmem>>, %arg3: memref<8192x128xf32, #tpu.memory_space<vmem>>, %arg4: memref<128x128xf32, #tpu.memory_space<vmem>>, %arg5: memref<1x128xf32, #tpu.memory_space<vmem>>, %arg6: memref<1x128xf32, #tpu.memory_space<vmem>>, %arg7: memref<1x128xf32, #tpu.memory_space<vmem>>, %arg8: memref<8192x128xf32, #tpu.memory_space<vmem>>) attributes {dimension_semantics = [#tpu.dimension_semantics<arbitrary>], iteration_bounds = array<i64: 20>, scalar_prefetch = 0 : i64, scratch_operands = 0 : i64, tpu.core_type = #tpu.core_type<tc>, window_params = [{}, {transform_indices = @transform_1, window_bounds = array<i64: 8192, 128>}, {transform_indices = @transform_2, window_bounds = array<i64: 8192, 128>}, {pipeline_mode = #tpu.pipeline_mode<synchronous>, transform_indices = @transform_3, window_bounds = array<i64: 128, 128>}, {pipeline_mode = #tpu.pipeline_mode<synchronous>, transform_indices = @transform_4, window_bounds = array<i64: 1, 128>}, {pipeline_mode = #tpu.pipeline_mode<synchronous>, transform_indices = @transform_5, window_bounds = array<i64: 1, 128>}, {pipeline_mode = #tpu.pipeline_mode<synchronous>, transform_indices = @transform_6, window_bounds = array<i64: 1, 128>}, {transform_indices = @transform_7, window_bounds = array<i64: 8192, 128>}]} {
    %get3A = arith.constant 0 : index
    %get3A_0 = arith.constant 0 : index
    %get3A_1 = vector.load %arg2[%get3A, %get3A_0] : memref<8192x128xf32, #tpu.memory_space<vmem>>, vector<8192x128xf32>
    %get3A_2 = arith.constant 0 : index
    %get3A_3 = arith.constant 0 : index
    %get3A_4 = vector.load %arg4[%get3A_2, %get3A_3] : memref<128x128xf32, #tpu.memory_space<vmem>>, vector<128x128xf32>
    %dot_general3A = arith.constant dense<0.000000e+00> : vector<8192x128xf32>
    %dot_general3A_5 = tpu.matmul %get3A_1, %get3A_4, %dot_general3A {dimension_numbers = #tpu.dot_dimension_numbers<[1], [0], [0], [1], [0, 0, 1, 1], [], []>, transpose_lhs_hint = false} : vector<8192x128xf32>, vector<128x128xf32>, vector<8192x128xf32> -> vector<8192x128xf32>
    %get3A_6 = arith.constant 0 : index
    %get3A_7 = arith.constant 0 : index
    %get3A_8 = vector.load %arg5[%get3A_6, %get3A_7] : memref<1x128xf32, #tpu.memory_space<vmem>>, vector<1x128xf32>
    %add3A = vector.broadcast %get3A_8 : vector<1x128xf32> to vector<8192x128xf32>
    %add3A_9 = arith.addf %dot_general3A_5, %add3A : vector<8192x128xf32>
    %get3A_10 = arith.constant 0 : index
    %get3A_11 = arith.constant 0 : index
    %get3A_12 = vector.load %arg3[%get3A_10, %get3A_11] : memref<8192x128xf32, #tpu.memory_space<vmem>>, vector<8192x128xf32>
    %add3A_13 = arith.addf %add3A_9, %get3A_12 : vector<8192x128xf32>
    %reduce_sum3A = arith.constant dense<0.000000e+00> : vector<8192xf32>
    %reduce_sum3A_14 = vector.multi_reduction <add>, %add3A_13, %reduce_sum3A [1] : vector<8192x128xf32> to vector<8192xf32>
    %broadcast_in_dim3A = vector.shape_cast %reduce_sum3A_14 : vector<8192xf32> to vector<8192x1xf32>
    %div3A = arith.constant 1.280000e+02 : f32
    %div3A_15 = vector.broadcast %div3A : f32 to vector<8192x1xf32>
    %div3A_16 = arith.divf %broadcast_in_dim3A, %div3A_15 : vector<8192x1xf32>
    %sub3A = vector.broadcast %div3A_16 : vector<8192x1xf32> to vector<8192x128xf32>
    %sub3A_17 = arith.subf %add3A_13, %sub3A : vector<8192x128xf32>
    %mul3A = arith.mulf %sub3A_17, %sub3A_17 : vector<8192x128xf32>
    %reduce_sum3A_18 = arith.constant dense<0.000000e+00> : vector<8192xf32>
    %reduce_sum3A_19 = vector.multi_reduction <add>, %mul3A, %reduce_sum3A_18 [1] : vector<8192x128xf32> to vector<8192xf32>
    %broadcast_in_dim3A_20 = vector.shape_cast %reduce_sum3A_19 : vector<8192xf32> to vector<8192x1xf32>
    %div3A_21 = arith.constant 1.280000e+02 : f32
    %div3A_22 = vector.broadcast %div3A_21 : f32 to vector<8192x1xf32>
    %div3A_23 = arith.divf %broadcast_in_dim3A_20, %div3A_22 : vector<8192x1xf32>
    %add3A_24 = arith.constant 9.99999996E-13 : f32
    %add3A_25 = vector.broadcast %add3A_24 : f32 to vector<8192x1xf32>
    %add3A_26 = arith.addf %div3A_23, %add3A_25 : vector<8192x1xf32>
    %rsqrt3A = math.rsqrt %add3A_26 : vector<8192x1xf32>
    %mul3A_27 = vector.broadcast %rsqrt3A : vector<8192x1xf32> to vector<8192x128xf32>
    %mul3A_28 = arith.mulf %sub3A_17, %mul3A_27 : vector<8192x128xf32>
    %get3A_29 = arith.constant 0 : index
    %get3A_30 = arith.constant 0 : index
    %get3A_31 = vector.load %arg6[%get3A_29, %get3A_30] : memref<1x128xf32, #tpu.memory_space<vmem>>, vector<1x128xf32>
    %mul3A_32 = vector.broadcast %get3A_31 : vector<1x128xf32> to vector<8192x128xf32>
    %mul3A_33 = arith.mulf %mul3A_28, %mul3A_32 : vector<8192x128xf32>
    %get3A_34 = arith.constant 0 : index
    %get3A_35 = arith.constant 0 : index
    %get3A_36 = vector.load %arg7[%get3A_34, %get3A_35] : memref<1x128xf32, #tpu.memory_space<vmem>>, vector<1x128xf32>
    %add3A_37 = vector.broadcast %get3A_36 : vector<1x128xf32> to vector<8192x128xf32>
    %add3A_38 = arith.addf %mul3A_33, %add3A_37 : vector<8192x128xf32>
    %swap3A = arith.constant 0 : index
    %swap3A_39 = arith.constant 0 : index
    %swap3A_40 = vector.load %arg8[%swap3A, %swap3A_39] : memref<8192x128xf32, #tpu.memory_space<vmem>>, vector<8192x128xf32>
    tpu.vector_store %arg8[%swap3A, %swap3A_39], %add3A_38 {strides = array<i32>} : memref<8192x128xf32, #tpu.memory_space<vmem>>, vector<8192x128xf32>,
    return
  }
  func.func @transform_1(%arg0: i32) -> (i32, i32) {
    %add3A = arith.constant 20 : i32
    %add3A_0 = arith.addi %arg0, %add3A : i32
    %c0_i32 = arith.constant 0 : i32
    %c0_i32_1 = arith.constant 0 : i32
    return %add3A_0, %c0_i32 : i32, i32
  }
  func.func @transform_2(%arg0: i32) -> (i32, i32) {
    %c0_i32 = arith.constant 0 : i32
    %c0_i32_0 = arith.constant 0 : i32
    return %arg0, %c0_i32 : i32, i32
  }
  func.func @transform_3(%arg0: i32) -> (i32, i32) {
    %c0_i32 = arith.constant 0 : i32
    %c0_i32_0 = arith.constant 0 : i32
    %c0_i32_1 = arith.constant 0 : i32
    return %c0_i32, %c0_i32_0 : i32, i32
  }
  func.func @transform_4(%arg0: i32) -> (i32, i32) {
    %c0_i32 = arith.constant 0 : i32
    %c0_i32_0 = arith.constant 0 : i32
    %c0_i32_1 = arith.constant 0 : i32
    return %c0_i32, %c0_i32_0 : i32, i32
  }
  func.func @transform_5(%arg0: i32) -> (i32, i32) {
    %c0_i32 = arith.constant 0 : i32
    %c0_i32_0 = arith.constant 0 : i32
    %c0_i32_1 = arith.constant 0 : i32
    return %c0_i32, %c0_i32_0 : i32, i32
  }
  func.func @transform_6(%arg0: i32) -> (i32, i32) {
    %c0_i32 = arith.constant 0 : i32
    %c0_i32_0 = arith.constant 0 : i32
    %c0_i32_1 = arith.constant 0 : i32
    return %c0_i32, %c0_i32_0 : i32, i32
  }
  func.func @transform_7(%arg0: i32) -> (i32, i32) {
    %add3A = arith.constant 20 : i32
    %add3A_0 = arith.addi %arg0, %add3A : i32
    %c0_i32 = arith.constant 0 : i32
    %c0_i32_1 = arith.constant 0 : i32
    return %add3A_0, %c0_i32 : i32, i32
  }
}

</mosaic_0001>

<sc_bundles>
// kernel: kernel.6.cloned.1.call-start
scs
__scs_entry_jumppad:
0x0: {  	(pc) =	sbr.rel $0x88, $3  }
0x1: {  	(tag) =	ssettag $0x0;
	lr =	simm.s32 $0x1  }
0x2: {  	[smem:$0x3F96] =	sst lr;
	_ =	strace $0xD0000000  }
0x3: {  	_ = 	snop  }
0x4: {  	_ = 	snop  }
0x5: {  	_ = 	snop  }
0x6: {  	_ = 	snop  }
0x7: {  	_ = 	snop  }
__scs_overlays_trampoline_lowered:
0x8: {  	[smem:$0x3FA5] =	sst s0  }
0x9: {  	[smem:$0x3FA6] =	sst s1  }
0xa: {  	[smem:$0x3FA7] =	sst s2  }
0xb: {  	[smem:$0x3FA8] =	sst s3  }
0xc: {  	[smem:$0x3FA9] =	sst s4  }
0xd: {  	[smem:$0x3FAA] =	sst s5  }
0xe: {  	[smem:$0x3FAB] =	sst s6  }
0xf: {  	[smem:$0x3FAC] =	sst s7  }
0x10: {  	[smem:$0x3FAD] =	sst s8  }
0x11: {  	[smem:$0x3FAE] =	sst s9;
	s0 =	simm.s32 @!p0 $0x0  }
0x12: {  	s1 =	sld [smem:$0x3F94];
	s0 =	simm.s32 @p0 $0x1  }
0x13: {  	[smem:$0x3FAF] =	sst s0;
	s0 =	simm.s32 @!p1 $0x0  }
0x14: {  	s2 =	sld [smem:$0x3F93];
	s0 =	simm.s32 @p1 $0x1  }
0x15: {  	[smem:$0x3FB0] =	sst s0;
	s0 =	simm.s32 @!p2 $0x0  }
0x16: {  	s3 =	sld [smem:$0x3FDB];
	s0 =	simm.s32 @p2 $0x1  }
0x17: {  	s4 =	simm.s32 $0x1BF5;
	[smem:$0x3FB2] =	sst s0  }
0x18: {  	s0 =	sld [smem:$0x3F95];
	_ =	swait.ge [sflag:s4], $0x0  }
0x19: {  	s7 =	sld [smem:$0x3F96]  }
0x1a: {  	s8 =	sadd.s32 $0xFFFFE003, lr  }
0x1b: {  	s9 =	sadd.s32 $0xFFFFFEF7, lr;
	s5 =	simm.s32 $0xFFFFFFFF;
	p2 =	slt.u32 s8, $0xFFFFF086  }
0x1c: {  	p1 =	slt.u32 s9, $0xF7A;
	s5 =	simm.s32 @!p2 $0x0  }
0x1d: {  	s5 =	simm.s32 @p1 $0x1;
	p0 =	seq.s32 s7, s2  }
0x1e: {  	s7 =	smul.u32 @!p0 $0xF7A, s2;
	p2 =	seq.s32 @!p0 s5, $0x0  }
0x1f: {  	s9 =	smul.u32 $0xF7A, s1;
	s8 =	simm.s32 @!p0 $0x1BF5;
	p2 =	por !p2, p0  }
0x20: {  	[sflag:s8] =	ssyncset.s32 @!p0 $0xFFFFF086;
	s6 =	sadd.s32 @!p0 s3, s7;
	s7 =	simm.s32 @!p0 $0x108  }
0x21: {  	s3 =	sadd.s32 s3, s9;
	s6 =	sadd.s32 @!p0 $0x88, s6;
	s7 =	simm.s32 @p2 $0x1082  }
0x22: {  	[simem:s7], [sflag:s8] =	dma.local @!p0 [hbm:s6], $0xF7A  }
0x23: {  	s9 =	sor.u32 $0xD0000000, s2;
	s6 =	simm.s32 $0x108;
	_ =	swait.ge @!p0 [sflag:s8], $0x0  }
0x24: {  	s3 =	sadd.s32 $0x88, s3;
	s6 =	simm.s32 @!p1 $0x1082;
	[sflag:s4] =	ssyncset.s32 $0xFFFFF086  }
0x25: {  	[simem:s6], [sflag:s4] =	dma.local [hbm:s3], $0xF7A  }
0x26: {  	[smem:$0x3F96] =	sst s1;
	(tag) =	ssettag s2;
	_ =	strace s9  }
0x27: {  	s1 =	sld [smem:$0x3FA6]  }
0x28: {  	s2 =	sld [smem:$0x3FA7]  }
0x29: {  	s4 =	sld [smem:$0x3FA9]  }
0x2a: {  	p0 =	seq.s32 s5, $0x0;
	s5 =	sld [smem:$0x3FAA]  }
0x2b: {  	s6 =	sld [smem:$0x3FAB]  }
0x2c: {  	s7 =	sld [smem:$0x3FAC]  }
0x2d: {  	s3 =	simm.s32 $0x108;
	s8 =	sld [smem:$0x3FAD]  }
0x2e: {  	s3 =	simm.s32 @!p0 $0x1082;
	s9 =	sld [smem:$0x3FAE]  }
0x2f: {  	lr =	sadd.s32 s0, s3;
	s0 =	sld [smem:$0x3FA5]  }
0x30: {  	s3 =	sld [smem:$0x3FA8]  }
0x31: {  	[smem:$0x3FB1] =	sst s10  }
0x32: {  	s10 =	sld [smem:$0x3FAF];
	_ =	sdelay $0x3  }
0x33: {  	p0 =	seq.s32 s10, $0x1;
	s10 =	sld [smem:$0x3FB1];
	_ =	sdelay $0x3  }
0x34: {  	[smem:$0x3FB1] =	sst s10  }
0x35: {  	s10 =	sld [smem:$0x3FB0];
	_ =	sdelay $0x3  }
0x36: {  	p1 =	seq.s32 s10, $0x1;
	s10 =	sld [smem:$0x3FB1];
	_ =	sdelay $0x3  }
0x37: {  	[smem:$0x3FB1] =	sst s10  }
0x38: {  	s10 =	sld [smem:$0x3FB2]  }
0x39: {  	_ = 	snop;
	(pc) =	sbr.ind lr, $3  }
0x3a: {  	_ = 	snop  }
0x3b: {  	_ = 	snop  }
0x3c: {  	p2 =	seq.s32 s10, $0x1;
	s10 =	sld [smem:$0x3FB1]  }
0x3d: {  	_ =	shalt  }
0x3e: {  	_ =	shalt  }
0x3f: {  	_ =	shalt  }
0x40: {  	_ =	shalt  }
0x41: {  	_ =	shalt  }
0x42: {  	_ =	shalt  }
0x43: {  	_ =	shalt  }
0x44: {  	_ =	shalt  }
0x45: {  	_ =	shalt  }
0x46: {  	_ =	shalt  }
0x47: {  	_ =	shalt  }
0x48: {  	_ =	shalt  }
0x49: {  	_ =	shalt  }
0x4a: {  	_ =	shalt  }
0x4b: {  	_ =	shalt  }
0x4c: {  	_ =	shalt  }
0x4d: {  	_ =	shalt  }
0x4e: {  	_ =	shalt  }
0x4f: {  	_ =	shalt  }
0x50: {  	_ =	shalt  }
0x51: {  	_ =	shalt  }
0x52: {  	_ =	shalt  }
0x53: {  	_ =	shalt  }
0x54: {  	_ =	shalt  }
0x55: {  	_ =	shalt  }
0x56: {  	_ =	shalt  }
0x57: {  	_ =	shalt  }
0x58: {  	_ =	shalt  }
0x59: {  	_ =	shalt  }
0x5a: {  	_ =	shalt  }
0x5b: {  	_ =	shalt  }
0x5c: {  	_ =	shalt  }
0x5d: {  	_ =	shalt  }
0x5e: {  	_ =	shalt  }
0x5f: {  	_ =	shalt  }
0x60: {  	_ =	shalt  }
0x61: {  	_ =	shalt  }
0x62: {  	_ =	shalt  }
0x63: {  	_ =	shalt  }
0x64: {  	_ =	shalt  }
0x65: {  	_ =	shalt  }
0x66: {  	_ =	shalt  }
0x67: {  	_ =	shalt  }
0x68: {  	_ =	shalt  }
0x69: {  	_ =	shalt  }
0x6a: {  	_ =	shalt  }
0x6b: {  	_ =	shalt  }
0x6c: {  	_ =	shalt  }
0x6d: {  	_ =	shalt  }
0x6e: {  	_ =	shalt  }
0x6f: {  	_ =	shalt  }
0x70: {  	_ =	shalt  }
0x71: {  	_ =	shalt  }
0x72: {  	_ =	shalt  }
0x73: {  	_ =	shalt  }
0x74: {  	_ =	shalt  }
0x75: {  	_ =	shalt  }
0x76: {  	_ =	shalt  }
0x77: {  	_ =	shalt  }
0x78: {  	_ =	shalt  }
0x79: {  	_ =	shalt  }
0x7a: {  	_ =	shalt  }
0x7b: {  	_ =	shalt  }
0x7c: {  	_ =	shalt  }
0x7d: {  	_ =	shalt  }
0x7e: {  	_ =	shalt  }
0x7f: {  	_ =	shalt  }
0x80: {  	_ =	shalt  }
0x81: {  	_ =	shalt  }
0x82: {  	_ =	shalt  }
0x83: {  	_ =	shalt  }
0x84: {  	_ =	shalt  }
0x85: {  	_ =	shalt  }
0x86: {  	_ =	shalt  }
0x87: {  	_ =	shalt  }
.Lfunc_end0:
.L_simem_size_0:
called_computation_lowered:
.L_overlay_start_0:
0x88: {  	s2 =	sld [smem:$0x3FD9]  }
0x89: {  	s3 =	sld [smem:$0x3FFE];
	_ =	sdelay $0x1  }
0x8a: {  	s1 =	srdreg.scid  }
0x8b: {  	s0 =	sand.u32 $0x1, s1  }
0x8c: {  	s17 =	sshll.u32 s0, $0xA;
	s2 =	sadd.s32 s3, s2  }
0x8d: {  	s2 =	sadd.s32 s2, s17  }
0x8e: {  	[smem:$0x3FBD] =	sst s2  }
0x8f: {  	_ = 	snop  }
0x90: {  	s2 =	sld [smem:$0x3FC3]  }
0x91: {  	s18 =	sld [smem:$0x3FC2]  }
0x92: {  	s4 =	sld [smem:$0x3FC1];
	(tm) =	ssettm $0x1  }
0x93: {  	s5 =	sld [smem:$0x3FFB];
	_ =	sdelay $0x3  }
0x94: {  	_ =	strace s5  }
0x95: {  	s5 =	sld [smem:$0x3FFC];
	_ =	sdelay $0x3  }
0x96: {  	_ =	strace s5  }
0x97: {  	s5 =	sld [smem:$0x3FFD];
	_ =	sdelay $0x3  }
0x98: {  	_ =	strace s5  }
0x99: {  	_ =	strace $0x8FFFFFFF  }
0x9a: {  	s19 =	sld [smem:$0x3FDB];
	_ =	sdelay $0x1  }
0x9b: {  	s6 =	simm.s32 $_scs_section_size  }
0x9c: {  	s7 =	simm.s32 $_size__tile_overlayer_lowered;
	s8 =	simm.s32 $_tile_overlayer_lowered  }
0x9d: {  	s22 =	simm.s32 $0x1BFF;
	s21 =	sshll.u32 s8, $0x1;
	s5 =	sadd.s32 s6, s19  }
0x9e: {  	s9 =	simm.s32 $0x0;
	s20 =	sshll.u32 s7, $0x1;
	s7 =	sadd.s32 s21, s5  }
0x9f: {  	[timem:s9], [sflag:s22] =	dma.local [hbm:s7], s20  }
0xa0: {  	_ =	swait.ge [sflag:s22], s20  }
0xa1: {  	s6 =	ssub.s32 $0x0, s20;
	[sflag:s22] =	ssyncset.done $0x0  }
0xa2: {  	[sflag:s22] =	ssyncadd.s32 s6;
	_ =	sdelay $0x1  }
0xa3: {  	s23 =	simm.s32 $0x1B8B  }
0xa4: {  	_ =	swait.ge [sflag:s23], $0x1  }
0xa5: {  	[sflag:s23] =	ssyncset.done $0x0  }
0xa6: {  	s25 =	simm.s32 $0x1B8E;
	s24 =	sld [smem:$0x3FFE];
	[sflag:s23] =	ssyncadd.s32 $0xFFFFFFFF  }
0xa7: {  	s26 =	simm.s32 $execute0_lowered;
	[smem:$0x3FD2] =	sst s25  }
0xa8: {  	s7 =	sshll.u32 s26, $0x1;
	_ =	strace $0x80000046;
	[dreg:$0x1] =	wrdreg $0xFFFFFFFF  }
0xa9: {  	s28 =	simm.s32 $_size_execute0_lowered;
	s5 =	sadd.s32 s5, s7;
	[dreg:$0x0] =	wrdreg $0x0  }
0xaa: {  	s7 =	sshll.u32 s28, $0x1;
	[dreg:$0x2] =	wrdreg s5  }
0xab: {  	[dreg:$0x3] =	wrdreg s7  }
0xac: {  	[dreg:$0x4] =	wrdreg $0xC0  }
0xad: {  	_ =	task [dreg:s9], $0x5FFFF  }
0xae: {  	[dreg:$0x1] =	wrdreg $0xFFFFFFFF  }
0xaf: {  	[dreg:$0x0] =	wrdreg $0x60  }
0xb0: {  	[dreg:$0x2] =	wrdreg s24  }
0xb1: {  	[dreg:$0x3] =	wrdreg s2  }
0xb2: {  	[dreg:$0x4] =	wrdreg s18  }
0xb3: {  	[dreg:$0x5] =	wrdreg s4  }
0xb4: {  	[dreg:$0x6] =	wrdreg $0x9  }
0xb5: {  	_ =	task.clear_ibuf [dreg:s9], $0x7FFFF;
	_ =	strace $0x90000046  }
0xb6: {  	s29 =	simm.s32 $0x9;
	_ =	strace $0x80000048  }
0xb7: {  	_ =	swait.ge [sflag:s29], $0x1  }
0xb8: {  	[sflag:s29] =	ssyncadd.s32 $0xFFFFFFFF  }
0xb9: {  	_ =	strace $0x90000048  }
0xba: {  	_ =	sfence  }
0xbb: {  	s30 =	sld [smem:$0x0];
	_ =	sdelay $0x2  }
0xbc: {  	s31 =	sshll.u32 s1, $0xD;
	s1 =	sshrl.u32 s1, $0x2  }
0xbd: {  	s3 =	sand.u32 $0x4000, s31;
	s1 =	sadd.s32 s1, s30  }
0xbe: {  	s0 =	sor.u32 s3, s0;
	s1 =	sshll.u32 s1, $0x11  }
0xbf: {  	s0 =	sor.u32 s1, s0  }
0xc0: {  	s0 =	sadd.s32 $0x8F2B, s0  }
0xc1: {  	[sflag:s0] =	ssyncadd.remote.s32 $0x1  }
0xc2: {  	_ =	sfence.sel $0xFFFF  }
0xc3: {  	[dreg:$0x0] =	wrdreg $0xFFFFFFFF;
	(pc) =	sbr.abs _section_cstart, $3  }
0xc4: {  	[dreg:$0x1] =	wrdreg $0xFFFFFFFF  }
0xc5: {  	_ =	task.clear_ibuf [dreg:s9], $0x2FFFF;
	_ =	strace $0x9FFFFFFF  }
0xc6: {  	(tm) =	ssettm $0x7FFFFFFF  }
0xc7: {  	_ =	shalt  }
tec
execute0_lowered:
.L_overlay_start_1:
0x0: {  	(tag) =	ssettag $0x1  }
0x1: {  	s0 =	rddreg [dreg:$0x0]  }
0x2: {  	s1 =	rddreg [dreg:$0x1];
	s2 =	srdreg.scid  }
0x3: {  	s4 =	stileid.u32;
	s3 =	rddreg [dreg:$0x2]  }
0x4: {  	s12 =	simm.s32 $0x5;
	s13 =	simm.s32 $0x1400;
	s14 =	simm.s32 $0x2800  }
0x5: {  	s15 =	simm.s32 $0x80;
	s16 =	simm.s32 $0x3C00;
	s19 =	simm.s32 $0xFC00  }
0x6: {  	s20 =	simm.s32 $0x1480;
	s21 =	simm.s32 $0x13C00;
	s22 =	simm.s32 $0x2880  }
0x7: {  	s23 =	simm.s32 $0x17C00;
	s24 =	simm.s32 $0x1;
	s25 =	simm.s32 $0x2  }
0x8: {  	s26 =	simm.s32 $0x3;
	s28 =	simm.s32 $0x4;
	s29 =	simm.s32 $0x0  }
0x9: {  	s2 =	sand.u32 $0x1, s2;
	s5 =	sshll.u32 s4, $0x1;
	s4 =	rddreg [dreg:$0x3]  }
0xa: {  	s10 =	sor.u32 s2, s5;
	s5 =	simm.s32 $0x0;
	s2 =	ssub.s32 $0x2, s2  }
0xb: {  	s6 =	smul.u32 $0x280, s10;
	[smem:$0x7FF] =	sst s5;
	s7 =	sshrl.u32 s2, $0x1  }
0xc: {  	s10 =	smul.u32 $0xA0000, s10;
	_ =	strace $0x80000047;
	s31 =	ssub.s32 s2, s7  }
0xd: {  	s9 =	sadd.s32 s6, s0;
	s6 =	sadd.s32 $0x1F000, s0;
	s11 =	smax.u32 s31, $0x1  }
0xe: {  	s7 =	sadd.s32 $0x1000, s9;
	s8 =	sadd.s32 $0xB000, s9;
	s9 =	sadd.s32 $0x15000, s9  }
.LBB2_1:
0xf: {  	[tilespmem:s5], [sflag:$0x5] =	stream.linear.gather [hbm4b:s7+s5], $0x1400, $0x38;
	[tilespmem:$0x1BC00] =	vst v63  }
0x10: {  	_ =	swait.ge [sflag:s12], $0x1400  }
0x11: {  	[sflag:s12] =	ssyncset.done $0x0  }
0x12: {  	[sflag:s12] =	ssyncadd.s32 $0xFFFFEC00  }
0x13: {  	[tilespmem:s13], [sflag:$0x5] =	stream.linear.gather [hbm4b:s8+s5], $0x1400, $0x38;
	[tilespmem:$0x1BC00] =	vst v63  }
0x14: {  	_ =	swait.ge [sflag:s12], $0x1400  }
0x15: {  	[sflag:s12] =	ssyncset.done $0x0  }
0x16: {  	[sflag:s12] =	ssyncadd.s32 $0xFFFFEC00  }
0x17: {  	[tilespmem:s14], [sflag:$0x5] =	stream.linear.gather [hbm4b:s9+s5], $0x1400, $0x38;
	[tilespmem:$0x1BC00] =	vst v63  }
0x18: {  	_ =	swait.ge [sflag:s12], $0x1400  }
0x19: {  	[sflag:s12] =	ssyncset.done $0x0  }
0x1a: {  	[sflag:s12] =	ssyncadd.s32 $0xFFFFEC00  }
0x1b: {  	[tilespmem:s16], [sflag:$0x1] =	stream.indirect.gather [hbm4b:s1+s15], $0x80, s5, s15, $0xb8;
	[tilespmem:$0x1BC00] =	vst v63  }
0x1c: {  	s0 =	simm.s32 $0x7C00  }
0x1d: {  	[tilespmem:s0], [sflag:$0x1] =	stream.indirect.gather [hbm4b:s3+s15], $0x80, s13, s15, $0xb8;
	[tilespmem:$0x1BC00] =	vst v63  }
0x1e: {  	s31 =	simm.s32 $0xBC00  }
0x1f: {  	[tilespmem:s31], [sflag:$0x1] =	stream.indirect.gather [hbm4b:s4+s15], $0x80, s14, s15, $0xb8;
	[tilespmem:$0x1BC00] =	vst v63  }
0x20: {  	_ = 	snop  }
0x21: {  	[tilespmem:s19], [sflag:$0x2] =	stream.indirect.gather [hbm4b:s1+s15], $0x80, s15, s15, $0xb8;
	[tilespmem:$0x1BC00] =	vst v63  }
0x22: {  	_ = 	snop  }
0x23: {  	[tilespmem:s21], [sflag:$0x2] =	stream.indirect.gather [hbm4b:s3+s15], $0x80, s20, s15, $0xb8;
	[tilespmem:$0x1BC00] =	vst v63  }
0x24: {  	s30 =	simm.s32 $0x0  }
0x25: {  	[tilespmem:s23], [sflag:$0x2] =	stream.indirect.gather [hbm4b:s4+s15], $0x80, s22, s15, $0xb8;
	[tilespmem:$0x1BC00] =	vst v63  }
.LBB2_2:
0x26: {  	_ =	swait.ge [sflag:s24], $0x4000  }
0x27: {  	[sflag:s24] =	ssyncset.done $0x0  }
0x28: {  	[sflag:s24] =	ssyncadd.s32 $0xFFFFC000  }
0x29: {  	_ =	swait.ge [sflag:s24], $0x4000  }
0x2a: {  	[sflag:s24] =	ssyncset.done $0x0  }
0x2b: {  	[sflag:s24] =	ssyncadd.s32 $0xFFFFC000  }
0x2c: {  	_ =	swait.ge [sflag:s24], $0x4000  }
0x2d: {  	p0 =	seq.s32 s30, $0x0;
	[sflag:s24] =	ssyncset.done $0x0  }
0x2e: {  	s0 =	simm.s32 @!p0 $0x4;
	[sflag:s24] =	ssyncadd.s32 $0xFFFFC000  }
0x2f: {  	_ =	swait.ge @!p0 [sflag:s0], $0x4000  }
0x30: {  	[sflag:s0] =	ssyncset.done @!p0 $0x0  }
0x31: {  	[sflag:s0] =	ssyncadd.s32 @!p0 $0xFFFFC000;
	s0 =	sshllo.u32 @!p0 s30, $0x1  }
0x32: {  	s17 =	simm.s32 @!p0 $0x80;
	s31 =	simm.s32 @!p0 $0xFC00;
	s2 =	sshll.u32 @!p0 s0, $0x7  }
0x33: {  	[tilespmem:s31], [sflag:$0x2] =	stream.indirect.gather @!p0 [hbm4b:s1+s17], $0x80, s2, s17, $0xb8;
	[tilespmem:$0x1BC00] =	vst v63  }
0x34: {  	s18 =	simm.s32 @!p0 $0x13C00;
	s31 =	sadd.s32 @!p0 $0x1400, s2  }
0x35: {  	[tilespmem:s18], [sflag:$0x2] =	stream.indirect.gather @!p0 [hbm4b:s3+s17], $0x80, s31, s17, $0xb8;
	[tilespmem:$0x1BC00] =	vst v63  }
0x36: {  	s2 =	sadd.s32 @!p0 $0x2800, s2;
	s18 =	simm.s32 @!p0 $0x17C00  }
0x37: {  	[tilespmem:s18], [sflag:$0x2] =	stream.indirect.gather @!p0 [hbm4b:s4+s17], $0x80, s2, s17, $0xb8;
	[tilespmem:$0x1BC00] =	vst v63  }
0x38: {  	s2 =	simm.s32 $0x0  }
0x39: {  	v0 =	vld [tilespmem:s2+$0x7CF0]  }
0x3a: {  	v1 =	vld [tilespmem:s2+$0xBCF0]  }
0x3b: {  	v2 =	vld [tilespmem:s2+$0x7C00]  }
0x3c: {  	v3 =	vld [tilespmem:s2+$0xBC00]  }
0x3d: {  	v4 =	vld [tilespmem:s2+$0x7C10]  }
0x3e: {  	v5 =	vld [tilespmem:s2+$0xBC10]  }
0x3f: {  	v6 =	vld [tilespmem:s2+$0x7C20]  }
0x40: {  	v7 =	vld [tilespmem:s2+$0xBC30]  }
0x41: {  	v8 =	vld [tilespmem:s2+$0x7C40]  }
0x42: {  	v9 =	vld [tilespmem:s2+$0xBC40]  }
0x43: {  	v10 =	vld [tilespmem:s2+$0x7C50]  }
0x44: {  	v11 =	vld [tilespmem:s2+$0xBC50]  }
0x45: {  	v12 =	vld [tilespmem:s2+$0x7C60]  }
0x46: {  	v13 =	vld [tilespmem:s2+$0xBC60]  }
0x47: {  	v14 =	vld [tilespmem:s2+$0x7C70]  }
0x48: {  	v15 =	vld [tilespmem:s2+$0xBC70]  }
0x49: {  	v16 =	vld [tilespmem:s2+$0x7C80]  }
0x4a: {  	v17 =	vld [tilespmem:s2+$0xBC80]  }
0x4b: {  	v18 =	vld [tilespmem:s2+$0x7C90]  }
0x4c: {  	v19 =	vld [tilespmem:s2+$0xBC90]  }
0x4d: {  	v20 =	vld [tilespmem:s2+$0x7CA0]  }
0x4e: {  	v21 =	vld [tilespmem:s2+$0xBCA0]  }
0x4f: {  	v22 =	vld [tilespmem:s2+$0x7CB0]  }
0x50: {  	v23 =	vld [tilespmem:s2+$0xBCB0]  }
0x51: {  	v24 =	vld [tilespmem:s2+$0x7CC0]  }
0x52: {  	v25 =	vld [tilespmem:s2+$0xBCC0]  }
0x53: {  	v26 =	vld [tilespmem:s2+$0x7CD0]  }
0x54: {  	v27 =	vld [tilespmem:s2+$0xBCD0]  }
0x55: {  	v63 =	vld [tilespmem:s2+$0xBCE0];
	v0 =	vadd.f32 v1, v0  }
0x56: {  	v1 =	vld [tilespmem:s2+$0xBC20]  }
0x57: {  	v2 =	vadd.f32 v3, v2;
	[tilespmem:s2+$0x3CF0] =	vst.add.f32.msk $0xffff, v0  }
0x58: {  	v0 =	vld [tilespmem:s2+$0x7C30]  }
0x59: {  	[tilespmem:s2+$0x3C00] =	vst.add.f32.msk $0xffff, v2;
	v2 =	vadd.f32 v9, v8  }
0x5a: {  	v3 =	vld [tilespmem:s2+$0x7CE0];
	v4 =	vadd.f32 v5, v4  }
0x5b: {  	[tilespmem:s2+$0x3C40] =	vst.add.f32.msk $0xffff, v2;
	v2 =	vadd.f32 v15, v14  }
0x5c: {  	[tilespmem:s2+$0x3C10] =	vst.add.f32.msk $0xffff, v4;
	v1 =	vadd.f32 v1, v6  }
0x5d: {  	[tilespmem:s2+$0x3C70] =	vst.add.f32.msk $0xffff, v2;
	v2 =	vadd.f32 v21, v20  }
0x5e: {  	v0 =	vadd.f32 v7, v0;
	[tilespmem:s2+$0x3C20] =	vst.add.f32.msk $0xffff, v1  }
0x5f: {  	v1 =	vadd.f32 v11, v10;
	[tilespmem:s2+$0x3CA0] =	vst.add.f32.msk $0xffff, v2  }
0x60: {  	[tilespmem:s2+$0x3C30] =	vst.add.f32.msk $0xffff, v0;
	v0 =	vadd.f32 v13, v12  }
0x61: {  	v2 =	vadd.f32 v27, v26;
	[tilespmem:s2+$0x3C50] =	vst.add.f32.msk $0xffff, v1  }
0x62: {  	[tilespmem:s2+$0x3C60] =	vst.add.f32.msk $0xffff, v0;
	v0 =	vadd.f32 v19, v18  }
0x63: {  	v1 =	vadd.f32 v17, v16;
	[tilespmem:s2+$0x3CD0] =	vst.add.f32.msk $0xffff, v2  }
0x64: {  	[tilespmem:s2+$0x3C90] =	vst.add.f32.msk $0xffff, v0;
	v0 =	vadd.f32 v25, v24  }
0x65: {  	[tilespmem:s2+$0x3C80] =	vst.add.f32.msk $0xffff, v1;
	v1 =	vadd.f32 v23, v22  }
0x66: {  	s31 =	sshll.u32 @!p0 s0, $0xE;
	[tilespmem:s2+$0x3CC0] =	vst.add.f32.msk $0xffff, v0;
	v0 =	vadd.f32 v63, v3  }
0x67: {  	s0 =	simm.s32 $0x0;
	s31 =	simm.s32 @p0 $0x4000;
	s17 =	simm.s32 $0x400;
	[tilespmem:s2+$0x3CB0] =	vst.add.f32.msk $0xffff, v1  }
.LBB2_3:
0x68: {  	[tilespmem:s2+$0x3CE0] =	vst.add.f32.msk $0xffff, v0;
	s2 =	sshra.s32 s17, $0x2  }
0x69: {  	s0 =	sadd.s32 $0x2, s0;
	v0 =	vld [tilespmem:s2+$0x7CF0]  }
0x6a: {  	p0 =	slt.u32 s0, $0x7E;
	v1 =	vld [tilespmem:s2+$0xBCF0]  }
0x6b: {  	v2 =	vld [tilespmem:s2+$0x7C00]  }
0x6c: {  	v3 =	vld [tilespmem:s2+$0xBC00]  }
0x6d: {  	v4 =	vld [tilespmem:s2+$0x7C10]  }
0x6e: {  	v5 =	vld [tilespmem:s2+$0xBC10]  }
0x6f: {  	v6 =	vld [tilespmem:s2+$0x7C20];
	v0 =	vadd.f32 v1, v0  }
0x70: {  	v1 =	vld [tilespmem:s2+$0xBC20]  }
0x71: {  	v2 =	vadd.f32 v3, v2;
	[tilespmem:s2+$0x3CF0] =	vst.add.f32.msk $0xffff, v0  }
0x72: {  	v0 =	vld [tilespmem:s2+$0x7C30]  }
0x73: {  	v3 =	vadd.f32 v5, v4;
	v4 =	vld [tilespmem:s2+$0xBC30]  }
0x74: {  	v5 =	vld [tilespmem:s2+$0x7C40]  }
0x75: {  	v1 =	vadd.f32 v1, v6;
	v6 =	vld [tilespmem:s2+$0xBC40]  }
0x76: {  	v7 =	vld [tilespmem:s2+$0x7C50]  }
0x77: {  	v8 =	vld [tilespmem:s2+$0xBC50]  }
0x78: {  	v0 =	vadd.f32 v4, v0;
	v4 =	vld [tilespmem:s2+$0x7C60]  }
0x79: {  	v9 =	vld [tilespmem:s2+$0xBC60]  }
0x7a: {  	v5 =	vadd.f32 v6, v5;
	v6 =	vld [tilespmem:s2+$0x7C70]  }
0x7b: {  	v10 =	vld [tilespmem:s2+$0xBC70]  }
0x7c: {  	v7 =	vadd.f32 v8, v7;
	v8 =	vld [tilespmem:s2+$0x7C80]  }
0x7d: {  	v11 =	vld [tilespmem:s2+$0xBC80]  }
0x7e: {  	v4 =	vadd.f32 v9, v4;
	v9 =	vld [tilespmem:s2+$0x7C90]  }
0x7f: {  	v12 =	vld [tilespmem:s2+$0xBC90]  }
0x80: {  	v6 =	vadd.f32 v10, v6;
	v10 =	vld [tilespmem:s2+$0x7CA0]  }
0x81: {  	v13 =	vld [tilespmem:s2+$0xBCA0]  }
0x82: {  	v8 =	vadd.f32 v11, v8;
	v11 =	vld [tilespmem:s2+$0x7CB0]  }
0x83: {  	v14 =	vld [tilespmem:s2+$0xBCB0]  }
0x84: {  	v9 =	vadd.f32 v12, v9;
	v12 =	vld [tilespmem:s2+$0x7CC0]  }
0x85: {  	v15 =	vld [tilespmem:s2+$0xBCC0]  }
0x86: {  	v10 =	vadd.f32 v13, v10;
	v13 =	vld [tilespmem:s2+$0x7CD0]  }
0x87: {  	v16 =	vld [tilespmem:s2+$0xBCD0]  }
0x88: {  	v11 =	vadd.f32 v14, v11;
	v14 =	vld [tilespmem:s2+$0x7CE0]  }
0x89: {  	v17 =	vld [tilespmem:s2+$0xBCE0]  }
0x8a: {  	[tilespmem:s2+$0x3C00] =	vst.add.f32.msk $0xffff, v2;
	v2 =	vadd.f32 v15, v12  }
0x8b: {  	[tilespmem:s2+$0x3C10] =	vst.add.f32.msk $0xffff, v3  }
0x8c: {  	[tilespmem:s2+$0x3C20] =	vst.add.f32.msk $0xffff, v1;
	v1 =	vadd.f32 v16, v13  }
0x8d: {  	[tilespmem:s2+$0x3C30] =	vst.add.f32.msk $0xffff, v0  }
0x8e: {  	[tilespmem:s2+$0x3C40] =	vst.add.f32.msk $0xffff, v5;
	v0 =	vadd.f32 v17, v14  }
0x8f: {  	[tilespmem:s2+$0x3C50] =	vst.add.f32.msk $0xffff, v7  }
0x90: {  	[tilespmem:s2+$0x3C60] =	vst.add.f32.msk $0xffff, v4  }
0x91: {  	[tilespmem:s2+$0x3C70] =	vst.add.f32.msk $0xffff, v6  }
0x92: {  	[tilespmem:s2+$0x3C80] =	vst.add.f32.msk $0xffff, v8  }
.Ltmp0:
0x93: {  	[tilespmem:s2+$0x3C90] =	vst.add.f32.msk $0xffff, v9;
	(pc) =	sbr.rel @p0 .LBB2_3-.Ltmp0, $4  }
0x94: {  	[tilespmem:s2+$0x3CA0] =	vst.add.f32.msk $0xffff, v10  }
0x95: {  	[tilespmem:s2+$0x3CB0] =	vst.add.f32.msk $0xffff, v11  }
0x96: {  	[tilespmem:s2+$0x3CC0] =	vst.add.f32.msk $0xffff, v2  }
0x97: {  	s17 =	sadd.s32 $0x400, s17;
	[tilespmem:s2+$0x3CD0] =	vst.add.f32.msk $0xffff, v1  }
0x98: {  	s0 =	sshll.u32 s30, $0xF  }
0x99: {  	s0 =	sadd.s32 s10, s0  }
0x9a: {  	s0 =	sshrl.u32 s0, $0x3  }
0x9b: {  	[tilespmem:s2+$0x3CE0] =	vst.add.f32.msk $0xffff, v0;
	s0 =	sadd.s32 s6, s0  }
0x9c: {  	[hbm4b:s0+s5] =	stream.linear.scatter [tilespmem:s16], [sflag:$0x3], $0x4000, $0x38;
	[tilespmem:$0x1BC00] =	vst v63  }
0x9d: {  	_ =	swait.ge [sflag:s25], $0x4000  }
0x9e: {  	[sflag:s25] =	ssyncset.done $0x0  }
0x9f: {  	[sflag:s25] =	ssyncadd.s32 $0xFFFFC000  }
0xa0: {  	_ =	swait.ge [sflag:s25], $0x4000  }
0xa1: {  	[sflag:s25] =	ssyncset.done $0x0  }
0xa2: {  	[sflag:s25] =	ssyncadd.s32 $0xFFFFC000  }
0xa3: {  	_ =	swait.ge [sflag:s25], $0x4000  }
0xa4: {  	[sflag:s25] =	ssyncset.done $0x0  }
0xa5: {  	[sflag:s25] =	ssyncadd.s32 $0xFFFFC000  }
0xa6: {  	p0 =	seq.s32 s30, $0x13;
	_ =	swait.ge [sflag:s26], $0x4000  }
0xa7: {  	s17 =	simm.s32 @!p0 $0x80;
	s0 =	sshll.u32 @!p0 s30, $0x8;
	[sflag:s26] =	ssyncset.done $0x0  }
0xa8: {  	s18 =	simm.s32 @!p0 $0x3C00;
	s2 =	sadd.s32 @!p0 $0x100, s0;
	[sflag:s26] =	ssyncadd.s32 $0xFFFFC000  }
0xa9: {  	[tilespmem:s18], [sflag:$0x1] =	stream.indirect.gather @!p0 [hbm4b:s1+s17], $0x80, s2, s17, $0xb8;
	[tilespmem:$0x1BC00] =	vst v63  }
0xaa: {  	s2 =	sadd.s32 @!p0 $0x1500, s0;
	s18 =	simm.s32 @!p0 $0x7C00  }
0xab: {  	[tilespmem:s18], [sflag:$0x1] =	stream.indirect.gather @!p0 [hbm4b:s3+s17], $0x80, s2, s17, $0xb8;
	[tilespmem:$0x1BC00] =	vst v63  }
0xac: {  	s0 =	sadd.s32 @!p0 $0x2900, s0;
	s2 =	simm.s32 @!p0 $0xBC00  }
0xad: {  	[tilespmem:s2], [sflag:$0x1] =	stream.indirect.gather @!p0 [hbm4b:s4+s17], $0x80, s0, s17, $0xb8;
	[tilespmem:$0x1BC00] =	vst v63  }
0xae: {  	s2 =	simm.s32 $0x0  }
0xaf: {  	v0 =	vld [tilespmem:s2+$0x13CF0]  }
0xb0: {  	v1 =	vld [tilespmem:s2+$0x17CF0]  }
0xb1: {  	v2 =	vld [tilespmem:s2+$0x13C00]  }
0xb2: {  	v3 =	vld [tilespmem:s2+$0x17C00]  }
0xb3: {  	v4 =	vld [tilespmem:s2+$0x13C10]  }
0xb4: {  	v5 =	vld [tilespmem:s2+$0x17C10]  }
0xb5: {  	v6 =	vld [tilespmem:s2+$0x13C20]  }
0xb6: {  	v7 =	vld [tilespmem:s2+$0x17C30]  }
0xb7: {  	v8 =	vld [tilespmem:s2+$0x13C40]  }
0xb8: {  	v9 =	vld [tilespmem:s2+$0x17C40]  }
0xb9: {  	v10 =	vld [tilespmem:s2+$0x13C50]  }
0xba: {  	v11 =	vld [tilespmem:s2+$0x17C50]  }
0xbb: {  	v12 =	vld [tilespmem:s2+$0x13C60]  }
0xbc: {  	v13 =	vld [tilespmem:s2+$0x17C60]  }
0xbd: {  	v14 =	vld [tilespmem:s2+$0x13C70]  }
0xbe: {  	v15 =	vld [tilespmem:s2+$0x17C70]  }
0xbf: {  	v16 =	vld [tilespmem:s2+$0x13C80]  }
0xc0: {  	v17 =	vld [tilespmem:s2+$0x17C80]  }
0xc1: {  	v18 =	vld [tilespmem:s2+$0x13C90]  }
0xc2: {  	v19 =	vld [tilespmem:s2+$0x17C90]  }
0xc3: {  	v20 =	vld [tilespmem:s2+$0x13CA0]  }
0xc4: {  	v21 =	vld [tilespmem:s2+$0x17CA0]  }
0xc5: {  	v22 =	vld [tilespmem:s2+$0x13CB0]  }
0xc6: {  	v23 =	vld [tilespmem:s2+$0x17CB0]  }
0xc7: {  	v24 =	vld [tilespmem:s2+$0x13CC0]  }
0xc8: {  	v25 =	vld [tilespmem:s2+$0x17CC0]  }
0xc9: {  	v26 =	vld [tilespmem:s2+$0x13CD0]  }
0xca: {  	v27 =	vld [tilespmem:s2+$0x17CD0]  }
0xcb: {  	v63 =	vld [tilespmem:s2+$0x17CE0];
	v0 =	vadd.f32 v1, v0  }
0xcc: {  	v1 =	vld [tilespmem:s2+$0x17C20]  }
0xcd: {  	v2 =	vadd.f32 v3, v2;
	[tilespmem:s2+$0xFCF0] =	vst.add.f32.msk $0xffff, v0  }
0xce: {  	v0 =	vld [tilespmem:s2+$0x13C30]  }
0xcf: {  	[tilespmem:s2+$0xFC00] =	vst.add.f32.msk $0xffff, v2;
	v2 =	vadd.f32 v9, v8  }
0xd0: {  	v3 =	vld [tilespmem:s2+$0x13CE0];
	v4 =	vadd.f32 v5, v4  }
0xd1: {  	[tilespmem:s2+$0xFC40] =	vst.add.f32.msk $0xffff, v2;
	v2 =	vadd.f32 v15, v14  }
0xd2: {  	[tilespmem:s2+$0xFC10] =	vst.add.f32.msk $0xffff, v4;
	v1 =	vadd.f32 v1, v6  }
0xd3: {  	[tilespmem:s2+$0xFC70] =	vst.add.f32.msk $0xffff, v2;
	v2 =	vadd.f32 v21, v20  }
0xd4: {  	v0 =	vadd.f32 v7, v0;
	[tilespmem:s2+$0xFC20] =	vst.add.f32.msk $0xffff, v1  }
0xd5: {  	v1 =	vadd.f32 v11, v10;
	[tilespmem:s2+$0xFCA0] =	vst.add.f32.msk $0xffff, v2  }
0xd6: {  	[tilespmem:s2+$0xFC30] =	vst.add.f32.msk $0xffff, v0;
	v0 =	vadd.f32 v13, v12  }
0xd7: {  	v2 =	vadd.f32 v27, v26;
	[tilespmem:s2+$0xFC50] =	vst.add.f32.msk $0xffff, v1  }
0xd8: {  	[tilespmem:s2+$0xFC60] =	vst.add.f32.msk $0xffff, v0;
	v0 =	vadd.f32 v19, v18  }
0xd9: {  	v1 =	vadd.f32 v17, v16;
	[tilespmem:s2+$0xFCD0] =	vst.add.f32.msk $0xffff, v2  }
0xda: {  	[tilespmem:s2+$0xFC90] =	vst.add.f32.msk $0xffff, v0;
	v0 =	vadd.f32 v25, v24  }
0xdb: {  	[tilespmem:s2+$0xFC80] =	vst.add.f32.msk $0xffff, v1;
	v1 =	vadd.f32 v23, v22  }
0xdc: {  	[tilespmem:s2+$0xFCC0] =	vst.add.f32.msk $0xffff, v0;
	v0 =	vadd.f32 v63, v3  }
0xdd: {  	s0 =	simm.s32 $0x0;
	s17 =	simm.s32 $0x400;
	[tilespmem:s2+$0xFCB0] =	vst.add.f32.msk $0xffff, v1  }
.LBB2_5:
0xde: {  	[tilespmem:s2+$0xFCE0] =	vst.add.f32.msk $0xffff, v0;
	s2 =	sshra.s32 s17, $0x2  }
0xdf: {  	s0 =	sadd.s32 $0x2, s0;
	v0 =	vld [tilespmem:s2+$0x13CF0]  }
0xe0: {  	p0 =	slt.u32 s0, $0x7E;
	v1 =	vld [tilespmem:s2+$0x17CF0]  }
0xe1: {  	v2 =	vld [tilespmem:s2+$0x13C00]  }
0xe2: {  	v3 =	vld [tilespmem:s2+$0x17C00]  }
0xe3: {  	v4 =	vld [tilespmem:s2+$0x13C10]  }
0xe4: {  	v5 =	vld [tilespmem:s2+$0x17C10]  }
0xe5: {  	v6 =	vld [tilespmem:s2+$0x13C20];
	v0 =	vadd.f32 v1, v0  }
0xe6: {  	v1 =	vld [tilespmem:s2+$0x17C20]  }
0xe7: {  	v2 =	vadd.f32 v3, v2;
	[tilespmem:s2+$0xFCF0] =	vst.add.f32.msk $0xffff, v0  }
0xe8: {  	v0 =	vld [tilespmem:s2+$0x13C30]  }
0xe9: {  	v3 =	vadd.f32 v5, v4;
	v4 =	vld [tilespmem:s2+$0x17C30]  }
0xea: {  	v5 =	vld [tilespmem:s2+$0x13C40]  }
0xeb: {  	v1 =	vadd.f32 v1, v6;
	v6 =	vld [tilespmem:s2+$0x17C40]  }
0xec: {  	v7 =	vld [tilespmem:s2+$0x13C50]  }
0xed: {  	v8 =	vld [tilespmem:s2+$0x17C50]  }
0xee: {  	v0 =	vadd.f32 v4, v0;
	v4 =	vld [tilespmem:s2+$0x13C60]  }
0xef: {  	v9 =	vld [tilespmem:s2+$0x17C60]  }
0xf0: {  	v5 =	vadd.f32 v6, v5;
	v6 =	vld [tilespmem:s2+$0x13C70]  }
0xf1: {  	v10 =	vld [tilespmem:s2+$0x17C70]  }
0xf2: {  	v7 =	vadd.f32 v8, v7;
	v8 =	vld [tilespmem:s2+$0x13C80]  }
0xf3: {  	v11 =	vld [tilespmem:s2+$0x17C80]  }
0xf4: {  	v4 =	vadd.f32 v9, v4;
	v9 =	vld [tilespmem:s2+$0x13C90]  }
0xf5: {  	v12 =	vld [tilespmem:s2+$0x17C90]  }
0xf6: {  	v6 =	vadd.f32 v10, v6;
	v10 =	vld [tilespmem:s2+$0x13CA0]  }
0xf7: {  	v13 =	vld [tilespmem:s2+$0x17CA0]  }
0xf8: {  	v8 =	vadd.f32 v11, v8;
	v11 =	vld [tilespmem:s2+$0x13CB0]  }
0xf9: {  	v14 =	vld [tilespmem:s2+$0x17CB0]  }
0xfa: {  	v9 =	vadd.f32 v12, v9;
	v12 =	vld [tilespmem:s2+$0x13CC0]  }
0xfb: {  	v15 =	vld [tilespmem:s2+$0x17CC0]  }
0xfc: {  	v10 =	vadd.f32 v13, v10;
	v13 =	vld [tilespmem:s2+$0x13CD0]  }
0xfd: {  	v16 =	vld [tilespmem:s2+$0x17CD0]  }
0xfe: {  	v11 =	vadd.f32 v14, v11;
	v14 =	vld [tilespmem:s2+$0x13CE0]  }
0xff: {  	v17 =	vld [tilespmem:s2+$0x17CE0]  }
0x100: {  	[tilespmem:s2+$0xFC00] =	vst.add.f32.msk $0xffff, v2;
	v2 =	vadd.f32 v15, v12  }
0x101: {  	[tilespmem:s2+$0xFC10] =	vst.add.f32.msk $0xffff, v3  }
0x102: {  	[tilespmem:s2+$0xFC20] =	vst.add.f32.msk $0xffff, v1;
	v1 =	vadd.f32 v16, v13  }
0x103: {  	[tilespmem:s2+$0xFC30] =	vst.add.f32.msk $0xffff, v0  }
0x104: {  	[tilespmem:s2+$0xFC40] =	vst.add.f32.msk $0xffff, v5;
	v0 =	vadd.f32 v17, v14  }
0x105: {  	[tilespmem:s2+$0xFC50] =	vst.add.f32.msk $0xffff, v7  }
0x106: {  	[tilespmem:s2+$0xFC60] =	vst.add.f32.msk $0xffff, v4  }
0x107: {  	[tilespmem:s2+$0xFC70] =	vst.add.f32.msk $0xffff, v6  }
0x108: {  	[tilespmem:s2+$0xFC80] =	vst.add.f32.msk $0xffff, v8  }
.Ltmp1:
0x109: {  	[tilespmem:s2+$0xFC90] =	vst.add.f32.msk $0xffff, v9;
	(pc) =	sbr.rel @p0 .LBB2_5-.Ltmp1, $4  }
0x10a: {  	[tilespmem:s2+$0xFCA0] =	vst.add.f32.msk $0xffff, v10  }
0x10b: {  	[tilespmem:s2+$0xFCB0] =	vst.add.f32.msk $0xffff, v11  }
0x10c: {  	[tilespmem:s2+$0xFCC0] =	vst.add.f32.msk $0xffff, v2  }
0x10d: {  	s17 =	sadd.s32 $0x400, s17;
	[tilespmem:s2+$0xFCD0] =	vst.add.f32.msk $0xffff, v1  }
0x10e: {  	s30 =	sadd.s32 $0x1, s30  }
0x10f: {  	p0 =	sne.s32 s30, $0x14  }
.Ltmp2:
0x110: {  	_ = 	snop;
	(pc) =	sbr.rel @p0 .LBB2_2-.Ltmp2, $4  }
0x111: {  	s0 =	sadd.s32 s10, s31  }
0x112: {  	s0 =	sshrl.u32 s0, $0x3  }
0x113: {  	[tilespmem:s2+$0xFCE0] =	vst.add.f32.msk $0xffff, v0;
	s0 =	sadd.s32 s6, s0  }
0x114: {  	[hbm4b:s0+s5] =	stream.linear.scatter [tilespmem:s19], [sflag:$0x4], $0x4000, $0x38;
	[tilespmem:$0x1BC00] =	vst v63  }
0x115: {  	s29 =	sadd.s32 $0x1, s29  }
0x116: {  	p0 =	sne.s32 s29, s11  }
.Ltmp3:
0x117: {  	_ = 	snop;
	(pc) =	sbr.rel @p0 .LBB2_1-.Ltmp3, $4  }
0x118: {  	_ = 	snop  }
0x119: {  	_ =	swait.ge [sflag:s28], $0x4000  }
0x11a: {  	[sflag:s28] =	ssyncset.done $0x0  }
0x11b: {  	[sflag:s28] =	ssyncadd.s32 $0xFFFFC000  }
0x11c: {  	_ =	sfence.sel $0x180000  }
0x11d: {  	[bflag:$0x0] =	sbarrier.arrive $0xFFFF  }
0x11e: {  	_ =	strace $0x90000047  }
0x11f: {  	s0 =	stileid.u32;
	[bflag:$0x2] =	sbarrier.arrive $0xFFFF  }
0x120: {  	p0 =	sne.s32 s0, $0x0;
	s0 =	rddreg [dreg:$0x4]  }
0x121: {  	s0 =	sadd.s32 @!p0 $0x100000, s0  }
0x122: {  	[sflag:s0] =	ssyncadd.tile.s32 @!p0 $0x1;
	_ =	shalt  }
.Lfunc_end2:
_tile_overlayer_lowered:
.L_overlay_start_2:
0x123: {  	(tag) =	ssettag $0x2  }
0x124: {  	s0 =	rddreg [dreg:$0x0];
	s2 =	stileid.u32  }
0x125: {  	s1 =	rddreg [dreg:$0x1];
	p0 =	sne.s32 s2, $0x0  }
0x126: {  	s3 =	rddreg [dreg:$0x2];
	[bflag:$0x3] =	sbarrier.arrive $0xFFFF;
	s2 =	simm.s32 @!p0 $0x1C05  }
0x127: {  	[timem:s3], [sflag:s2] =	dma.local @!p0 [hbm:s0], s1  }
0x128: {  	s0 =	simm.s32 @!p0 $0x5  }
0x129: {  	_ =	swait.ge @!p0 [sflag:s0], s1  }
0x12a: {  	s1 =	ssub.s32 @!p0 $0x0, s1;
	[sflag:s0] =	ssyncset.done @!p0 $0x0  }
0x12b: {  	[sflag:s0] =	ssyncadd.s32 @!p0 s1  }
0x12c: {  	[bflag:$0x3] =	sbarrier.arrive $0xFFFF  }
0x12d: {  	_ =	shalt  }

// kernel: kernel.9.cloned.1.call-start
scs
__scs_entry_jumppad:
0x0: {  	(pc) =	sbr.rel $0x88, $3  }
0x1: {  	(tag) =	ssettag $0x0;
	lr =	simm.s32 $0x1  }
0x2: {  	[smem:$0x3F96] =	sst lr;
	_ =	strace $0xD0000000  }
0x3: {  	_ = 	snop  }
0x4: {  	_ = 	snop  }
0x5: {  	_ = 	snop  }
0x6: {  	_ = 	snop  }
0x7: {  	_ = 	snop  }
__scs_overlays_trampoline_lowered:
0x8: {  	[smem:$0x3FA5] =	sst s0  }
0x9: {  	[smem:$0x3FA6] =	sst s1  }
0xa: {  	[smem:$0x3FA7] =	sst s2  }
0xb: {  	[smem:$0x3FA8] =	sst s3  }
0xc: {  	[smem:$0x3FA9] =	sst s4  }
0xd: {  	[smem:$0x3FAA] =	sst s5  }
0xe: {  	[smem:$0x3FAB] =	sst s6  }
0xf: {  	[smem:$0x3FAC] =	sst s7  }
0x10: {  	[smem:$0x3FAD] =	sst s8  }
0x11: {  	[smem:$0x3FAE] =	sst s9;
	s0 =	simm.s32 @!p0 $0x0  }
0x12: {  	s1 =	sld [smem:$0x3F94];
	s0 =	simm.s32 @p0 $0x1  }
0x13: {  	[smem:$0x3FAF] =	sst s0;
	s0 =	simm.s32 @!p1 $0x0  }
0x14: {  	s2 =	sld [smem:$0x3F93];
	s0 =	simm.s32 @p1 $0x1  }
0x15: {  	[smem:$0x3FB0] =	sst s0;
	s0 =	simm.s32 @!p2 $0x0  }
0x16: {  	s3 =	sld [smem:$0x3FDB];
	s0 =	simm.s32 @p2 $0x1  }
0x17: {  	s4 =	simm.s32 $0x1BF5;
	[smem:$0x3FB2] =	sst s0  }
0x18: {  	s0 =	sld [smem:$0x3F95];
	_ =	swait.ge [sflag:s4], $0x0  }
0x19: {  	s7 =	sld [smem:$0x3F96]  }
0x1a: {  	s8 =	sadd.s32 $0xFFFFE003, lr  }
0x1b: {  	s9 =	sadd.s32 $0xFFFFFEF7, lr;
	s5 =	simm.s32 $0xFFFFFFFF;
	p2 =	slt.u32 s8, $0xFFFFF086  }
0x1c: {  	p1 =	slt.u32 s9, $0xF7A;
	s5 =	simm.s32 @!p2 $0x0  }
0x1d: {  	s5 =	simm.s32 @p1 $0x1;
	p0 =	seq.s32 s7, s2  }
0x1e: {  	s7 =	smul.u32 @!p0 $0xF7A, s2;
	p2 =	seq.s32 @!p0 s5, $0x0  }
0x1f: {  	s9 =	smul.u32 $0xF7A, s1;
	s8 =	simm.s32 @!p0 $0x1BF5;
	p2 =	por !p2, p0  }
0x20: {  	[sflag:s8] =	ssyncset.s32 @!p0 $0xFFFFF086;
	s6 =	sadd.s32 @!p0 s3, s7;
	s7 =	simm.s32 @!p0 $0x108  }
0x21: {  	s3 =	sadd.s32 s3, s9;
	s6 =	sadd.s32 @!p0 $0x88, s6;
	s7 =	simm.s32 @p2 $0x1082  }
0x22: {  	[simem:s7], [sflag:s8] =	dma.local @!p0 [hbm:s6], $0xF7A  }
0x23: {  	s9 =	sor.u32 $0xD0000000, s2;
	s6 =	simm.s32 $0x108;
	_ =	swait.ge @!p0 [sflag:s8], $0x0  }
0x24: {  	s3 =	sadd.s32 $0x88, s3;
	s6 =	simm.s32 @!p1 $0x1082;
	[sflag:s4] =	ssyncset.s32 $0xFFFFF086  }
0x25: {  	[simem:s6], [sflag:s4] =	dma.local [hbm:s3], $0xF7A  }
0x26: {  	[smem:$0x3F96] =	sst s1;
	(tag) =	ssettag s2;
	_ =	strace s9  }
0x27: {  	s1 =	sld [smem:$0x3FA6]  }
0x28: {  	s2 =	sld [smem:$0x3FA7]  }
0x29: {  	s4 =	sld [smem:$0x3FA9]  }
0x2a: {  	p0 =	seq.s32 s5, $0x0;
	s5 =	sld [smem:$0x3FAA]  }
0x2b: {  	s6 =	sld [smem:$0x3FAB]  }
0x2c: {  	s7 =	sld [smem:$0x3FAC]  }
0x2d: {  	s3 =	simm.s32 $0x108;
	s8 =	sld [smem:$0x3FAD]  }
0x2e: {  	s3 =	simm.s32 @!p0 $0x1082;
	s9 =	sld [smem:$0x3FAE]  }
0x2f: {  	lr =	sadd.s32 s0, s3;
	s0 =	sld [smem:$0x3FA5]  }
0x30: {  	s3 =	sld [smem:$0x3FA8]  }
0x31: {  	[smem:$0x3FB1] =	sst s10  }
0x32: {  	s10 =	sld [smem:$0x3FAF];
	_ =	sdelay $0x3  }
0x33: {  	p0 =	seq.s32 s10, $0x1;
	s10 =	sld [smem:$0x3FB1];
	_ =	sdelay $0x3  }
0x34: {  	[smem:$0x3FB1] =	sst s10  }
0x35: {  	s10 =	sld [smem:$0x3FB0];
	_ =	sdelay $0x3  }
0x36: {  	p1 =	seq.s32 s10, $0x1;
	s10 =	sld [smem:$0x3FB1];
	_ =	sdelay $0x3  }
0x37: {  	[smem:$0x3FB1] =	sst s10  }
0x38: {  	s10 =	sld [smem:$0x3FB2]  }
0x39: {  	_ = 	snop;
	(pc) =	sbr.ind lr, $3  }
0x3a: {  	_ = 	snop  }
0x3b: {  	_ = 	snop  }
0x3c: {  	p2 =	seq.s32 s10, $0x1;
	s10 =	sld [smem:$0x3FB1]  }
0x3d: {  	_ =	shalt  }
0x3e: {  	_ =	shalt  }
0x3f: {  	_ =	shalt  }
0x40: {  	_ =	shalt  }
0x41: {  	_ =	shalt  }
0x42: {  	_ =	shalt  }
0x43: {  	_ =	shalt  }
0x44: {  	_ =	shalt  }
0x45: {  	_ =	shalt  }
0x46: {  	_ =	shalt  }
0x47: {  	_ =	shalt  }
0x48: {  	_ =	shalt  }
0x49: {  	_ =	shalt  }
0x4a: {  	_ =	shalt  }
0x4b: {  	_ =	shalt  }
0x4c: {  	_ =	shalt  }
0x4d: {  	_ =	shalt  }
0x4e: {  	_ =	shalt  }
0x4f: {  	_ =	shalt  }
0x50: {  	_ =	shalt  }
0x51: {  	_ =	shalt  }
0x52: {  	_ =	shalt  }
0x53: {  	_ =	shalt  }
0x54: {  	_ =	shalt  }
0x55: {  	_ =	shalt  }
0x56: {  	_ =	shalt  }
0x57: {  	_ =	shalt  }
0x58: {  	_ =	shalt  }
0x59: {  	_ =	shalt  }
0x5a: {  	_ =	shalt  }
0x5b: {  	_ =	shalt  }
0x5c: {  	_ =	shalt  }
0x5d: {  	_ =	shalt  }
0x5e: {  	_ =	shalt  }
0x5f: {  	_ =	shalt  }
0x60: {  	_ =	shalt  }
0x61: {  	_ =	shalt  }
0x62: {  	_ =	shalt  }
0x63: {  	_ =	shalt  }
0x64: {  	_ =	shalt  }
0x65: {  	_ =	shalt  }
0x66: {  	_ =	shalt  }
0x67: {  	_ =	shalt  }
0x68: {  	_ =	shalt  }
0x69: {  	_ =	shalt  }
0x6a: {  	_ =	shalt  }
0x6b: {  	_ =	shalt  }
0x6c: {  	_ =	shalt  }
0x6d: {  	_ =	shalt  }
0x6e: {  	_ =	shalt  }
0x6f: {  	_ =	shalt  }
0x70: {  	_ =	shalt  }
0x71: {  	_ =	shalt  }
0x72: {  	_ =	shalt  }
0x73: {  	_ =	shalt  }
0x74: {  	_ =	shalt  }
0x75: {  	_ =	shalt  }
0x76: {  	_ =	shalt  }
0x77: {  	_ =	shalt  }
0x78: {  	_ =	shalt  }
0x79: {  	_ =	shalt  }
0x7a: {  	_ =	shalt  }
0x7b: {  	_ =	shalt  }
0x7c: {  	_ =	shalt  }
0x7d: {  	_ =	shalt  }
0x7e: {  	_ =	shalt  }
0x7f: {  	_ =	shalt  }
0x80: {  	_ =	shalt  }
0x81: {  	_ =	shalt  }
0x82: {  	_ =	shalt  }
0x83: {  	_ =	shalt  }
0x84: {  	_ =	shalt  }
0x85: {  	_ =	shalt  }
0x86: {  	_ =	shalt  }
0x87: {  	_ =	shalt  }
.Lfunc_end0:
.L_simem_size_0:
called_computation.1_lowered:
.L_overlay_start_0:
0x88: {  	s2 =	sld [smem:$0x3FD9]  }
0x89: {  	s3 =	sld [smem:$0x3FFE];
	_ =	sdelay $0x1  }
0x8a: {  	s1 =	srdreg.scid  }
0x8b: {  	s0 =	sand.u32 $0x1, s1  }
0x8c: {  	s17 =	sshll.u32 s0, $0xA;
	s2 =	sadd.s32 s3, s2  }
0x8d: {  	s2 =	sadd.s32 s2, s17  }
0x8e: {  	[smem:$0x3FBD] =	sst s2  }
0x8f: {  	_ = 	snop  }
0x90: {  	s18 =	sld [smem:$0x3FC3]  }
0x91: {  	s4 =	sld [smem:$0x3FC2]  }
0x92: {  	s5 =	sld [smem:$0x3FC1];
	(tm) =	ssettm $0x1  }
0x93: {  	s19 =	sld [smem:$0x3FFB];
	_ =	sdelay $0x3  }
0x94: {  	_ =	strace s19  }
0x95: {  	s2 =	sld [smem:$0x3FFC];
	_ =	sdelay $0x3  }
0x96: {  	_ =	strace s2  }
0x97: {  	s2 =	sld [smem:$0x3FFD];
	_ =	sdelay $0x3  }
0x98: {  	_ =	strace s2  }
0x99: {  	_ =	strace $0x8FFFFFFF  }
0x9a: {  	s20 =	sld [smem:$0x3FDB];
	_ =	sdelay $0x1  }
0x9b: {  	s6 =	simm.s32 $_scs_section_size  }
0x9c: {  	s7 =	simm.s32 $_size__tile_overlayer_lowered;
	s8 =	simm.s32 $_tile_overlayer_lowered  }
0x9d: {  	s9 =	simm.s32 $0x1BFF;
	s21 =	sshll.u32 s8, $0x1;
	s6 =	sadd.s32 s6, s20  }
0x9e: {  	s22 =	simm.s32 $0x0;
	s7 =	sshll.u32 s7, $0x1;
	s8 =	sadd.s32 s21, s6  }
0x9f: {  	[timem:s22], [sflag:s9] =	dma.local [hbm:s8], s7  }
0xa0: {  	_ =	swait.ge [sflag:s9], s7  }
0xa1: {  	s7 =	ssub.s32 $0x0, s7;
	[sflag:s9] =	ssyncset.done $0x0  }
0xa2: {  	[sflag:s9] =	ssyncadd.s32 s7;
	_ =	sdelay $0x1  }
0xa3: {  	s23 =	simm.s32 $0x1B8B  }
0xa4: {  	_ =	swait.ge [sflag:s23], $0x1  }
0xa5: {  	[sflag:s23] =	ssyncset.done $0x0  }
0xa6: {  	[sflag:s23] =	ssyncadd.s32 $0xFFFFFFFF  }
0xa7: {  	s7 =	sld [smem:$0x0]  }
0xa8: {  	s8 =	sand.u32 $0xFFFFFFFE, s1  }
0xa9: {  	p0 =	sne.s32 s1, s8  }
0xaa: {  	s8 =	sshll.u32 @p0 s8, $0xE  }
0xab: {  	s8 =	sadd.s32 @p0 $0x11B8D, s8;
	s9 =	sshll.u32 @p0 s7, $0x11  }
0xac: {  	s8 =	sor.u32 @p0 s9, s8  }
0xad: {  	[sflag:s8] =	ssyncadd.remote.s32 @p0 $0x1;
	_ =	sdelay $0x1  }
0xae: {  	s8 =	simm.s32 @p0 $0x1B8D  }
0xaf: {  	_ =	swait.eq @p0 [sflag:s8], $0x1  }
0xb0: {  	[sflag:s8] =	ssyncadd.s32 @p0 $0xFFFFFFFF  }
0xb1: {  	s9 =	sshll.u32 @!p0 s1, $0xE  }
0xb2: {  	s9 =	sor.u32 @!p0 $0x4000, s9;
	s8 =	simm.s32 @!p0 $0x1B8D  }
0xb3: {  	s7 =	sshll.u32 @!p0 s7, $0x11;
	s9 =	sadd.s32 @!p0 $0x11B8D, s9;
	_ =	swait.eq @!p0 [sflag:s8], $0x1  }
0xb4: {  	s7 =	sor.u32 @!p0 s7, s9;
	[sflag:s8] =	ssyncadd.s32 @!p0 $0xFFFFFFFF  }
0xb5: {  	s25 =	simm.s32 $0x1B8E;
	s24 =	sld [smem:$0x3FFE];
	[sflag:s7] =	ssyncadd.remote.s32 @!p0 $0x1  }
0xb6: {  	s26 =	simm.s32 $execute0_lowered;
	[smem:$0x3FD2] =	sst s25  }
0xb7: {  	s8 =	sshll.u32 s26, $0x1;
	_ =	strace $0x80000049;
	[dreg:$0x1] =	wrdreg $0xFFFFFFFF  }
0xb8: {  	s28 =	simm.s32 $_size_execute0_lowered;
	s6 =	sadd.s32 s6, s8;
	[dreg:$0x0] =	wrdreg $0x0  }
0xb9: {  	s8 =	sshll.u32 s28, $0x1;
	[dreg:$0x2] =	wrdreg s6  }
0xba: {  	[dreg:$0x3] =	wrdreg s8  }
0xbb: {  	[dreg:$0x4] =	wrdreg $0xC0  }
0xbc: {  	_ =	task [dreg:s22], $0x5FFFF  }
0xbd: {  	[dreg:$0x1] =	wrdreg $0xFFFFFFFF  }
0xbe: {  	[dreg:$0x0] =	wrdreg $0x60  }
0xbf: {  	[dreg:$0x2] =	wrdreg s24  }
0xc0: {  	[dreg:$0x3] =	wrdreg s18  }
0xc1: {  	[dreg:$0x4] =	wrdreg s4  }
0xc2: {  	[dreg:$0x5] =	wrdreg s5  }
0xc3: {  	[dreg:$0x6] =	wrdreg $0xA  }
0xc4: {  	_ =	task.clear_ibuf [dreg:s22], $0x7FFFF;
	_ =	strace $0x90000049  }
0xc5: {  	s29 =	simm.s32 $0xA;
	_ =	strace $0x8000004B  }
0xc6: {  	_ =	swait.ge [sflag:s29], $0x1  }
0xc7: {  	[sflag:s29] =	ssyncadd.s32 $0xFFFFFFFF  }
0xc8: {  	_ =	strace $0x9000004B  }
0xc9: {  	_ =	sfence  }
0xca: {  	s30 =	sld [smem:$0x0];
	_ =	sdelay $0x2  }
0xcb: {  	s31 =	sshll.u32 s1, $0xD;
	s1 =	sshrl.u32 s1, $0x2  }
0xcc: {  	s4 =	sand.u32 $0x4000, s31;
	s1 =	sadd.s32 s1, s30  }
0xcd: {  	s0 =	sor.u32 s4, s0;
	s1 =	sshll.u32 s1, $0x11  }
0xce: {  	s0 =	sor.u32 s1, s0  }
0xcf: {  	s0 =	sadd.s32 $0x8F2B, s0  }
0xd0: {  	[sflag:s0] =	ssyncadd.remote.s32 $0x1  }
0xd1: {  	_ =	sfence.sel $0xFFFF  }
0xd2: {  	[dreg:$0x0] =	wrdreg $0xFFFFFFFF;
	(pc) =	sbr.abs _section_cstart, $3  }
0xd3: {  	[dreg:$0x1] =	wrdreg $0xFFFFFFFF  }
0xd4: {  	_ =	task.clear_ibuf [dreg:s22], $0x2FFFF;
	_ =	strace $0x9FFFFFFF  }
0xd5: {  	(tm) =	ssettm $0x7FFFFFFF  }
tec
execute0_lowered:
.L_overlay_start_1:
0x0: {  	(tag) =	ssettag $0x1  }
0x1: {  	s0 =	rddreg [dreg:$0x0]  }
0x2: {  	s1 =	rddreg [dreg:$0x1]  }
0x3: {  	s3 =	rddreg [dreg:$0x2];
	s2 =	srdreg.scid  }
0x4: {  	s5 =	stileid.u32;
	s4 =	rddreg [dreg:$0x3];
	s10 =	simm.s32 $0x5  }
0x5: {  	s12 =	simm.s32 $0x1400;
	s14 =	simm.s32 $0x2800;
	s15 =	simm.s32 $0x80  }
0x6: {  	s16 =	simm.s32 $0x3C00;
	s19 =	simm.s32 $0xFC00;
	s20 =	simm.s32 $0x1480  }
0x7: {  	s21 =	simm.s32 $0x13C00;
	s22 =	simm.s32 $0x2880;
	s23 =	simm.s32 $0x17C00  }
0x8: {  	s24 =	simm.s32 $0x1;
	s25 =	simm.s32 $0x2;
	s26 =	simm.s32 $0x3  }
0x9: {  	s28 =	simm.s32 $0x4;
	s29 =	simm.s32 $0x0;
	s2 =	sand.u32 $0x1, s2  }
0xa: {  	s6 =	sshll.u32 s5, $0x1;
	s5 =	simm.s32 $0x0;
	s11 =	sadd.s32 $0x10000, s0  }
0xb: {  	s8 =	sor.u32 s2, s6;
	[smem:$0x7FF] =	sst s5;
	s2 =	ssub.s32 $0x2, s2  }
0xc: {  	s6 =	sadd.s32 $0x29F000, s0;
	s13 =	smul.u32 $0x280, s8;
	s7 =	sshrl.u32 s2, $0x1  }
0xd: {  	_ =	strace $0x8000004A;
	s8 =	smul.u32 $0xA0000, s8;
	s2 =	ssub.s32 s2, s7  }
0xe: {  	s9 =	sadd.s32 s13, s0;
	s0 =	sadd.s32 $0x1A000, s0;
	s11 =	sadd.s32 s13, s11  }
0xf: {  	s7 =	sadd.s32 $0x6000, s9;
	s9 =	smax.u32 s2, $0x1;
	s13 =	sadd.s32 s13, s0  }
.LBB2_1:
0x10: {  	[tilespmem:s5], [sflag:$0x5] =	stream.linear.gather [hbm4b:s7+s5], $0x1400, $0x38;
	[tilespmem:$0x1BC00] =	vst v63  }
0x11: {  	_ =	swait.ge [sflag:s10], $0x1400  }
0x12: {  	[sflag:s10] =	ssyncset.done $0x0  }
0x13: {  	[sflag:s10] =	ssyncadd.s32 $0xFFFFEC00  }
0x14: {  	[tilespmem:s12], [sflag:$0x5] =	stream.linear.gather [hbm4b:s11+s5], $0x1400, $0x38;
	[tilespmem:$0x1BC00] =	vst v63  }
0x15: {  	_ =	swait.ge [sflag:s10], $0x1400  }
0x16: {  	[sflag:s10] =	ssyncset.done $0x0  }
0x17: {  	[sflag:s10] =	ssyncadd.s32 $0xFFFFEC00  }
0x18: {  	[tilespmem:s14], [sflag:$0x5] =	stream.linear.gather [hbm4b:s13+s5], $0x1400, $0x38;
	[tilespmem:$0x1BC00] =	vst v63  }
0x19: {  	_ =	swait.ge [sflag:s10], $0x1400  }
0x1a: {  	[sflag:s10] =	ssyncset.done $0x0  }
0x1b: {  	[sflag:s10] =	ssyncadd.s32 $0xFFFFEC00  }
0x1c: {  	[tilespmem:s16], [sflag:$0x1] =	stream.indirect.gather [hbm4b:s1+s15], $0x80, s5, s15, $0xb8;
	[tilespmem:$0x1BC00] =	vst v63  }
0x1d: {  	s0 =	simm.s32 $0x7C00  }
0x1e: {  	[tilespmem:s0], [sflag:$0x1] =	stream.indirect.gather [hbm4b:s3+s15], $0x80, s12, s15, $0xb8;
	[tilespmem:$0x1BC00] =	vst v63  }
0x1f: {  	s31 =	simm.s32 $0xBC00  }
0x20: {  	[tilespmem:s31], [sflag:$0x1] =	stream.indirect.gather [hbm4b:s4+s15], $0x80, s14, s15, $0xb8;
	[tilespmem:$0x1BC00] =	vst v63  }
0x21: {  	_ = 	snop  }
0x22: {  	[tilespmem:s19], [sflag:$0x2] =	stream.indirect.gather [hbm4b:s1+s15], $0x80, s15, s15, $0xb8;
	[tilespmem:$0x1BC00] =	vst v63  }
0x23: {  	_ = 	snop  }
0x24: {  	[tilespmem:s21], [sflag:$0x2] =	stream.indirect.gather [hbm4b:s3+s15], $0x80, s20, s15, $0xb8;
	[tilespmem:$0x1BC00] =	vst v63  }
0x25: {  	s30 =	simm.s32 $0x0  }
0x26: {  	[tilespmem:s23], [sflag:$0x2] =	stream.indirect.gather [hbm4b:s4+s15], $0x80, s22, s15, $0xb8;
	[tilespmem:$0x1BC00] =	vst v63  }
.LBB2_2:
0x27: {  	_ =	swait.ge [sflag:s24], $0x4000  }
0x28: {  	[sflag:s24] =	ssyncset.done $0x0  }
0x29: {  	[sflag:s24] =	ssyncadd.s32 $0xFFFFC000  }
0x2a: {  	_ =	swait.ge [sflag:s24], $0x4000  }
0x2b: {  	[sflag:s24] =	ssyncset.done $0x0  }
0x2c: {  	[sflag:s24] =	ssyncadd.s32 $0xFFFFC000  }
0x2d: {  	_ =	swait.ge [sflag:s24], $0x4000  }
0x2e: {  	p0 =	seq.s32 s30, $0x0;
	[sflag:s24] =	ssyncset.done $0x0  }
0x2f: {  	s0 =	simm.s32 @!p0 $0x4;
	[sflag:s24] =	ssyncadd.s32 $0xFFFFC000  }
0x30: {  	_ =	swait.ge @!p0 [sflag:s0], $0x4000  }
0x31: {  	[sflag:s0] =	ssyncset.done @!p0 $0x0  }
0x32: {  	[sflag:s0] =	ssyncadd.s32 @!p0 $0xFFFFC000;
	s0 =	sshllo.u32 @!p0 s30, $0x1  }
0x33: {  	s17 =	simm.s32 @!p0 $0x80;
	s31 =	simm.s32 @!p0 $0xFC00;
	s2 =	sshll.u32 @!p0 s0, $0x7  }
0x34: {  	[tilespmem:s31], [sflag:$0x2] =	stream.indirect.gather @!p0 [hbm4b:s1+s17], $0x80, s2, s17, $0xb8;
	[tilespmem:$0x1BC00] =	vst v63  }
0x35: {  	s18 =	simm.s32 @!p0 $0x13C00;
	s31 =	sadd.s32 @!p0 $0x1400, s2  }
0x36: {  	[tilespmem:s18], [sflag:$0x2] =	stream.indirect.gather @!p0 [hbm4b:s3+s17], $0x80, s31, s17, $0xb8;
	[tilespmem:$0x1BC00] =	vst v63  }
0x37: {  	s2 =	sadd.s32 @!p0 $0x2800, s2;
	s18 =	simm.s32 @!p0 $0x17C00  }
0x38: {  	[tilespmem:s18], [sflag:$0x2] =	stream.indirect.gather @!p0 [hbm4b:s4+s17], $0x80, s2, s17, $0xb8;
	[tilespmem:$0x1BC00] =	vst v63  }
0x39: {  	s2 =	simm.s32 $0x0  }
0x3a: {  	v0 =	vld [tilespmem:s2+$0x7CF0]  }
0x3b: {  	v1 =	vld [tilespmem:s2+$0xBCF0]  }
0x3c: {  	v2 =	vld [tilespmem:s2+$0x7C00]  }
0x3d: {  	v3 =	vld [tilespmem:s2+$0xBC00]  }
0x3e: {  	v4 =	vld [tilespmem:s2+$0x7C10]  }
0x3f: {  	v5 =	vld [tilespmem:s2+$0xBC10]  }
0x40: {  	v6 =	vld [tilespmem:s2+$0x7C20]  }
0x41: {  	v7 =	vld [tilespmem:s2+$0xBC30]  }
0x42: {  	v8 =	vld [tilespmem:s2+$0x7C40]  }
0x43: {  	v9 =	vld [tilespmem:s2+$0xBC40]  }
0x44: {  	v10 =	vld [tilespmem:s2+$0x7C50]  }
0x45: {  	v11 =	vld [tilespmem:s2+$0xBC50]  }
0x46: {  	v12 =	vld [tilespmem:s2+$0x7C60]  }
0x47: {  	v13 =	vld [tilespmem:s2+$0xBC60]  }
0x48: {  	v14 =	vld [tilespmem:s2+$0x7C70]  }
0x49: {  	v15 =	vld [tilespmem:s2+$0xBC70]  }
0x4a: {  	v16 =	vld [tilespmem:s2+$0x7C80]  }
0x4b: {  	v17 =	vld [tilespmem:s2+$0xBC80]  }
0x4c: {  	v18 =	vld [tilespmem:s2+$0x7C90]  }
0x4d: {  	v19 =	vld [tilespmem:s2+$0xBC90]  }
0x4e: {  	v20 =	vld [tilespmem:s2+$0x7CA0]  }
0x4f: {  	v21 =	vld [tilespmem:s2+$0xBCA0]  }
0x50: {  	v22 =	vld [tilespmem:s2+$0x7CB0]  }
0x51: {  	v23 =	vld [tilespmem:s2+$0xBCB0]  }
0x52: {  	v24 =	vld [tilespmem:s2+$0x7CC0]  }
0x53: {  	v25 =	vld [tilespmem:s2+$0xBCC0]  }
0x54: {  	v26 =	vld [tilespmem:s2+$0x7CD0]  }
0x55: {  	v27 =	vld [tilespmem:s2+$0xBCD0]  }
0x56: {  	v63 =	vld [tilespmem:s2+$0xBCE0];
	v0 =	vadd.f32 v1, v0  }
0x57: {  	v1 =	vld [tilespmem:s2+$0xBC20]  }
0x58: {  	v2 =	vadd.f32 v3, v2;
	[tilespmem:s2+$0x3CF0] =	vst.add.f32.msk $0xffff, v0  }
0x59: {  	v0 =	vld [tilespmem:s2+$0x7C30]  }
0x5a: {  	[tilespmem:s2+$0x3C00] =	vst.add.f32.msk $0xffff, v2;
	v2 =	vadd.f32 v9, v8  }
0x5b: {  	v3 =	vld [tilespmem:s2+$0x7CE0];
	v4 =	vadd.f32 v5, v4  }
0x5c: {  	[tilespmem:s2+$0x3C40] =	vst.add.f32.msk $0xffff, v2;
	v2 =	vadd.f32 v15, v14  }
0x5d: {  	[tilespmem:s2+$0x3C10] =	vst.add.f32.msk $0xffff, v4;
	v1 =	vadd.f32 v1, v6  }
0x5e: {  	[tilespmem:s2+$0x3C70] =	vst.add.f32.msk $0xffff, v2;
	v2 =	vadd.f32 v21, v20  }
0x5f: {  	v0 =	vadd.f32 v7, v0;
	[tilespmem:s2+$0x3C20] =	vst.add.f32.msk $0xffff, v1  }
0x60: {  	v1 =	vadd.f32 v11, v10;
	[tilespmem:s2+$0x3CA0] =	vst.add.f32.msk $0xffff, v2  }
0x61: {  	[tilespmem:s2+$0x3C30] =	vst.add.f32.msk $0xffff, v0;
	v0 =	vadd.f32 v13, v12  }
0x62: {  	v2 =	vadd.f32 v27, v26;
	[tilespmem:s2+$0x3C50] =	vst.add.f32.msk $0xffff, v1  }
0x63: {  	[tilespmem:s2+$0x3C60] =	vst.add.f32.msk $0xffff, v0;
	v0 =	vadd.f32 v19, v18  }
0x64: {  	v1 =	vadd.f32 v17, v16;
	[tilespmem:s2+$0x3CD0] =	vst.add.f32.msk $0xffff, v2  }
0x65: {  	[tilespmem:s2+$0x3C90] =	vst.add.f32.msk $0xffff, v0;
	v0 =	vadd.f32 v25, v24  }
0x66: {  	[tilespmem:s2+$0x3C80] =	vst.add.f32.msk $0xffff, v1;
	v1 =	vadd.f32 v23, v22  }
0x67: {  	s31 =	sshll.u32 @!p0 s0, $0xE;
	[tilespmem:s2+$0x3CC0] =	vst.add.f32.msk $0xffff, v0;
	v0 =	vadd.f32 v63, v3  }
0x68: {  	s0 =	simm.s32 $0x0;
	s31 =	simm.s32 @p0 $0x4000;
	s17 =	simm.s32 $0x400;
	[tilespmem:s2+$0x3CB0] =	vst.add.f32.msk $0xffff, v1  }
.LBB2_3:
0x69: {  	[tilespmem:s2+$0x3CE0] =	vst.add.f32.msk $0xffff, v0;
	s2 =	sshra.s32 s17, $0x2  }
0x6a: {  	s0 =	sadd.s32 $0x2, s0;
	v0 =	vld [tilespmem:s2+$0x7CF0]  }
0x6b: {  	p0 =	slt.u32 s0, $0x7E;
	v1 =	vld [tilespmem:s2+$0xBCF0]  }
0x6c: {  	v2 =	vld [tilespmem:s2+$0x7C00]  }
0x6d: {  	v3 =	vld [tilespmem:s2+$0xBC00]  }
0x6e: {  	v4 =	vld [tilespmem:s2+$0x7C10]  }
0x6f: {  	v5 =	vld [tilespmem:s2+$0xBC10]  }
0x70: {  	v6 =	vld [tilespmem:s2+$0x7C20];
	v0 =	vadd.f32 v1, v0  }
0x71: {  	v1 =	vld [tilespmem:s2+$0xBC20]  }
0x72: {  	v2 =	vadd.f32 v3, v2;
	[tilespmem:s2+$0x3CF0] =	vst.add.f32.msk $0xffff, v0  }
0x73: {  	v0 =	vld [tilespmem:s2+$0x7C30]  }
0x74: {  	v3 =	vadd.f32 v5, v4;
	v4 =	vld [tilespmem:s2+$0xBC30]  }
0x75: {  	v5 =	vld [tilespmem:s2+$0x7C40]  }
0x76: {  	v1 =	vadd.f32 v1, v6;
	v6 =	vld [tilespmem:s2+$0xBC40]  }
0x77: {  	v7 =	vld [tilespmem:s2+$0x7C50]  }
0x78: {  	v8 =	vld [tilespmem:s2+$0xBC50]  }
0x79: {  	v0 =	vadd.f32 v4, v0;
	v4 =	vld [tilespmem:s2+$0x7C60]  }
0x7a: {  	v9 =	vld [tilespmem:s2+$0xBC60]  }
0x7b: {  	v5 =	vadd.f32 v6, v5;
	v6 =	vld [tilespmem:s2+$0x7C70]  }
0x7c: {  	v10 =	vld [tilespmem:s2+$0xBC70]  }
0x7d: {  	v7 =	vadd.f32 v8, v7;
	v8 =	vld [tilespmem:s2+$0x7C80]  }
0x7e: {  	v11 =	vld [tilespmem:s2+$0xBC80]  }
0x7f: {  	v4 =	vadd.f32 v9, v4;
	v9 =	vld [tilespmem:s2+$0x7C90]  }
0x80: {  	v12 =	vld [tilespmem:s2+$0xBC90]  }
0x81: {  	v6 =	vadd.f32 v10, v6;
	v10 =	vld [tilespmem:s2+$0x7CA0]  }
0x82: {  	v13 =	vld [tilespmem:s2+$0xBCA0]  }
0x83: {  	v8 =	vadd.f32 v11, v8;
	v11 =	vld [tilespmem:s2+$0x7CB0]  }
0x84: {  	v14 =	vld [tilespmem:s2+$0xBCB0]  }
0x85: {  	v9 =	vadd.f32 v12, v9;
	v12 =	vld [tilespmem:s2+$0x7CC0]  }
0x86: {  	v15 =	vld [tilespmem:s2+$0xBCC0]  }
0x87: {  	v10 =	vadd.f32 v13, v10;
	v13 =	vld [tilespmem:s2+$0x7CD0]  }
0x88: {  	v16 =	vld [tilespmem:s2+$0xBCD0]  }
0x89: {  	v11 =	vadd.f32 v14, v11;
	v14 =	vld [tilespmem:s2+$0x7CE0]  }
0x8a: {  	v17 =	vld [tilespmem:s2+$0xBCE0]  }
0x8b: {  	[tilespmem:s2+$0x3C00] =	vst.add.f32.msk $0xffff, v2;
	v2 =	vadd.f32 v15, v12  }
0x8c: {  	[tilespmem:s2+$0x3C10] =	vst.add.f32.msk $0xffff, v3  }
0x8d: {  	[tilespmem:s2+$0x3C20] =	vst.add.f32.msk $0xffff, v1;
	v1 =	vadd.f32 v16, v13  }
0x8e: {  	[tilespmem:s2+$0x3C30] =	vst.add.f32.msk $0xffff, v0  }
0x8f: {  	[tilespmem:s2+$0x3C40] =	vst.add.f32.msk $0xffff, v5;
	v0 =	vadd.f32 v17, v14  }
0x90: {  	[tilespmem:s2+$0x3C50] =	vst.add.f32.msk $0xffff, v7  }
0x91: {  	[tilespmem:s2+$0x3C60] =	vst.add.f32.msk $0xffff, v4  }
0x92: {  	[tilespmem:s2+$0x3C70] =	vst.add.f32.msk $0xffff, v6  }
0x93: {  	[tilespmem:s2+$0x3C80] =	vst.add.f32.msk $0xffff, v8  }
.Ltmp0:
0x94: {  	[tilespmem:s2+$0x3C90] =	vst.add.f32.msk $0xffff, v9;
	(pc) =	sbr.rel @p0 .LBB2_3-.Ltmp0, $4  }
0x95: {  	[tilespmem:s2+$0x3CA0] =	vst.add.f32.msk $0xffff, v10  }
0x96: {  	[tilespmem:s2+$0x3CB0] =	vst.add.f32.msk $0xffff, v11  }
0x97: {  	[tilespmem:s2+$0x3CC0] =	vst.add.f32.msk $0xffff, v2  }
0x98: {  	s17 =	sadd.s32 $0x400, s17;
	[tilespmem:s2+$0x3CD0] =	vst.add.f32.msk $0xffff, v1  }
0x99: {  	s0 =	sshll.u32 s30, $0xF  }
0x9a: {  	s0 =	sadd.s32 s8, s0  }
0x9b: {  	s0 =	sshrl.u32 s0, $0x3  }
0x9c: {  	[tilespmem:s2+$0x3CE0] =	vst.add.f32.msk $0xffff, v0;
	s0 =	sadd.s32 s6, s0  }
0x9d: {  	[hbm4b:s0+s5] =	stream.linear.scatter [tilespmem:s16], [sflag:$0x3], $0x4000, $0x38;
	[tilespmem:$0x1BC00] =	vst v63  }
0x9e: {  	_ =	swait.ge [sflag:s25], $0x4000  }
0x9f: {  	[sflag:s25] =	ssyncset.done $0x0  }
0xa0: {  	[sflag:s25] =	ssyncadd.s32 $0xFFFFC000  }
0xa1: {  	_ =	swait.ge [sflag:s25], $0x4000  }
0xa2: {  	[sflag:s25] =	ssyncset.done $0x0  }
0xa3: {  	[sflag:s25] =	ssyncadd.s32 $0xFFFFC000  }
0xa4: {  	_ =	swait.ge [sflag:s25], $0x4000  }
0xa5: {  	[sflag:s25] =	ssyncset.done $0x0  }
0xa6: {  	[sflag:s25] =	ssyncadd.s32 $0xFFFFC000  }
0xa7: {  	p0 =	seq.s32 s30, $0x13;
	_ =	swait.ge [sflag:s26], $0x4000  }
0xa8: {  	s17 =	simm.s32 @!p0 $0x80;
	s0 =	sshll.u32 @!p0 s30, $0x8;
	[sflag:s26] =	ssyncset.done $0x0  }
0xa9: {  	s18 =	simm.s32 @!p0 $0x3C00;
	s2 =	sadd.s32 @!p0 $0x100, s0;
	[sflag:s26] =	ssyncadd.s32 $0xFFFFC000  }
0xaa: {  	[tilespmem:s18], [sflag:$0x1] =	stream.indirect.gather @!p0 [hbm4b:s1+s17], $0x80, s2, s17, $0xb8;
	[tilespmem:$0x1BC00] =	vst v63  }
0xab: {  	s2 =	sadd.s32 @!p0 $0x1500, s0;
	s18 =	simm.s32 @!p0 $0x7C00  }
0xac: {  	[tilespmem:s18], [sflag:$0x1] =	stream.indirect.gather @!p0 [hbm4b:s3+s17], $0x80, s2, s17, $0xb8;
	[tilespmem:$0x1BC00] =	vst v63  }
0xad: {  	s0 =	sadd.s32 @!p0 $0x2900, s0;
	s2 =	simm.s32 @!p0 $0xBC00  }
0xae: {  	[tilespmem:s2], [sflag:$0x1] =	stream.indirect.gather @!p0 [hbm4b:s4+s17], $0x80, s0, s17, $0xb8;
	[tilespmem:$0x1BC00] =	vst v63  }
0xaf: {  	s2 =	simm.s32 $0x0  }
0xb0: {  	v0 =	vld [tilespmem:s2+$0x13CF0]  }
0xb1: {  	v1 =	vld [tilespmem:s2+$0x17CF0]  }
0xb2: {  	v2 =	vld [tilespmem:s2+$0x13C00]  }
0xb3: {  	v3 =	vld [tilespmem:s2+$0x17C00]  }
0xb4: {  	v4 =	vld [tilespmem:s2+$0x13C10]  }
0xb5: {  	v5 =	vld [tilespmem:s2+$0x17C10]  }
0xb6: {  	v6 =	vld [tilespmem:s2+$0x13C20]  }
0xb7: {  	v7 =	vld [tilespmem:s2+$0x17C30]  }
0xb8: {  	v8 =	vld [tilespmem:s2+$0x13C40]  }
0xb9: {  	v9 =	vld [tilespmem:s2+$0x17C40]  }
0xba: {  	v10 =	vld [tilespmem:s2+$0x13C50]  }
0xbb: {  	v11 =	vld [tilespmem:s2+$0x17C50]  }
0xbc: {  	v12 =	vld [tilespmem:s2+$0x13C60]  }
0xbd: {  	v13 =	vld [tilespmem:s2+$0x17C60]  }
0xbe: {  	v14 =	vld [tilespmem:s2+$0x13C70]  }
0xbf: {  	v15 =	vld [tilespmem:s2+$0x17C70]  }
0xc0: {  	v16 =	vld [tilespmem:s2+$0x13C80]  }
0xc1: {  	v17 =	vld [tilespmem:s2+$0x17C80]  }
0xc2: {  	v18 =	vld [tilespmem:s2+$0x13C90]  }
0xc3: {  	v19 =	vld [tilespmem:s2+$0x17C90]  }
0xc4: {  	v20 =	vld [tilespmem:s2+$0x13CA0]  }
0xc5: {  	v21 =	vld [tilespmem:s2+$0x17CA0]  }
0xc6: {  	v22 =	vld [tilespmem:s2+$0x13CB0]  }
0xc7: {  	v23 =	vld [tilespmem:s2+$0x17CB0]  }
0xc8: {  	v24 =	vld [tilespmem:s2+$0x13CC0]  }
0xc9: {  	v25 =	vld [tilespmem:s2+$0x17CC0]  }
0xca: {  	v26 =	vld [tilespmem:s2+$0x13CD0]  }
0xcb: {  	v27 =	vld [tilespmem:s2+$0x17CD0]  }
0xcc: {  	v63 =	vld [tilespmem:s2+$0x17CE0];
	v0 =	vadd.f32 v1, v0  }
0xcd: {  	v1 =	vld [tilespmem:s2+$0x17C20]  }
0xce: {  	v2 =	vadd.f32 v3, v2;
	[tilespmem:s2+$0xFCF0] =	vst.add.f32.msk $0xffff, v0  }
0xcf: {  	v0 =	vld [tilespmem:s2+$0x13C30]  }
0xd0: {  	[tilespmem:s2+$0xFC00] =	vst.add.f32.msk $0xffff, v2;
	v2 =	vadd.f32 v9, v8  }
0xd1: {  	v3 =	vld [tilespmem:s2+$0x13CE0];
	v4 =	vadd.f32 v5, v4  }
0xd2: {  	[tilespmem:s2+$0xFC40] =	vst.add.f32.msk $0xffff, v2;
	v2 =	vadd.f32 v15, v14  }
0xd3: {  	[tilespmem:s2+$0xFC10] =	vst.add.f32.msk $0xffff, v4;
	v1 =	vadd.f32 v1, v6  }
0xd4: {  	[tilespmem:s2+$0xFC70] =	vst.add.f32.msk $0xffff, v2;
	v2 =	vadd.f32 v21, v20  }
0xd5: {  	v0 =	vadd.f32 v7, v0;
	[tilespmem:s2+$0xFC20] =	vst.add.f32.msk $0xffff, v1  }
0xd6: {  	v1 =	vadd.f32 v11, v10;
	[tilespmem:s2+$0xFCA0] =	vst.add.f32.msk $0xffff, v2  }
0xd7: {  	[tilespmem:s2+$0xFC30] =	vst.add.f32.msk $0xffff, v0;
	v0 =	vadd.f32 v13, v12  }
0xd8: {  	v2 =	vadd.f32 v27, v26;
	[tilespmem:s2+$0xFC50] =	vst.add.f32.msk $0xffff, v1  }
0xd9: {  	[tilespmem:s2+$0xFC60] =	vst.add.f32.msk $0xffff, v0;
	v0 =	vadd.f32 v19, v18  }
0xda: {  	v1 =	vadd.f32 v17, v16;
	[tilespmem:s2+$0xFCD0] =	vst.add.f32.msk $0xffff, v2  }
0xdb: {  	[tilespmem:s2+$0xFC90] =	vst.add.f32.msk $0xffff, v0;
	v0 =	vadd.f32 v25, v24  }
0xdc: {  	[tilespmem:s2+$0xFC80] =	vst.add.f32.msk $0xffff, v1;
	v1 =	vadd.f32 v23, v22  }
0xdd: {  	[tilespmem:s2+$0xFCC0] =	vst.add.f32.msk $0xffff, v0;
	v0 =	vadd.f32 v63, v3  }
0xde: {  	s0 =	simm.s32 $0x0;
	s17 =	simm.s32 $0x400;
	[tilespmem:s2+$0xFCB0] =	vst.add.f32.msk $0xffff, v1  }
.LBB2_5:
0xdf: {  	[tilespmem:s2+$0xFCE0] =	vst.add.f32.msk $0xffff, v0;
	s2 =	sshra.s32 s17, $0x2  }
0xe0: {  	s0 =	sadd.s32 $0x2, s0;
	v0 =	vld [tilespmem:s2+$0x13CF0]  }
0xe1: {  	p0 =	slt.u32 s0, $0x7E;
	v1 =	vld [tilespmem:s2+$0x17CF0]  }
0xe2: {  	v2 =	vld [tilespmem:s2+$0x13C00]  }
0xe3: {  	v3 =	vld [tilespmem:s2+$0x17C00]  }
0xe4: {  	v4 =	vld [tilespmem:s2+$0x13C10]  }
0xe5: {  	v5 =	vld [tilespmem:s2+$0x17C10]  }
0xe6: {  	v6 =	vld [tilespmem:s2+$0x13C20];
	v0 =	vadd.f32 v1, v0  }
0xe7: {  	v1 =	vld [tilespmem:s2+$0x17C20]  }
0xe8: {  	v2 =	vadd.f32 v3, v2;
	[tilespmem:s2+$0xFCF0] =	vst.add.f32.msk $0xffff, v0  }
0xe9: {  	v0 =	vld [tilespmem:s2+$0x13C30]  }
0xea: {  	v3 =	vadd.f32 v5, v4;
	v4 =	vld [tilespmem:s2+$0x17C30]  }
0xeb: {  	v5 =	vld [tilespmem:s2+$0x13C40]  }
0xec: {  	v1 =	vadd.f32 v1, v6;
	v6 =	vld [tilespmem:s2+$0x17C40]  }
0xed: {  	v7 =	vld [tilespmem:s2+$0x13C50]  }
0xee: {  	v8 =	vld [tilespmem:s2+$0x17C50]  }
0xef: {  	v0 =	vadd.f32 v4, v0;
	v4 =	vld [tilespmem:s2+$0x13C60]  }
0xf0: {  	v9 =	vld [tilespmem:s2+$0x17C60]  }
0xf1: {  	v5 =	vadd.f32 v6, v5;
	v6 =	vld [tilespmem:s2+$0x13C70]  }
0xf2: {  	v10 =	vld [tilespmem:s2+$0x17C70]  }
0xf3: {  	v7 =	vadd.f32 v8, v7;
	v8 =	vld [tilespmem:s2+$0x13C80]  }
0xf4: {  	v11 =	vld [tilespmem:s2+$0x17C80]  }
0xf5: {  	v4 =	vadd.f32 v9, v4;
	v9 =	vld [tilespmem:s2+$0x13C90]  }
0xf6: {  	v12 =	vld [tilespmem:s2+$0x17C90]  }
0xf7: {  	v6 =	vadd.f32 v10, v6;
	v10 =	vld [tilespmem:s2+$0x13CA0]  }
0xf8: {  	v13 =	vld [tilespmem:s2+$0x17CA0]  }
0xf9: {  	v8 =	vadd.f32 v11, v8;
	v11 =	vld [tilespmem:s2+$0x13CB0]  }
0xfa: {  	v14 =	vld [tilespmem:s2+$0x17CB0]  }
0xfb: {  	v9 =	vadd.f32 v12, v9;
	v12 =	vld [tilespmem:s2+$0x13CC0]  }
0xfc: {  	v15 =	vld [tilespmem:s2+$0x17CC0]  }
0xfd: {  	v10 =	vadd.f32 v13, v10;
	v13 =	vld [tilespmem:s2+$0x13CD0]  }
0xfe: {  	v16 =	vld [tilespmem:s2+$0x17CD0]  }
0xff: {  	v11 =	vadd.f32 v14, v11;
	v14 =	vld [tilespmem:s2+$0x13CE0]  }
0x100: {  	v17 =	vld [tilespmem:s2+$0x17CE0]  }
0x101: {  	[tilespmem:s2+$0xFC00] =	vst.add.f32.msk $0xffff, v2;
	v2 =	vadd.f32 v15, v12  }
0x102: {  	[tilespmem:s2+$0xFC10] =	vst.add.f32.msk $0xffff, v3  }
0x103: {  	[tilespmem:s2+$0xFC20] =	vst.add.f32.msk $0xffff, v1;
	v1 =	vadd.f32 v16, v13  }
0x104: {  	[tilespmem:s2+$0xFC30] =	vst.add.f32.msk $0xffff, v0  }
0x105: {  	[tilespmem:s2+$0xFC40] =	vst.add.f32.msk $0xffff, v5;
	v0 =	vadd.f32 v17, v14  }
0x106: {  	[tilespmem:s2+$0xFC50] =	vst.add.f32.msk $0xffff, v7  }
0x107: {  	[tilespmem:s2+$0xFC60] =	vst.add.f32.msk $0xffff, v4  }
0x108: {  	[tilespmem:s2+$0xFC70] =	vst.add.f32.msk $0xffff, v6  }
0x109: {  	[tilespmem:s2+$0xFC80] =	vst.add.f32.msk $0xffff, v8  }
.Ltmp1:
0x10a: {  	[tilespmem:s2+$0xFC90] =	vst.add.f32.msk $0xffff, v9;
	(pc) =	sbr.rel @p0 .LBB2_5-.Ltmp1, $4  }
0x10b: {  	[tilespmem:s2+$0xFCA0] =	vst.add.f32.msk $0xffff, v10  }
0x10c: {  	[tilespmem:s2+$0xFCB0] =	vst.add.f32.msk $0xffff, v11  }
0x10d: {  	[tilespmem:s2+$0xFCC0] =	vst.add.f32.msk $0xffff, v2  }
0x10e: {  	s17 =	sadd.s32 $0x400, s17;
	[tilespmem:s2+$0xFCD0] =	vst.add.f32.msk $0xffff, v1  }
0x10f: {  	s30 =	sadd.s32 $0x1, s30  }
0x110: {  	p0 =	sne.s32 s30, $0x14  }
.Ltmp2:
0x111: {  	_ = 	snop;
	(pc) =	sbr.rel @p0 .LBB2_2-.Ltmp2, $4  }
0x112: {  	s0 =	sadd.s32 s8, s31  }
0x113: {  	s0 =	sshrl.u32 s0, $0x3  }
0x114: {  	[tilespmem:s2+$0xFCE0] =	vst.add.f32.msk $0xffff, v0;
	s0 =	sadd.s32 s6, s0  }
0x115: {  	[hbm4b:s0+s5] =	stream.linear.scatter [tilespmem:s19], [sflag:$0x4], $0x4000, $0x38;
	[tilespmem:$0x1BC00] =	vst v63  }
0x116: {  	s29 =	sadd.s32 $0x1, s29  }
0x117: {  	p0 =	sne.s32 s29, s9  }
.Ltmp3:
0x118: {  	_ = 	snop;
	(pc) =	sbr.rel @p0 .LBB2_1-.Ltmp3, $4  }
0x119: {  	_ = 	snop  }
0x11a: {  	_ =	swait.ge [sflag:s28], $0x4000  }
0x11b: {  	[sflag:s28] =	ssyncset.done $0x0  }
0x11c: {  	[sflag:s28] =	ssyncadd.s32 $0xFFFFC000  }
0x11d: {  	_ =	sfence.sel $0x180000  }
0x11e: {  	[bflag:$0x0] =	sbarrier.arrive $0xFFFF  }
0x11f: {  	_ =	strace $0x9000004A  }
0x120: {  	s0 =	stileid.u32;
	[bflag:$0x2] =	sbarrier.arrive $0xFFFF  }
0x121: {  	p0 =	sne.s32 s0, $0x0;
	s0 =	rddreg [dreg:$0x4]  }
0x122: {  	s0 =	sadd.s32 @!p0 $0x100000, s0  }
0x123: {  	[sflag:s0] =	ssyncadd.tile.s32 @!p0 $0x1;
	_ =	shalt  }
.Lfunc_end2:
_tile_overlayer_lowered:
.L_overlay_start_2:
0x124: {  	(tag) =	ssettag $0x2  }
0x125: {  	s0 =	rddreg [dreg:$0x0];
	s2 =	stileid.u32  }
0x126: {  	s1 =	rddreg [dreg:$0x1];
	p0 =	sne.s32 s2, $0x0  }
0x127: {  	s3 =	rddreg [dreg:$0x2];
	[bflag:$0x3] =	sbarrier.arrive $0xFFFF;
	s2 =	simm.s32 @!p0 $0x1C05  }
0x128: {  	[timem:s3], [sflag:s2] =	dma.local @!p0 [hbm:s0], s1  }
0x129: {  	s0 =	simm.s32 @!p0 $0x5  }
0x12a: {  	_ =	swait.ge @!p0 [sflag:s0], s1  }
0x12b: {  	s1 =	ssub.s32 @!p0 $0x0, s1;
	[sflag:s0] =	ssyncset.done @!p0 $0x0  }
0x12c: {  	[sflag:s0] =	ssyncadd.s32 @!p0 s1  }
0x12d: {  	[bflag:$0x3] =	sbarrier.arrive $0xFFFF  }
0x12e: {  	_ =	shalt  }

</sc_bundles>
